<compile_context>
chip_gen: v7x
topology: tpu7x:2x2x1
jax: 0.10.2.dev20260603
libtpu: 0.0.44.dev20260713+nightly
codegen_flags: <defaults>
</compile_context>

<pallas_src>
import functools
import math

import jax
import jax.numpy as jnp
from jax import lax
from jax.experimental import pallas as pl
from jax.experimental.pallas import tpu as pltpu
from jax.experimental.pallas import tpu_sc as plsc

B, L, D, H, TOPK = 2, 2048, 2048, 16, 8
DK = D // H
MT = 512

_HIGH = jax.lax.Precision.HIGHEST


def _head_mean_mat():
    d_iota = jax.lax.broadcasted_iota(jnp.int32, (D, H), 0)
    h_iota = jax.lax.broadcasted_iota(jnp.int32, (D, H), 1)
    return jnp.where(d_iota // DK == h_iota, 1.0 / DK, 0.0).astype(jnp.float32)


def _red_kernel(wq_ref, wk_ref, bq_ref, bk_ref,
                wqh_ref, wkh_ref, bqh_ref, bkh_ref):
    ones = _head_mean_mat()
    wq_bf = wq_ref[...].astype(jnp.bfloat16).astype(jnp.float32)
    wk_bf = wk_ref[...].astype(jnp.bfloat16).astype(jnp.float32)
    wqh_ref[...] = jnp.dot(wq_bf, ones, preferred_element_type=jnp.float32)
    wkh_ref[...] = jnp.dot(wk_bf, ones, preferred_element_type=jnp.float32)
    bqh_ref[...] = jnp.dot(bq_ref[...], ones, precision=_HIGH,
                           preferred_element_type=jnp.float32)
    bkh_ref[...] = jnp.dot(bk_ref[...], ones, precision=_HIGH,
                           preferred_element_type=jnp.float32)


def _means_kernel(q_ref, k_ref, wqh_ref, wkh_ref, bqh_ref, bkh_ref,
                  qm_ref, km_ref):
    def split3_dot(x, w):
        acc = None
        rem = w
        for _ in range(3):
            piece = rem.astype(jnp.bfloat16).astype(jnp.float32)
            rem = rem - piece
            t = jnp.dot(x, piece, preferred_element_type=jnp.float32)
            acc = t if acc is None else acc + t
        return acc

    q = q_ref[0].astype(jnp.bfloat16).astype(jnp.float32)
    k = k_ref[0].astype(jnp.bfloat16).astype(jnp.float32)
    qm_ref[0] = split3_dot(q, wqh_ref[...]) + bqh_ref[...]
    km_ref[0] = split3_dot(k, wkh_ref[...]) + bkh_ref[...]


def _spectrum_kernel(qm_ref, km_ref, c_ref, s_ref, pr_ref, pi_ref):
    qm = qm_ref[...]
    km = km_ref[...]
    C = c_ref[...]
    S = s_ref[...]
    dot = functools.partial(jnp.dot, precision=_HIGH,
                            preferred_element_type=jnp.float32)
    qC = dot(qm, C)
    qS = dot(qm, S)
    kC = dot(km, C)
    kS = dot(km, S)
    pr_ref[...] = qC * kC + qS * kS
    pi_ref[...] = qC * kS - qS * kC


def _idft_kernel(pr_ref, pi_ref, c_ref, s_ref, corr_ref):
    dot = functools.partial(jnp.dot, precision=_HIGH,
                            preferred_element_type=jnp.float32)
    corr_ref[...] = (dot(pr_ref[...], c_ref[...])
                     - dot(pi_ref[...], s_ref[...])) * (1.0 / L)


def _sc_topk_body(corr_hbm, delays_hbm, w_hbm, row_v, scrf, scri, d_v, w_v):
    wid = lax.axis_index("s") * 2 + lax.axis_index("c")
    pltpu.sync_copy(corr_hbm.at[pl.ds(wid * L, L)], row_v)
    lane = lax.iota(jnp.int32, 16)
    neg = jnp.float32(-1e30)

    def rot(scr, x, d):
        scr[pl.ds(0, 16)] = x
        scr[pl.ds(16, 16)] = x
        return scr[pl.ds(d, 16)]

    def allmax(x):
        for d in (8, 4, 2, 1):
            x = jnp.maximum(x, rot(scrf, x, d))
        return x

    def allmin_i(x):
        for d in (8, 4, 2, 1):
            x = jnp.minimum(x, rot(scri, x, d))
        return x

    def allsum(x):
        for d in (8, 4, 2, 1):
            x = x + rot(scrf, x, d)
        return x

    dvec = jnp.zeros((16,), jnp.int32)
    vvec = jnp.full((16,), neg, jnp.float32)
    prev = jnp.full((16,), -1, jnp.int32)
    for j in range(TOPK):
        def chunk_body(i, carry, prev=prev):
            bk, bv = carry
            cv = lane + i * 16
            ck = row_v[pl.ds(i * 16, 16)]
            ck = jnp.where(cv == prev, neg, ck)
            row_v[pl.ds(i * 16, 16)] = ck
            upd = ck > bk
            return (jnp.where(upd, ck, bk), jnp.where(upd, cv, bv))

        bk, bv = lax.fori_loop(
            0, L // 16, chunk_body,
            (jnp.full((16,), neg, jnp.float32), jnp.zeros((16,), jnp.int32)))
        m = allmax(bk)
        pick = allmin_i(jnp.where(bk == m, bv, jnp.int32(L)))
        dvec = jnp.where(lane == j, pick, dvec)
        vvec = jnp.where(lane == j, m, vvec)
        if j == 0:
            vmax0 = m
        prev = pick

    e = jnp.where(lane < TOPK, jnp.exp(vvec - vmax0), 0.0)
    w = e / allsum(e)
    d_v[...] = dvec
    w_v[...] = w
    pltpu.sync_copy(d_v, delays_hbm.at[pl.ds(wid * 16, 16)])
    pltpu.sync_copy(w_v, w_hbm.at[pl.ds(wid * 16, 16)])


def _topk_kernel(corr_ref, delays_ref, w_ref):
    corr = corr_ref[...]
    iota = jax.lax.broadcasted_iota(jnp.int32, corr.shape, 1)
    cur = corr
    vals, idxs = [], []
    for _ in range(TOPK):
        mx = jnp.max(cur, axis=1, keepdims=True)
        idx = jnp.min(jnp.where(cur == mx, iota, L), axis=1, keepdims=True)
        vals.append(mx)
        idxs.append(idx)
        cur = jnp.where(iota == idx, -1e30, cur)
    V = jnp.concatenate(vals, axis=1)
    I = jnp.concatenate(idxs, axis=1)
    e = jnp.exp(V - V[:, 0:1])
    w = e / jnp.sum(e, axis=1, keepdims=True)
    delays_ref[...] = I
    w_ref[...] = w


def _roll_kernel(delays_ref, wts_ref, v_ref, out_ref, v2):
    b = pl.program_id(0)
    h = pl.program_id(1)
    bh = b * H + h
    vblk = v_ref[0]
    v2[0:L, :] = vblk
    v2[L:2 * L, :] = vblk
    acc = jnp.zeros((L, DK), jnp.float32)
    for k in range(TOPK):
        d = delays_ref[bh * TOPK + k]
        w = wts_ref[bh * TOPK + k]
        acc = acc + w * v2[pl.ds(L - d, L), :]
    out_ref[0] = acc


def _proj_kernel(a_ref, w_ref, b_ref, o_ref):
    o_ref[...] = jnp.dot(a_ref[...], w_ref[...],
                         preferred_element_type=jnp.float32) + b_ref[...]


def _proj(x2d, W, bias2d):
    return pl.pallas_call(
        _proj_kernel,
        grid=(B * L // MT,),
        in_specs=[
            pl.BlockSpec((MT, D), lambda m: (m, 0)),
            pl.BlockSpec((D, D), lambda m: (0, 0)),
            pl.BlockSpec((1, D), lambda m: (0, 0)),
        ],
        out_specs=pl.BlockSpec((MT, D), lambda m: (m, 0)),
        out_shape=jax.ShapeDtypeStruct((B * L, D), jnp.float32),
    )(x2d, W, bias2d)


def kernel(queries, keys, values, Wq, bq, Wk, bk, Wv, bv, Wo, bo):
    f32 = jnp.float32
    bq2, bk2 = bq.reshape(1, D), bk.reshape(1, D)

    NF = 1152
    t = jnp.arange(L, dtype=jnp.int32)
    p = (t[:, None] * t[None, :]) % L
    ang = p.astype(f32) * f32(2.0 * math.pi / L)
    Ctab = jnp.cos(ang)
    Stab = jnp.sin(ang)
    fidx = jnp.arange(NF)
    u = jnp.where((fidx == 0) | (fidx == L // 2), 1.0,
                  jnp.where(fidx < L // 2, 2.0, 0.0)).astype(f32)
    Cf = Ctab[:, :NF]
    Sf = Stab[:, :NF]
    Cu = Ctab[:NF, :] * u[:, None]
    Su = Stab[:NF, :] * u[:, None]

    wqh, wkh, bqh, bkh = pl.pallas_call(
        _red_kernel,
        grid=(4,),
        in_specs=[
            pl.BlockSpec((D // 4, D), lambda i: (i, 0)),
            pl.BlockSpec((D // 4, D), lambda i: (i, 0)),
            pl.BlockSpec((1, D), lambda i: (0, 0)),
            pl.BlockSpec((1, D), lambda i: (0, 0)),
        ],
        out_specs=[
            pl.BlockSpec((D // 4, H), lambda i: (i, 0)),
            pl.BlockSpec((D // 4, H), lambda i: (i, 0)),
            pl.BlockSpec((1, H), lambda i: (0, 0)),
            pl.BlockSpec((1, H), lambda i: (0, 0)),
        ],
        out_shape=[
            jax.ShapeDtypeStruct((D, H), f32),
            jax.ShapeDtypeStruct((D, H), f32),
            jax.ShapeDtypeStruct((1, H), f32),
            jax.ShapeDtypeStruct((1, H), f32),
        ],
    )(Wq, Wk, bq2, bk2)

    qm, km = pl.pallas_call(
        _means_kernel,
        grid=(B, L // MT),
        in_specs=[
            pl.BlockSpec((1, MT, D), lambda b, m: (b, m, 0)),
            pl.BlockSpec((1, MT, D), lambda b, m: (b, m, 0)),
            pl.BlockSpec((D, H), lambda b, m: (0, 0)),
            pl.BlockSpec((D, H), lambda b, m: (0, 0)),
            pl.BlockSpec((1, H), lambda b, m: (0, 0)),
            pl.BlockSpec((1, H), lambda b, m: (0, 0)),
        ],
        out_specs=[
            pl.BlockSpec((1, MT, H), lambda b, m: (b, m, 0)),
            pl.BlockSpec((1, MT, H), lambda b, m: (b, m, 0)),
        ],
        out_shape=[
            jax.ShapeDtypeStruct((B, L, H), f32),
            jax.ShapeDtypeStruct((B, L, H), f32),
        ],
    )(queries, keys, wqh, wkh, bqh, bkh)

    qmT = qm.transpose(0, 2, 1).reshape(B * H, L)
    kmT = km.transpose(0, 2, 1).reshape(B * H, L)

    FT = 384
    DT = 512
    pr, pi = pl.pallas_call(
        _spectrum_kernel,
        grid=(NF // FT,),
        in_specs=[
            pl.BlockSpec((B * H, L), lambda i: (0, 0)),
            pl.BlockSpec((B * H, L), lambda i: (0, 0)),
            pl.BlockSpec((L, FT), lambda i: (0, i)),
            pl.BlockSpec((L, FT), lambda i: (0, i)),
        ],
        out_specs=[
            pl.BlockSpec((B * H, FT), lambda i: (0, i)),
            pl.BlockSpec((B * H, FT), lambda i: (0, i)),
        ],
        out_shape=[
            jax.ShapeDtypeStruct((B * H, NF), f32),
            jax.ShapeDtypeStruct((B * H, NF), f32),
        ],
    )(qmT, kmT, Cf, Sf)

    corr = pl.pallas_call(
        _idft_kernel,
        grid=(L // DT,),
        in_specs=[
            pl.BlockSpec((B * H, NF), lambda i: (0, 0)),
            pl.BlockSpec((B * H, NF), lambda i: (0, 0)),
            pl.BlockSpec((NF, DT), lambda i: (0, i)),
            pl.BlockSpec((NF, DT), lambda i: (0, i)),
        ],
        out_specs=pl.BlockSpec((B * H, DT), lambda i: (0, i)),
        out_shape=jax.ShapeDtypeStruct((B * H, L), f32),
    )(pr, pi, Cu, Su)

    sc_topk = pl.kernel(
        _sc_topk_body,
        out_type=[
            jax.ShapeDtypeStruct((B * H * 16,), jnp.int32),
            jax.ShapeDtypeStruct((B * H * 16,), f32),
        ],
        mesh=plsc.VectorSubcoreMesh(core_axis_name="c", subcore_axis_name="s"),
        scratch_types=[
            pltpu.VMEM((L,), f32),
            pltpu.VMEM((32,), f32),
            pltpu.VMEM((32,), jnp.int32),
            pltpu.VMEM((16,), jnp.int32),
            pltpu.VMEM((16,), f32),
        ],
    )
    d16, w16 = sc_topk(corr.reshape(-1))
    delays = d16.reshape(B * H, 16)[:, :TOPK]
    wts = w16.reshape(B * H, 16)[:, :TOPK]

    v = _proj(values.reshape(B * L, D), Wv, bv.reshape(1, D)).reshape(B, L, D)

    ctx = pl.pallas_call(
        _roll_kernel,
        grid=(B, H),
        in_specs=[
            pl.BlockSpec(memory_space=pltpu.SMEM),
            pl.BlockSpec(memory_space=pltpu.SMEM),
            pl.BlockSpec((1, L, DK), lambda b, h: (b, 0, h)),
        ],
        out_specs=pl.BlockSpec((1, L, DK), lambda b, h: (b, 0, h)),
        out_shape=jax.ShapeDtypeStruct((B, L, D), f32),
        scratch_shapes=[pltpu.VMEM((2 * L, DK), f32)],
    )(delays.reshape(-1), wts.reshape(-1), v)

    out = _proj(ctx.reshape(B * L, D), Wo, bo.reshape(1, D))
    return out.reshape(B, L, D)

# --- scband reference (transcript-rebuilt; emitter-appended) ---
"""Pipeline reference for scband-auto-correlation-40810779246670 (READ-ONLY COPY).

The authoritative reference and input builder live on the scoring server;
editing this copy changes nothing except your own understanding.
"""

import jax, jax.numpy as jnp
import numpy as np

B, L, D, H, TOPK = 2, 2048, 2048, 16, 8
DK = D // H

def setup_inputs(seed: int = 0) -> dict:
    key = jax.random.key(seed)
    ks = jax.random.split(key, 8)
    scale = 1.0 / np.sqrt(D)
    return {
        "queries": jax.random.normal(ks[0], (B, L, D), dtype=jnp.float32),
        "keys": jax.random.normal(ks[1], (B, L, D), dtype=jnp.float32),
        "values": jax.random.normal(ks[2], (B, L, D), dtype=jnp.float32),
        "Wq": jax.random.normal(ks[3], (D, D), dtype=jnp.float32) * scale,
        "bq": jnp.zeros((D,), dtype=jnp.float32),
        "Wk": jax.random.normal(ks[4], (D, D), dtype=jnp.float32) * scale,
        "bk": jnp.zeros((D,), dtype=jnp.float32),
        "Wv": jax.random.normal(ks[5], (D, D), dtype=jnp.float32) * scale,
        "bv": jnp.zeros((D,), dtype=jnp.float32),
        "Wo": jax.random.normal(ks[6], (D, D), dtype=jnp.float32) * scale,
        "bo": jnp.zeros((D,), dtype=jnp.float32),
    }

def reference(queries, keys, values, Wq, bq, Wk, bk, Wv, bv, Wo, bo):
    # QKV projections and head split: [B, H, L, DK]
    q = (queries @ Wq + bq).reshape(B, L, H, DK).transpose(0, 2, 1, 3)
    k = (keys @ Wk + bk).reshape(B, L, H, DK).transpose(0, 2, 1, 3)
    v = (values @ Wv + bv).reshape(B, L, H, DK).transpose(0, 2, 1, 3)
    # Mean over channel dim per head: [B, H, L]
    q_mean = q.mean(axis=-1)
    k_mean = k.mean(axis=-1)
    # Auto-correlation via FFT
    q_fft = jax.lax.fft(q_mean.astype(jnp.float32), jax.lax.FftType.RFFT, fft_lengths=(L,))
    k_fft = jax.lax.fft(k_mean.astype(jnp.float32), jax.lax.FftType.RFFT, fft_lengths=(L,))
    corr = jax.lax.fft(q_fft * jnp.conj(k_fft), jax.lax.FftType.IRFFT, fft_lengths=(L,))  # [B, H, L]
    # Top-k delays + softmax weights
    w, delays = jax.lax.top_k(corr, TOPK)  # [B, H, TOPK]
    w = jax.nn.softmax(w, axis=-1)
    # torch.roll(values[b], shifts=delay, dims=0): out[i] = v[(i - delay) % L]
    pos = jnp.arange(L)
    idx = (pos[None, None, None, :] - delays[..., None]) % L  # [B, H, TOPK, L]
    rolled = jnp.take_along_axis(v[:, :, None, :, :], idx[..., None], axis=3)  # [B, H, TOPK, L, DK]
    out = (w[..., None, None] * rolled).sum(axis=2)  # [B, H, L, DK]
    out = out.transpose(0, 2, 1, 3).reshape(B, L, D)
    out = out @ Wo + bo  # dropout p=0.0 -> identity
    return out

if __name__ == "__main__":
    import jax
    _d = setup_inputs()
    print(jax.jit(kernel)(*tuple(_d.values())))

</pallas_src>

<mosaic_0001>
#map = affine_map<(d0, d1) -> (0)>
module attributes {stable_mosaic.version = 14 : i64} {
  func.func @_sc_topk_body(%arg0: i32, %arg1: i32, %arg2: memref<65536xf32, #tpu.memory_space<hbm>>, %arg3: memref<512xi32, #tpu.memory_space<hbm>>, %arg4: memref<512xf32, #tpu.memory_space<hbm>>, %arg5: memref<2048xf32, #tpu.memory_space<vmem>>, %arg6: memref<32xf32, #tpu.memory_space<vmem>>, %arg7: memref<32xi32, #tpu.memory_space<vmem>>, %arg8: memref<16xi32, #tpu.memory_space<vmem>>, %arg9: memref<16xf32, #tpu.memory_space<vmem>>) attributes {dimension_semantics = [#tpu.dimension_semantics<core_parallel>, #tpu.dimension_semantics<subcore_parallel>], iteration_bounds = array<i64: 2, 16>, scalar_prefetch = 0 : i64, scratch_operands = 5 : i64, tpu.core_type = #tpu.core_type<sc_vector_subcore>, window_params = [{transform_indices = #map}, {transform_indices = #map}, {transform_indices = #map}]} {
    %mul3A = arith.constant 2 : i32
    %mul3A_0 = arith.muli %arg1, %mul3A : i32
    %add3A = arith.addi %mul3A_0, %arg0 : i32
    %mul3A_1 = arith.constant 2048 : i32
    %mul3A_2 = arith.muli %add3A, %mul3A_1 : i32
    "tpu.region"() ({
      %run_scoped3A = tpu.sem_alloc : memref<!tpu.dma_semaphore, #tpu.memory_space<semaphore_mem>>
      %dma_start3A = tpu.memref_slice %arg2[%mul3A_2] : memref<65536xf32, #tpu.memory_space<hbm>> -> memref<2048xf32, #tpu.memory_space<hbm>>
      %dma_start3A_1017 = tpu.memref_slice %arg2[%mul3A_2] : memref<65536xf32, #tpu.memory_space<hbm>> -> memref<2048xf32, #tpu.memory_space<hbm>>
      tpu.enqueue_dma source(%dma_start3A_1017 : memref<2048xf32, #tpu.memory_space<hbm>>) target(%arg5 : memref<2048xf32, #tpu.memory_space<vmem>>) target_semaphore(%run_scoped3A : memref<!tpu.dma_semaphore, #tpu.memory_space<semaphore_mem>>)
      %dma_wait3A = tpu.memref_slice %arg2[%mul3A_2] : memref<65536xf32, #tpu.memory_space<hbm>> -> memref<2048xf32, #tpu.memory_space<hbm>>
      %dma_wait3A_1018 = tpu.memref_slice %arg2[%mul3A_2] : memref<65536xf32, #tpu.memory_space<hbm>> -> memref<2048xf32, #tpu.memory_space<hbm>>
      tpu.wait_dma2 semaphore(%run_scoped3A : memref<!tpu.dma_semaphore, #tpu.memory_space<semaphore_mem>>) src(%dma_wait3A_1018 : memref<2048xf32, #tpu.memory_space<hbm>>) dst(%arg5 : memref<2048xf32, #tpu.memory_space<vmem>>)
      tpu.yield
    }) : () -> ()
    %iota3A = tpu.iota {dimensions = array<i32: 0>} : vector<16xi32>
    %broadcast_in_dim3A = arith.constant 0 : i32
    %broadcast_in_dim3A_3 = vector.broadcast %broadcast_in_dim3A : i32 to vector<16xi32>
    %broadcast_in_dim3A_4 = arith.constant -1.000000e+30 : f32
    %broadcast_in_dim3A_5 = vector.broadcast %broadcast_in_dim3A_4 : f32 to vector<16xf32>
    %broadcast_in_dim3A_6 = arith.constant -1 : i32
    %broadcast_in_dim3A_7 = vector.broadcast %broadcast_in_dim3A_6 : i32 to vector<16xi32>
    %broadcast_in_dim3A_8 = arith.constant -1.000000e+30 : f32
    %broadcast_in_dim3A_9 = vector.broadcast %broadcast_in_dim3A_8 : f32 to vector<16xf32>
    %broadcast_in_dim3A_10 = arith.constant 0 : i32
    %broadcast_in_dim3A_11 = vector.broadcast %broadcast_in_dim3A_10 : i32 to vector<16xi32>
    %scan3A = arith.constant -1.000000e+30 : f32
    %scan3A_12 = arith.constant 0 : i32
    %scan3A_13 = arith.constant 128 : i32
    %scan3A_14 = arith.addi %scan3A_12, %scan3A_13 : i32
    %scan3A_15 = arith.constant 1 : i32
    %scan3A_16:2 = scf.for %scan3A_1017 = %scan3A_12 to %scan3A_14 step %scan3A_15 iter_args(%scan3A_1018 = %broadcast_in_dim3A_9, %scan3A_1019 = %broadcast_in_dim3A_11) -> (vector<16xf32>, vector<16xi32>)  : i32 {
      %mul3A_1020 = arith.constant 16 : i32
      %mul3A_1021 = arith.muli %scan3A_1017, %mul3A_1020 : i32
      %add3A_1022 = vector.broadcast %mul3A_1021 : i32 to vector<16xi32>
      %add3A_1023 = arith.addi %iota3A, %add3A_1022 : vector<16xi32>
      %mul3A_1024 = arith.constant 16 : i32
      %mul3A_1025 = arith.muli %scan3A_1017, %mul3A_1024 : i32
      %get3A_1026 = arith.index_cast %mul3A_1025 : i32 to index
      %get3A_1027 = tpu.vector_load %arg5[%get3A_1026] {strides = array<i32>} : memref<2048xf32, #tpu.memory_space<vmem>>, vector<16xf32>,
      %get3A_1028 = vector.shape_cast %get3A_1027 : vector<16xf32> to vector<16xf32>
      %eq3A_1029 = arith.cmpi eq, %add3A_1023, %broadcast_in_dim3A_7 : vector<16xi32>
      %broadcast_in_dim3A_1030 = vector.broadcast %scan3A : f32 to vector<16xf32>
      %select_n3A_1031 = arith.select %eq3A_1029, %broadcast_in_dim3A_1030, %get3A_1028 : vector<16xi1>, vector<16xf32>
      %mul3A_1032 = arith.constant 16 : i32
      %mul3A_1033 = arith.muli %scan3A_1017, %mul3A_1032 : i32
      %swap3A_1034 = arith.index_cast %mul3A_1033 : i32 to index
      %swap3A_1035 = tpu.vector_load %arg5[%swap3A_1034] {strides = array<i32>} : memref<2048xf32, #tpu.memory_space<vmem>>, vector<16xf32>,
      %swap3A_1036 = vector.shape_cast %swap3A_1035 : vector<16xf32> to vector<16xf32>
      %swap3A_1037 = vector.shape_cast %select_n3A_1031 : vector<16xf32> to vector<16xf32>
      tpu.vector_store %arg5[%swap3A_1034], %swap3A_1037 {strides = array<i32>} : memref<2048xf32, #tpu.memory_space<vmem>>, vector<16xf32>,
      %gt3A = arith.cmpf ogt, %select_n3A_1031, %scan3A_1018 : vector<16xf32>
      %select_n3A_1038 = arith.select %gt3A, %select_n3A_1031, %scan3A_1018 : vector<16xi1>, vector<16xf32>
      %select_n3A_1039 = arith.select %gt3A, %add3A_1023, %scan3A_1019 : vector<16xi1>, vector<16xi32>
      scf.yield %select_n3A_1038, %select_n3A_1039 : vector<16xf32>, vector<16xi32>
    }
    %scan3A_17 = arith.constant 128 : i32
    %swap3A = arith.constant 0 : index
    %swap3A_18 = tpu.vector_load %arg6[%swap3A] {strides = array<i32>} : memref<32xf32, #tpu.memory_space<vmem>>, vector<16xf32>,
    %swap3A_19 = vector.shape_cast %swap3A_18 : vector<16xf32> to vector<16xf32>
    %swap3A_20 = vector.shape_cast %scan3A_16#0 : vector<16xf32> to vector<16xf32>
    tpu.vector_store %arg6[%swap3A], %swap3A_20 {strides = array<i32>} : memref<32xf32, #tpu.memory_space<vmem>>, vector<16xf32>,
    %swap3A_21 = arith.constant 16 : index
    %swap3A_22 = tpu.vector_load %arg6[%swap3A_21] {strides = array<i32>} : memref<32xf32, #tpu.memory_space<vmem>>, vector<16xf32>,
    %swap3A_23 = vector.shape_cast %swap3A_22 : vector<16xf32> to vector<16xf32>
    %swap3A_24 = vector.shape_cast %scan3A_16#0 : vector<16xf32> to vector<16xf32>
    tpu.vector_store %arg6[%swap3A_21], %swap3A_24 {strides = array<i32>} : memref<32xf32, #tpu.memory_space<vmem>>, vector<16xf32>,
    %get3A = arith.constant 8 : index
    %get3A_25 = tpu.vector_load %arg6[%get3A] {strides = array<i32>} : memref<32xf32, #tpu.memory_space<vmem>>, vector<16xf32>,
    %get3A_26 = vector.shape_cast %get3A_25 : vector<16xf32> to vector<16xf32>
    %max3A = arith.maximumf %scan3A_16#0, %get3A_26 : vector<16xf32>
    %swap3A_27 = arith.constant 0 : index
    %swap3A_28 = tpu.vector_load %arg6[%swap3A_27] {strides = array<i32>} : memref<32xf32, #tpu.memory_space<vmem>>, vector<16xf32>,
    %swap3A_29 = vector.shape_cast %swap3A_28 : vector<16xf32> to vector<16xf32>
    %swap3A_30 = vector.shape_cast %max3A : vector<16xf32> to vector<16xf32>
    tpu.vector_store %arg6[%swap3A_27], %swap3A_30 {strides = array<i32>} : memref<32xf32, #tpu.memory_space<vmem>>, vector<16xf32>,
    %swap3A_31 = arith.constant 16 : index
    %swap3A_32 = tpu.vector_load %arg6[%swap3A_31] {strides = array<i32>} : memref<32xf32, #tpu.memory_space<vmem>>, vector<16xf32>,
    %swap3A_33 = vector.shape_cast %swap3A_32 : vector<16xf32> to vector<16xf32>
    %swap3A_34 = vector.shape_cast %max3A : vector<16xf32> to vector<16xf32>
    tpu.vector_store %arg6[%swap3A_31], %swap3A_34 {strides = array<i32>} : memref<32xf32, #tpu.memory_space<vmem>>, vector<16xf32>,
    %get3A_35 = arith.constant 4 : index
    %get3A_36 = tpu.vector_load %arg6[%get3A_35] {strides = array<i32>} : memref<32xf32, #tpu.memory_space<vmem>>, vector<16xf32>,
    %get3A_37 = vector.shape_cast %get3A_36 : vector<16xf32> to vector<16xf32>
    %max3A_38 = arith.maximumf %max3A, %get3A_37 : vector<16xf32>
    %swap3A_39 = arith.constant 0 : index
    %swap3A_40 = tpu.vector_load %arg6[%swap3A_39] {strides = array<i32>} : memref<32xf32, #tpu.memory_space<vmem>>, vector<16xf32>,
    %swap3A_41 = vector.shape_cast %swap3A_40 : vector<16xf32> to vector<16xf32>
    %swap3A_42 = vector.shape_cast %max3A_38 : vector<16xf32> to vector<16xf32>
    tpu.vector_store %arg6[%swap3A_39], %swap3A_42 {strides = array<i32>} : memref<32xf32, #tpu.memory_space<vmem>>, vector<16xf32>,
    %swap3A_43 = arith.constant 16 : index
    %swap3A_44 = tpu.vector_load %arg6[%swap3A_43] {strides = array<i32>} : memref<32xf32, #tpu.memory_space<vmem>>, vector<16xf32>,
    %swap3A_45 = vector.shape_cast %swap3A_44 : vector<16xf32> to vector<16xf32>
    %swap3A_46 = vector.shape_cast %max3A_38 : vector<16xf32> to vector<16xf32>
    tpu.vector_store %arg6[%swap3A_43], %swap3A_46 {strides = array<i32>} : memref<32xf32, #tpu.memory_space<vmem>>, vector<16xf32>,
    %get3A_47 = arith.constant 2 : index
    %get3A_48 = tpu.vector_load %arg6[%get3A_47] {strides = array<i32>} : memref<32xf32, #tpu.memory_space<vmem>>, vector<16xf32>,
    %get3A_49 = vector.shape_cast %get3A_48 : vector<16xf32> to vector<16xf32>
    %max3A_50 = arith.maximumf %max3A_38, %get3A_49 : vector<16xf32>
    %swap3A_51 = arith.constant 0 : index
    %swap3A_52 = tpu.vector_load %arg6[%swap3A_51] {strides = array<i32>} : memref<32xf32, #tpu.memory_space<vmem>>, vector<16xf32>,
    %swap3A_53 = vector.shape_cast %swap3A_52 : vector<16xf32> to vector<16xf32>
    %swap3A_54 = vector.shape_cast %max3A_50 : vector<16xf32> to vector<16xf32>
    tpu.vector_store %arg6[%swap3A_51], %swap3A_54 {strides = array<i32>} : memref<32xf32, #tpu.memory_space<vmem>>, vector<16xf32>,
    %swap3A_55 = arith.constant 16 : index
    %swap3A_56 = tpu.vector_load %arg6[%swap3A_55] {strides = array<i32>} : memref<32xf32, #tpu.memory_space<vmem>>, vector<16xf32>,
    %swap3A_57 = vector.shape_cast %swap3A_56 : vector<16xf32> to vector<16xf32>
    %swap3A_58 = vector.shape_cast %max3A_50 : vector<16xf32> to vector<16xf32>
    tpu.vector_store %arg6[%swap3A_55], %swap3A_58 {strides = array<i32>} : memref<32xf32, #tpu.memory_space<vmem>>, vector<16xf32>,
    %get3A_59 = arith.constant 1 : index
    %get3A_60 = tpu.vector_load %arg6[%get3A_59] {strides = array<i32>} : memref<32xf32, #tpu.memory_space<vmem>>, vector<16xf32>,
    %get3A_61 = vector.shape_cast %get3A_60 : vector<16xf32> to vector<16xf32>
    %max3A_62 = arith.maximumf %max3A_50, %get3A_61 : vector<16xf32>
    %eq3A = arith.cmpf oeq, %scan3A_16#0, %max3A_62 : vector<16xf32>
    %jit3A = arith.constant 2048 : i32
    %broadcast_in_dim3A_63 = vector.broadcast %jit3A : i32 to vector<16xi32>
    %select_n3A = arith.select %eq3A, %scan3A_16#1, %broadcast_in_dim3A_63 : vector<16xi1>, vector<16xi32>
    %swap3A_64 = arith.constant 0 : index
    %swap3A_65 = tpu.vector_load %arg7[%swap3A_64] {strides = array<i32>} : memref<32xi32, #tpu.memory_space<vmem>>, vector<16xi32>,
    %swap3A_66 = vector.shape_cast %swap3A_65 : vector<16xi32> to vector<16xi32>
    %swap3A_67 = vector.shape_cast %select_n3A : vector<16xi32> to vector<16xi32>
    tpu.vector_store %arg7[%swap3A_64], %swap3A_67 {strides = array<i32>} : memref<32xi32, #tpu.memory_space<vmem>>, vector<16xi32>,
    %swap3A_68 = arith.constant 16 : index
    %swap3A_69 = tpu.vector_load %arg7[%swap3A_68] {strides = array<i32>} : memref<32xi32, #tpu.memory_space<vmem>>, vector<16xi32>,
    %swap3A_70 = vector.shape_cast %swap3A_69 : vector<16xi32> to vector<16xi32>
    %swap3A_71 = vector.shape_cast %select_n3A : vector<16xi32> to vector<16xi32>
    tpu.vector_store %arg7[%swap3A_68], %swap3A_71 {strides = array<i32>} : memref<32xi32, #tpu.memory_space<vmem>>, vector<16xi32>,
    %get3A_72 = arith.constant 8 : index
    %get3A_73 = tpu.vector_load %arg7[%get3A_72] {strides = array<i32>} : memref<32xi32, #tpu.memory_space<vmem>>, vector<16xi32>,
    %get3A_74 = vector.shape_cast %get3A_73 : vector<16xi32> to vector<16xi32>
    %min3A = arith.minsi %select_n3A, %get3A_74 : vector<16xi32>
    %swap3A_75 = arith.constant 0 : index
    %swap3A_76 = tpu.vector_load %arg7[%swap3A_75] {strides = array<i32>} : memref<32xi32, #tpu.memory_space<vmem>>, vector<16xi32>,
    %swap3A_77 = vector.shape_cast %swap3A_76 : vector<16xi32> to vector<16xi32>
    %swap3A_78 = vector.shape_cast %min3A : vector<16xi32> to vector<16xi32>
    tpu.vector_store %arg7[%swap3A_75], %swap3A_78 {strides = array<i32>} : memref<32xi32, #tpu.memory_space<vmem>>, vector<16xi32>,
    %swap3A_79 = arith.constant 16 : index
    %swap3A_80 = tpu.vector_load %arg7[%swap3A_79] {strides = array<i32>} : memref<32xi32, #tpu.memory_space<vmem>>, vector<16xi32>,
    %swap3A_81 = vector.shape_cast %swap3A_80 : vector<16xi32> to vector<16xi32>
    %swap3A_82 = vector.shape_cast %min3A : vector<16xi32> to vector<16xi32>
    tpu.vector_store %arg7[%swap3A_79], %swap3A_82 {strides = array<i32>} : memref<32xi32, #tpu.memory_space<vmem>>, vector<16xi32>,
    %get3A_83 = arith.constant 4 : index
    %get3A_84 = tpu.vector_load %arg7[%get3A_83] {strides = array<i32>} : memref<32xi32, #tpu.memory_space<vmem>>, vector<16xi32>,
    %get3A_85 = vector.shape_cast %get3A_84 : vector<16xi32> to vector<16xi32>
    %min3A_86 = arith.minsi %min3A, %get3A_85 : vector<16xi32>
    %swap3A_87 = arith.constant 0 : index
    %swap3A_88 = tpu.vector_load %arg7[%swap3A_87] {strides = array<i32>} : memref<32xi32, #tpu.memory_space<vmem>>, vector<16xi32>,
    %swap3A_89 = vector.shape_cast %swap3A_88 : vector<16xi32> to vector<16xi32>
    %swap3A_90 = vector.shape_cast %min3A_86 : vector<16xi32> to vector<16xi32>
    tpu.vector_store %arg7[%swap3A_87], %swap3A_90 {strides = array<i32>} : memref<32xi32, #tpu.memory_space<vmem>>, vector<16xi32>,
    %swap3A_91 = arith.constant 16 : index
    %swap3A_92 = tpu.vector_load %arg7[%swap3A_91] {strides = array<i32>} : memref<32xi32, #tpu.memory_space<vmem>>, vector<16xi32>,
    %swap3A_93 = vector.shape_cast %swap3A_92 : vector<16xi32> to vector<16xi32>
    %swap3A_94 = vector.shape_cast %min3A_86 : vector<16xi32> to vector<16xi32>
    tpu.vector_store %arg7[%swap3A_91], %swap3A_94 {strides = array<i32>} : memref<32xi32, #tpu.memory_space<vmem>>, vector<16xi32>,
    %get3A_95 = arith.constant 2 : index
    %get3A_96 = tpu.vector_load %arg7[%get3A_95] {strides = array<i32>} : memref<32xi32, #tpu.memory_space<vmem>>, vector<16xi32>,
    %get3A_97 = vector.shape_cast %get3A_96 : vector<16xi32> to vector<16xi32>
    %min3A_98 = arith.minsi %min3A_86, %get3A_97 : vector<16xi32>
    %swap3A_99 = arith.constant 0 : index
    %swap3A_100 = tpu.vector_load %arg7[%swap3A_99] {strides = array<i32>} : memref<32xi32, #tpu.memory_space<vmem>>, vector<16xi32>,
    %swap3A_101 = vector.shape_cast %swap3A_100 : vector<16xi32> to vector<16xi32>
    %swap3A_102 = vector.shape_cast %min3A_98 : vector<16xi32> to vector<16xi32>
    tpu.vector_store %arg7[%swap3A_99], %swap3A_102 {strides = array<i32>} : memref<32xi32, #tpu.memory_space<vmem>>, vector<16xi32>,
    %swap3A_103 = arith.constant 16 : index
    %swap3A_104 = tpu.vector_load %arg7[%swap3A_103] {strides = array<i32>} : memref<32xi32, #tpu.memory_space<vmem>>, vector<16xi32>,
    %swap3A_105 = vector.shape_cast %swap3A_104 : vector<16xi32> to vector<16xi32>
    %swap3A_106 = vector.shape_cast %min3A_98 : vector<16xi32> to vector<16xi32>
    tpu.vector_store %arg7[%swap3A_103], %swap3A_106 {strides = array<i32>} : memref<32xi32, #tpu.memory_space<vmem>>, vector<16xi32>,
    %get3A_107 = arith.constant 1 : index
    %get3A_108 = tpu.vector_load %arg7[%get3A_107] {strides = array<i32>} : memref<32xi32, #tpu.memory_space<vmem>>, vector<16xi32>,
    %get3A_109 = vector.shape_cast %get3A_108 : vector<16xi32> to vector<16xi32>
    %min3A_110 = arith.minsi %min3A_98, %get3A_109 : vector<16xi32>
    %eq3A_111 = arith.constant 0 : i32
    %eq3A_112 = vector.broadcast %eq3A_111 : i32 to vector<16xi32>
    %eq3A_113 = arith.cmpi eq, %iota3A, %eq3A_112 : vector<16xi32>
    %select_n3A_114 = arith.select %eq3A_113, %min3A_110, %broadcast_in_dim3A_3 : vector<16xi1>, vector<16xi32>
    %eq3A_115 = arith.constant 0 : i32
    %eq3A_116 = vector.broadcast %eq3A_115 : i32 to vector<16xi32>
    %eq3A_117 = arith.cmpi eq, %iota3A, %eq3A_116 : vector<16xi32>
    %select_n3A_118 = arith.select %eq3A_117, %max3A_62, %broadcast_in_dim3A_5 : vector<16xi1>, vector<16xf32>
    %broadcast_in_dim3A_119 = arith.constant -1.000000e+30 : f32
    %broadcast_in_dim3A_120 = vector.broadcast %broadcast_in_dim3A_119 : f32 to vector<16xf32>
    %broadcast_in_dim3A_121 = arith.constant 0 : i32
    %broadcast_in_dim3A_122 = vector.broadcast %broadcast_in_dim3A_121 : i32 to vector<16xi32>
    %scan3A_123 = arith.constant -1.000000e+30 : f32
    %scan3A_124 = arith.constant 0 : i32
    %scan3A_125 = arith.constant 128 : i32
    %scan3A_126 = arith.addi %scan3A_124, %scan3A_125 : i32
    %scan3A_127 = arith.constant 1 : i32
    %scan3A_128:2 = scf.for %scan3A_1017 = %scan3A_124 to %scan3A_126 step %scan3A_127 iter_args(%scan3A_1018 = %broadcast_in_dim3A_120, %scan3A_1019 = %broadcast_in_dim3A_122) -> (vector<16xf32>, vector<16xi32>)  : i32 {
      %mul3A_1020 = arith.constant 16 : i32
      %mul3A_1021 = arith.muli %scan3A_1017, %mul3A_1020 : i32
      %add3A_1022 = vector.broadcast %mul3A_1021 : i32 to vector<16xi32>
      %add3A_1023 = arith.addi %iota3A, %add3A_1022 : vector<16xi32>
      %mul3A_1024 = arith.constant 16 : i32
      %mul3A_1025 = arith.muli %scan3A_1017, %mul3A_1024 : i32
      %get3A_1026 = arith.index_cast %mul3A_1025 : i32 to index
      %get3A_1027 = tpu.vector_load %arg5[%get3A_1026] {strides = array<i32>} : memref<2048xf32, #tpu.memory_space<vmem>>, vector<16xf32>,
      %get3A_1028 = vector.shape_cast %get3A_1027 : vector<16xf32> to vector<16xf32>
      %eq3A_1029 = arith.cmpi eq, %add3A_1023, %min3A_110 : vector<16xi32>
      %broadcast_in_dim3A_1030 = vector.broadcast %scan3A_123 : f32 to vector<16xf32>
      %select_n3A_1031 = arith.select %eq3A_1029, %broadcast_in_dim3A_1030, %get3A_1028 : vector<16xi1>, vector<16xf32>
      %mul3A_1032 = arith.constant 16 : i32
      %mul3A_1033 = arith.muli %scan3A_1017, %mul3A_1032 : i32
      %swap3A_1034 = arith.index_cast %mul3A_1033 : i32 to index
      %swap3A_1035 = tpu.vector_load %arg5[%swap3A_1034] {strides = array<i32>} : memref<2048xf32, #tpu.memory_space<vmem>>, vector<16xf32>,
      %swap3A_1036 = vector.shape_cast %swap3A_1035 : vector<16xf32> to vector<16xf32>
      %swap3A_1037 = vector.shape_cast %select_n3A_1031 : vector<16xf32> to vector<16xf32>
      tpu.vector_store %arg5[%swap3A_1034], %swap3A_1037 {strides = array<i32>} : memref<2048xf32, #tpu.memory_space<vmem>>, vector<16xf32>,
      %gt3A = arith.cmpf ogt, %select_n3A_1031, %scan3A_1018 : vector<16xf32>
      %select_n3A_1038 = arith.select %gt3A, %select_n3A_1031, %scan3A_1018 : vector<16xi1>, vector<16xf32>
      %select_n3A_1039 = arith.select %gt3A, %add3A_1023, %scan3A_1019 : vector<16xi1>, vector<16xi32>
      scf.yield %select_n3A_1038, %select_n3A_1039 : vector<16xf32>, vector<16xi32>
    }
    %scan3A_129 = arith.constant 128 : i32
    %swap3A_130 = arith.constant 0 : index
    %swap3A_131 = tpu.vector_load %arg6[%swap3A_130] {strides = array<i32>} : memref<32xf32, #tpu.memory_space<vmem>>, vector<16xf32>,
    %swap3A_132 = vector.shape_cast %swap3A_131 : vector<16xf32> to vector<16xf32>
    %swap3A_133 = vector.shape_cast %scan3A_128#0 : vector<16xf32> to vector<16xf32>
    tpu.vector_store %arg6[%swap3A_130], %swap3A_133 {strides = array<i32>} : memref<32xf32, #tpu.memory_space<vmem>>, vector<16xf32>,
    %swap3A_134 = arith.constant 16 : index
    %swap3A_135 = tpu.vector_load %arg6[%swap3A_134] {strides = array<i32>} : memref<32xf32, #tpu.memory_space<vmem>>, vector<16xf32>,
    %swap3A_136 = vector.shape_cast %swap3A_135 : vector<16xf32> to vector<16xf32>
    %swap3A_137 = vector.shape_cast %scan3A_128#0 : vector<16xf32> to vector<16xf32>
    tpu.vector_store %arg6[%swap3A_134], %swap3A_137 {strides = array<i32>} : memref<32xf32, #tpu.memory_space<vmem>>, vector<16xf32>,
    %get3A_138 = arith.constant 8 : index
    %get3A_139 = tpu.vector_load %arg6[%get3A_138] {strides = array<i32>} : memref<32xf32, #tpu.memory_space<vmem>>, vector<16xf32>,
    %get3A_140 = vector.shape_cast %get3A_139 : vector<16xf32> to vector<16xf32>
    %max3A_141 = arith.maximumf %scan3A_128#0, %get3A_140 : vector<16xf32>
    %swap3A_142 = arith.constant 0 : index
    %swap3A_143 = tpu.vector_load %arg6[%swap3A_142] {strides = array<i32>} : memref<32xf32, #tpu.memory_space<vmem>>, vector<16xf32>,
    %swap3A_144 = vector.shape_cast %swap3A_143 : vector<16xf32> to vector<16xf32>
    %swap3A_145 = vector.shape_cast %max3A_141 : vector<16xf32> to vector<16xf32>
    tpu.vector_store %arg6[%swap3A_142], %swap3A_145 {strides = array<i32>} : memref<32xf32, #tpu.memory_space<vmem>>, vector<16xf32>,
    %swap3A_146 = arith.constant 16 : index
    %swap3A_147 = tpu.vector_load %arg6[%swap3A_146] {strides = array<i32>} : memref<32xf32, #tpu.memory_space<vmem>>, vector<16xf32>,
    %swap3A_148 = vector.shape_cast %swap3A_147 : vector<16xf32> to vector<16xf32>
    %swap3A_149 = vector.shape_cast %max3A_141 : vector<16xf32> to vector<16xf32>
    tpu.vector_store %arg6[%swap3A_146], %swap3A_149 {strides = array<i32>} : memref<32xf32, #tpu.memory_space<vmem>>, vector<16xf32>,
    %get3A_150 = arith.constant 4 : index
    %get3A_151 = tpu.vector_load %arg6[%get3A_150] {strides = array<i32>} : memref<32xf32, #tpu.memory_space<vmem>>, vector<16xf32>,
    %get3A_152 = vector.shape_cast %get3A_151 : vector<16xf32> to vector<16xf32>
    %max3A_153 = arith.maximumf %max3A_141, %get3A_152 : vector<16xf32>
    %swap3A_154 = arith.constant 0 : index
    %swap3A_155 = tpu.vector_load %arg6[%swap3A_154] {strides = array<i32>} : memref<32xf32, #tpu.memory_space<vmem>>, vector<16xf32>,
    %swap3A_156 = vector.shape_cast %swap3A_155 : vector<16xf32> to vector<16xf32>
    %swap3A_157 = vector.shape_cast %max3A_153 : vector<16xf32> to vector<16xf32>
    tpu.vector_store %arg6[%swap3A_154], %swap3A_157 {strides = array<i32>} : memref<32xf32, #tpu.memory_space<vmem>>, vector<16xf32>,
    %swap3A_158 = arith.constant 16 : index
    %swap3A_159 = tpu.vector_load %arg6[%swap3A_158] {strides = array<i32>} : memref<32xf32, #tpu.memory_space<vmem>>, vector<16xf32>,
    %swap3A_160 = vector.shape_cast %swap3A_159 : vector<16xf32> to vector<16xf32>
    %swap3A_161 = vector.shape_cast %max3A_153 : vector<16xf32> to vector<16xf32>
    tpu.vector_store %arg6[%swap3A_158], %swap3A_161 {strides = array<i32>} : memref<32xf32, #tpu.memory_space<vmem>>, vector<16xf32>,
    %get3A_162 = arith.constant 2 : index
    %get3A_163 = tpu.vector_load %arg6[%get3A_162] {strides = array<i32>} : memref<32xf32, #tpu.memory_space<vmem>>, vector<16xf32>,
    %get3A_164 = vector.shape_cast %get3A_163 : vector<16xf32> to vector<16xf32>
    %max3A_165 = arith.maximumf %max3A_153, %get3A_164 : vector<16xf32>
    %swap3A_166 = arith.constant 0 : index
    %swap3A_167 = tpu.vector_load %arg6[%swap3A_166] {strides = array<i32>} : memref<32xf32, #tpu.memory_space<vmem>>, vector<16xf32>,
    %swap3A_168 = vector.shape_cast %swap3A_167 : vector<16xf32> to vector<16xf32>
    %swap3A_169 = vector.shape_cast %max3A_165 : vector<16xf32> to vector<16xf32>
    tpu.vector_store %arg6[%swap3A_166], %swap3A_169 {strides = array<i32>} : memref<32xf32, #tpu.memory_space<vmem>>, vector<16xf32>,
    %swap3A_170 = arith.constant 16 : index
    %swap3A_171 = tpu.vector_load %arg6[%swap3A_170] {strides = array<i32>} : memref<32xf32, #tpu.memory_space<vmem>>, vector<16xf32>,
    %swap3A_172 = vector.shape_cast %swap3A_171 : vector<16xf32> to vector<16xf32>
    %swap3A_173 = vector.shape_cast %max3A_165 : vector<16xf32> to vector<16xf32>
    tpu.vector_store %arg6[%swap3A_170], %swap3A_173 {strides = array<i32>} : memref<32xf32, #tpu.memory_space<vmem>>, vector<16xf32>,
    %get3A_174 = arith.constant 1 : index
    %get3A_175 = tpu.vector_load %arg6[%get3A_174] {strides = array<i32>} : memref<32xf32, #tpu.memory_space<vmem>>, vector<16xf32>,
    %get3A_176 = vector.shape_cast %get3A_175 : vector<16xf32> to vector<16xf32>
    %max3A_177 = arith.maximumf %max3A_165, %get3A_176 : vector<16xf32>
    %eq3A_178 = arith.cmpf oeq, %scan3A_128#0, %max3A_177 : vector<16xf32>
    %jit3A_179 = arith.constant 2048 : i32
    %broadcast_in_dim3A_180 = vector.broadcast %jit3A_179 : i32 to vector<16xi32>
    %select_n3A_181 = arith.select %eq3A_178, %scan3A_128#1, %broadcast_in_dim3A_180 : vector<16xi1>, vector<16xi32>
    %swap3A_182 = arith.constant 0 : index
    %swap3A_183 = tpu.vector_load %arg7[%swap3A_182] {strides = array<i32>} : memref<32xi32, #tpu.memory_space<vmem>>, vector<16xi32>,
    %swap3A_184 = vector.shape_cast %swap3A_183 : vector<16xi32> to vector<16xi32>
    %swap3A_185 = vector.shape_cast %select_n3A_181 : vector<16xi32> to vector<16xi32>
    tpu.vector_store %arg7[%swap3A_182], %swap3A_185 {strides = array<i32>} : memref<32xi32, #tpu.memory_space<vmem>>, vector<16xi32>,
    %swap3A_186 = arith.constant 16 : index
    %swap3A_187 = tpu.vector_load %arg7[%swap3A_186] {strides = array<i32>} : memref<32xi32, #tpu.memory_space<vmem>>, vector<16xi32>,
    %swap3A_188 = vector.shape_cast %swap3A_187 : vector<16xi32> to vector<16xi32>
    %swap3A_189 = vector.shape_cast %select_n3A_181 : vector<16xi32> to vector<16xi32>
    tpu.vector_store %arg7[%swap3A_186], %swap3A_189 {strides = array<i32>} : memref<32xi32, #tpu.memory_space<vmem>>, vector<16xi32>,
    %get3A_190 = arith.constant 8 : index
    %get3A_191 = tpu.vector_load %arg7[%get3A_190] {strides = array<i32>} : memref<32xi32, #tpu.memory_space<vmem>>, vector<16xi32>,
    %get3A_192 = vector.shape_cast %get3A_191 : vector<16xi32> to vector<16xi32>
    %min3A_193 = arith.minsi %select_n3A_181, %get3A_192 : vector<16xi32>
    %swap3A_194 = arith.constant 0 : index
    %swap3A_195 = tpu.vector_load %arg7[%swap3A_194] {strides = array<i32>} : memref<32xi32, #tpu.memory_space<vmem>>, vector<16xi32>,
    %swap3A_196 = vector.shape_cast %swap3A_195 : vector<16xi32> to vector<16xi32>
    %swap3A_197 = vector.shape_cast %min3A_193 : vector<16xi32> to vector<16xi32>
    tpu.vector_store %arg7[%swap3A_194], %swap3A_197 {strides = array<i32>} : memref<32xi32, #tpu.memory_space<vmem>>, vector<16xi32>,
    %swap3A_198 = arith.constant 16 : index
    %swap3A_199 = tpu.vector_load %arg7[%swap3A_198] {strides = array<i32>} : memref<32xi32, #tpu.memory_space<vmem>>, vector<16xi32>,
    %swap3A_200 = vector.shape_cast %swap3A_199 : vector<16xi32> to vector<16xi32>
    %swap3A_201 = vector.shape_cast %min3A_193 : vector<16xi32> to vector<16xi32>
    tpu.vector_store %arg7[%swap3A_198], %swap3A_201 {strides = array<i32>} : memref<32xi32, #tpu.memory_space<vmem>>, vector<16xi32>,
    %get3A_202 = arith.constant 4 : index
    %get3A_203 = tpu.vector_load %arg7[%get3A_202] {strides = array<i32>} : memref<32xi32, #tpu.memory_space<vmem>>, vector<16xi32>,
    %get3A_204 = vector.shape_cast %get3A_203 : vector<16xi32> to vector<16xi32>
    %min3A_205 = arith.minsi %min3A_193, %get3A_204 : vector<16xi32>
    %swap3A_206 = arith.constant 0 : index
    %swap3A_207 = tpu.vector_load %arg7[%swap3A_206] {strides = array<i32>} : memref<32xi32, #tpu.memory_space<vmem>>, vector<16xi32>,
    %swap3A_208 = vector.shape_cast %swap3A_207 : vector<16xi32> to vector<16xi32>
    %swap3A_209 = vector.shape_cast %min3A_205 : vector<16xi32> to vector<16xi32>
    tpu.vector_store %arg7[%swap3A_206], %swap3A_209 {strides = array<i32>} : memref<32xi32, #tpu.memory_space<vmem>>, vector<16xi32>,
    %swap3A_210 = arith.constant 16 : index
    %swap3A_211 = tpu.vector_load %arg7[%swap3A_210] {strides = array<i32>} : memref<32xi32, #tpu.memory_space<vmem>>, vector<16xi32>,
    %swap3A_212 = vector.shape_cast %swap3A_211 : vector<16xi32> to vector<16xi32>
    %swap3A_213 = vector.shape_cast %min3A_205 : vector<16xi32> to vector<16xi32>
    tpu.vector_store %arg7[%swap3A_210], %swap3A_213 {strides = array<i32>} : memref<32xi32, #tpu.memory_space<vmem>>, vector<16xi32>,
    %get3A_214 = arith.constant 2 : index
    %get3A_215 = tpu.vector_load %arg7[%get3A_214] {strides = array<i32>} : memref<32xi32, #tpu.memory_space<vmem>>, vector<16xi32>,
    %get3A_216 = vector.shape_cast %get3A_215 : vector<16xi32> to vector<16xi32>
    %min3A_217 = arith.minsi %min3A_205, %get3A_216 : vector<16xi32>
    %swap3A_218 = arith.constant 0 : index
    %swap3A_219 = tpu.vector_load %arg7[%swap3A_218] {strides = array<i32>} : memref<32xi32, #tpu.memory_space<vmem>>, vector<16xi32>,
    %swap3A_220 = vector.shape_cast %swap3A_219 : vector<16xi32> to vector<16xi32>
    %swap3A_221 = vector.shape_cast %min3A_217 : vector<16xi32> to vector<16xi32>
    tpu.vector_store %arg7[%swap3A_218], %swap3A_221 {strides = array<i32>} : memref<32xi32, #tpu.memory_space<vmem>>, vector<16xi32>,
    %swap3A_222 = arith.constant 16 : index
    %swap3A_223 = tpu.vector_load %arg7[%swap3A_222] {strides = array<i32>} : memref<32xi32, #tpu.memory_space<vmem>>, vector<16xi32>,
    %swap3A_224 = vector.shape_cast %swap3A_223 : vector<16xi32> to vector<16xi32>
    %swap3A_225 = vector.shape_cast %min3A_217 : vector<16xi32> to vector<16xi32>
    tpu.vector_store %arg7[%swap3A_222], %swap3A_225 {strides = array<i32>} : memref<32xi32, #tpu.memory_space<vmem>>, vector<16xi32>,
    %get3A_226 = arith.constant 1 : index
    %get3A_227 = tpu.vector_load %arg7[%get3A_226] {strides = array<i32>} : memref<32xi32, #tpu.memory_space<vmem>>, vector<16xi32>,
    %get3A_228 = vector.shape_cast %get3A_227 : vector<16xi32> to vector<16xi32>
    %min3A_229 = arith.minsi %min3A_217, %get3A_228 : vector<16xi32>
    %eq3A_230 = arith.constant 1 : i32
    %eq3A_231 = vector.broadcast %eq3A_230 : i32 to vector<16xi32>
    %eq3A_232 = arith.cmpi eq, %iota3A, %eq3A_231 : vector<16xi32>
    %select_n3A_233 = arith.select %eq3A_232, %min3A_229, %select_n3A_114 : vector<16xi1>, vector<16xi32>
    %eq3A_234 = arith.constant 1 : i32
    %eq3A_235 = vector.broadcast %eq3A_234 : i32 to vector<16xi32>
    %eq3A_236 = arith.cmpi eq, %iota3A, %eq3A_235 : vector<16xi32>
    %select_n3A_237 = arith.select %eq3A_236, %max3A_177, %select_n3A_118 : vector<16xi1>, vector<16xf32>
    %broadcast_in_dim3A_238 = arith.constant -1.000000e+30 : f32
    %broadcast_in_dim3A_239 = vector.broadcast %broadcast_in_dim3A_238 : f32 to vector<16xf32>
    %broadcast_in_dim3A_240 = arith.constant 0 : i32
    %broadcast_in_dim3A_241 = vector.broadcast %broadcast_in_dim3A_240 : i32 to vector<16xi32>
    %scan3A_242 = arith.constant -1.000000e+30 : f32
    %scan3A_243 = arith.constant 0 : i32
    %scan3A_244 = arith.constant 128 : i32
    %scan3A_245 = arith.addi %scan3A_243, %scan3A_244 : i32
    %scan3A_246 = arith.constant 1 : i32
    %scan3A_247:2 = scf.for %scan3A_1017 = %scan3A_243 to %scan3A_245 step %scan3A_246 iter_args(%scan3A_1018 = %broadcast_in_dim3A_239, %scan3A_1019 = %broadcast_in_dim3A_241) -> (vector<16xf32>, vector<16xi32>)  : i32 {
      %mul3A_1020 = arith.constant 16 : i32
      %mul3A_1021 = arith.muli %scan3A_1017, %mul3A_1020 : i32
      %add3A_1022 = vector.broadcast %mul3A_1021 : i32 to vector<16xi32>
      %add3A_1023 = arith.addi %iota3A, %add3A_1022 : vector<16xi32>
      %mul3A_1024 = arith.constant 16 : i32
      %mul3A_1025 = arith.muli %scan3A_1017, %mul3A_1024 : i32
      %get3A_1026 = arith.index_cast %mul3A_1025 : i32 to index
      %get3A_1027 = tpu.vector_load %arg5[%get3A_1026] {strides = array<i32>} : memref<2048xf32, #tpu.memory_space<vmem>>, vector<16xf32>,
      %get3A_1028 = vector.shape_cast %get3A_1027 : vector<16xf32> to vector<16xf32>
      %eq3A_1029 = arith.cmpi eq, %add3A_1023, %min3A_229 : vector<16xi32>
      %broadcast_in_dim3A_1030 = vector.broadcast %scan3A_242 : f32 to vector<16xf32>
      %select_n3A_1031 = arith.select %eq3A_1029, %broadcast_in_dim3A_1030, %get3A_1028 : vector<16xi1>, vector<16xf32>
      %mul3A_1032 = arith.constant 16 : i32
      %mul3A_1033 = arith.muli %scan3A_1017, %mul3A_1032 : i32
      %swap3A_1034 = arith.index_cast %mul3A_1033 : i32 to index
      %swap3A_1035 = tpu.vector_load %arg5[%swap3A_1034] {strides = array<i32>} : memref<2048xf32, #tpu.memory_space<vmem>>, vector<16xf32>,
      %swap3A_1036 = vector.shape_cast %swap3A_1035 : vector<16xf32> to vector<16xf32>
      %swap3A_1037 = vector.shape_cast %select_n3A_1031 : vector<16xf32> to vector<16xf32>
      tpu.vector_store %arg5[%swap3A_1034], %swap3A_1037 {strides = array<i32>} : memref<2048xf32, #tpu.memory_space<vmem>>, vector<16xf32>,
      %gt3A = arith.cmpf ogt, %select_n3A_1031, %scan3A_1018 : vector<16xf32>
      %select_n3A_1038 = arith.select %gt3A, %select_n3A_1031, %scan3A_1018 : vector<16xi1>, vector<16xf32>
      %select_n3A_1039 = arith.select %gt3A, %add3A_1023, %scan3A_1019 : vector<16xi1>, vector<16xi32>
      scf.yield %select_n3A_1038, %select_n3A_1039 : vector<16xf32>, vector<16xi32>
    }
    %scan3A_248 = arith.constant 128 : i32
    %swap3A_249 = arith.constant 0 : index
    %swap3A_250 = tpu.vector_load %arg6[%swap3A_249] {strides = array<i32>} : memref<32xf32, #tpu.memory_space<vmem>>, vector<16xf32>,
    %swap3A_251 = vector.shape_cast %swap3A_250 : vector<16xf32> to vector<16xf32>
    %swap3A_252 = vector.shape_cast %scan3A_247#0 : vector<16xf32> to vector<16xf32>
    tpu.vector_store %arg6[%swap3A_249], %swap3A_252 {strides = array<i32>} : memref<32xf32, #tpu.memory_space<vmem>>, vector<16xf32>,
    %swap3A_253 = arith.constant 16 : index
    %swap3A_254 = tpu.vector_load %arg6[%swap3A_253] {strides = array<i32>} : memref<32xf32, #tpu.memory_space<vmem>>, vector<16xf32>,
    %swap3A_255 = vector.shape_cast %swap3A_254 : vector<16xf32> to vector<16xf32>
    %swap3A_256 = vector.shape_cast %scan3A_247#0 : vector<16xf32> to vector<16xf32>
    tpu.vector_store %arg6[%swap3A_253], %swap3A_256 {strides = array<i32>} : memref<32xf32, #tpu.memory_space<vmem>>, vector<16xf32>,
    %get3A_257 = arith.constant 8 : index
    %get3A_258 = tpu.vector_load %arg6[%get3A_257] {strides = array<i32>} : memref<32xf32, #tpu.memory_space<vmem>>, vector<16xf32>,
    %get3A_259 = vector.shape_cast %get3A_258 : vector<16xf32> to vector<16xf32>
    %max3A_260 = arith.maximumf %scan3A_247#0, %get3A_259 : vector<16xf32>
    %swap3A_261 = arith.constant 0 : index
    %swap3A_262 = tpu.vector_load %arg6[%swap3A_261] {strides = array<i32>} : memref<32xf32, #tpu.memory_space<vmem>>, vector<16xf32>,
    %swap3A_263 = vector.shape_cast %swap3A_262 : vector<16xf32> to vector<16xf32>
    %swap3A_264 = vector.shape_cast %max3A_260 : vector<16xf32> to vector<16xf32>
    tpu.vector_store %arg6[%swap3A_261], %swap3A_264 {strides = array<i32>} : memref<32xf32, #tpu.memory_space<vmem>>, vector<16xf32>,
    %swap3A_265 = arith.constant 16 : index
    %swap3A_266 = tpu.vector_load %arg6[%swap3A_265] {strides = array<i32>} : memref<32xf32, #tpu.memory_space<vmem>>, vector<16xf32>,
    %swap3A_267 = vector.shape_cast %swap3A_266 : vector<16xf32> to vector<16xf32>
    %swap3A_268 = vector.shape_cast %max3A_260 : vector<16xf32> to vector<16xf32>
    tpu.vector_store %arg6[%swap3A_265], %swap3A_268 {strides = array<i32>} : memref<32xf32, #tpu.memory_space<vmem>>, vector<16xf32>,
    %get3A_269 = arith.constant 4 : index
    %get3A_270 = tpu.vector_load %arg6[%get3A_269] {strides = array<i32>} : memref<32xf32, #tpu.memory_space<vmem>>, vector<16xf32>,
    %get3A_271 = vector.shape_cast %get3A_270 : vector<16xf32> to vector<16xf32>
    %max3A_272 = arith.maximumf %max3A_260, %get3A_271 : vector<16xf32>
    %swap3A_273 = arith.constant 0 : index
    %swap3A_274 = tpu.vector_load %arg6[%swap3A_273] {strides = array<i32>} : memref<32xf32, #tpu.memory_space<vmem>>, vector<16xf32>,
    %swap3A_275 = vector.shape_cast %swap3A_274 : vector<16xf32> to vector<16xf32>
    %swap3A_276 = vector.shape_cast %max3A_272 : vector<16xf32> to vector<16xf32>
    tpu.vector_store %arg6[%swap3A_273], %swap3A_276 {strides = array<i32>} : memref<32xf32, #tpu.memory_space<vmem>>, vector<16xf32>,
    %swap3A_277 = arith.constant 16 : index
    %swap3A_278 = tpu.vector_load %arg6[%swap3A_277] {strides = array<i32>} : memref<32xf32, #tpu.memory_space<vmem>>, vector<16xf32>,
    %swap3A_279 = vector.shape_cast %swap3A_278 : vector<16xf32> to vector<16xf32>
    %swap3A_280 = vector.shape_cast %max3A_272 : vector<16xf32> to vector<16xf32>
    tpu.vector_store %arg6[%swap3A_277], %swap3A_280 {strides = array<i32>} : memref<32xf32, #tpu.memory_space<vmem>>, vector<16xf32>,
    %get3A_281 = arith.constant 2 : index
    %get3A_282 = tpu.vector_load %arg6[%get3A_281] {strides = array<i32>} : memref<32xf32, #tpu.memory_space<vmem>>, vector<16xf32>,
    %get3A_283 = vector.shape_cast %get3A_282 : vector<16xf32> to vector<16xf32>
    %max3A_284 = arith.maximumf %max3A_272, %get3A_283 : vector<16xf32>
    %swap3A_285 = arith.constant 0 : index
    %swap3A_286 = tpu.vector_load %arg6[%swap3A_285] {strides = array<i32>} : memref<32xf32, #tpu.memory_space<vmem>>, vector<16xf32>,
    %swap3A_287 = vector.shape_cast %swap3A_286 : vector<16xf32> to vector<16xf32>
    %swap3A_288 = vector.shape_cast %max3A_284 : vector<16xf32> to vector<16xf32>
    tpu.vector_store %arg6[%swap3A_285], %swap3A_288 {strides = array<i32>} : memref<32xf32, #tpu.memory_space<vmem>>, vector<16xf32>,
    %swap3A_289 = arith.constant 16 : index
    %swap3A_290 = tpu.vector_load %arg6[%swap3A_289] {strides = array<i32>} : memref<32xf32, #tpu.memory_space<vmem>>, vector<16xf32>,
    %swap3A_291 = vector.shape_cast %swap3A_290 : vector<16xf32> to vector<16xf32>
    %swap3A_292 = vector.shape_cast %max3A_284 : vector<16xf32> to vector<16xf32>
    tpu.vector_store %arg6[%swap3A_289], %swap3A_292 {strides = array<i32>} : memref<32xf32, #tpu.memory_space<vmem>>, vector<16xf32>,
    %get3A_293 = arith.constant 1 : index
    %get3A_294 = tpu.vector_load %arg6[%get3A_293] {strides = array<i32>} : memref<32xf32, #tpu.memory_space<vmem>>, vector<16xf32>,
    %get3A_295 = vector.shape_cast %get3A_294 : vector<16xf32> to vector<16xf32>
    %max3A_296 = arith.maximumf %max3A_284, %get3A_295 : vector<16xf32>
    %eq3A_297 = arith.cmpf oeq, %scan3A_247#0, %max3A_296 : vector<16xf32>
    %jit3A_298 = arith.constant 2048 : i32
    %broadcast_in_dim3A_299 = vector.broadcast %jit3A_298 : i32 to vector<16xi32>
    %select_n3A_300 = arith.select %eq3A_297, %scan3A_247#1, %broadcast_in_dim3A_299 : vector<16xi1>, vector<16xi32>
    %swap3A_301 = arith.constant 0 : index
    %swap3A_302 = tpu.vector_load %arg7[%swap3A_301] {strides = array<i32>} : memref<32xi32, #tpu.memory_space<vmem>>, vector<16xi32>,
    %swap3A_303 = vector.shape_cast %swap3A_302 : vector<16xi32> to vector<16xi32>
    %swap3A_304 = vector.shape_cast %select_n3A_300 : vector<16xi32> to vector<16xi32>
    tpu.vector_store %arg7[%swap3A_301], %swap3A_304 {strides = array<i32>} : memref<32xi32, #tpu.memory_space<vmem>>, vector<16xi32>,
    %swap3A_305 = arith.constant 16 : index
    %swap3A_306 = tpu.vector_load %arg7[%swap3A_305] {strides = array<i32>} : memref<32xi32, #tpu.memory_space<vmem>>, vector<16xi32>,
    %swap3A_307 = vector.shape_cast %swap3A_306 : vector<16xi32> to vector<16xi32>
    %swap3A_308 = vector.shape_cast %select_n3A_300 : vector<16xi32> to vector<16xi32>
    tpu.vector_store %arg7[%swap3A_305], %swap3A_308 {strides = array<i32>} : memref<32xi32, #tpu.memory_space<vmem>>, vector<16xi32>,
    %get3A_309 = arith.constant 8 : index
    %get3A_310 = tpu.vector_load %arg7[%get3A_309] {strides = array<i32>} : memref<32xi32, #tpu.memory_space<vmem>>, vector<16xi32>,
    %get3A_311 = vector.shape_cast %get3A_310 : vector<16xi32> to vector<16xi32>
    %min3A_312 = arith.minsi %select_n3A_300, %get3A_311 : vector<16xi32>
    %swap3A_313 = arith.constant 0 : index
    %swap3A_314 = tpu.vector_load %arg7[%swap3A_313] {strides = array<i32>} : memref<32xi32, #tpu.memory_space<vmem>>, vector<16xi32>,
    %swap3A_315 = vector.shape_cast %swap3A_314 : vector<16xi32> to vector<16xi32>
    %swap3A_316 = vector.shape_cast %min3A_312 : vector<16xi32> to vector<16xi32>
    tpu.vector_store %arg7[%swap3A_313], %swap3A_316 {strides = array<i32>} : memref<32xi32, #tpu.memory_space<vmem>>, vector<16xi32>,
    %swap3A_317 = arith.constant 16 : index
    %swap3A_318 = tpu.vector_load %arg7[%swap3A_317] {strides = array<i32>} : memref<32xi32, #tpu.memory_space<vmem>>, vector<16xi32>,
    %swap3A_319 = vector.shape_cast %swap3A_318 : vector<16xi32> to vector<16xi32>
    %swap3A_320 = vector.shape_cast %min3A_312 : vector<16xi32> to vector<16xi32>
    tpu.vector_store %arg7[%swap3A_317], %swap3A_320 {strides = array<i32>} : memref<32xi32, #tpu.memory_space<vmem>>, vector<16xi32>,
    %get3A_321 = arith.constant 4 : index
    %get3A_322 = tpu.vector_load %arg7[%get3A_321] {strides = array<i32>} : memref<32xi32, #tpu.memory_space<vmem>>, vector<16xi32>,
    %get3A_323 = vector.shape_cast %get3A_322 : vector<16xi32> to vector<16xi32>
    %min3A_324 = arith.minsi %min3A_312, %get3A_323 : vector<16xi32>
    %swap3A_325 = arith.constant 0 : index
    %swap3A_326 = tpu.vector_load %arg7[%swap3A_325] {strides = array<i32>} : memref<32xi32, #tpu.memory_space<vmem>>, vector<16xi32>,
    %swap3A_327 = vector.shape_cast %swap3A_326 : vector<16xi32> to vector<16xi32>
    %swap3A_328 = vector.shape_cast %min3A_324 : vector<16xi32> to vector<16xi32>
    tpu.vector_store %arg7[%swap3A_325], %swap3A_328 {strides = array<i32>} : memref<32xi32, #tpu.memory_space<vmem>>, vector<16xi32>,
    %swap3A_329 = arith.constant 16 : index
    %swap3A_330 = tpu.vector_load %arg7[%swap3A_329] {strides = array<i32>} : memref<32xi32, #tpu.memory_space<vmem>>, vector<16xi32>,
    %swap3A_331 = vector.shape_cast %swap3A_330 : vector<16xi32> to vector<16xi32>
    %swap3A_332 = vector.shape_cast %min3A_324 : vector<16xi32> to vector<16xi32>
    tpu.vector_store %arg7[%swap3A_329], %swap3A_332 {strides = array<i32>} : memref<32xi32, #tpu.memory_space<vmem>>, vector<16xi32>,
    %get3A_333 = arith.constant 2 : index
    %get3A_334 = tpu.vector_load %arg7[%get3A_333] {strides = array<i32>} : memref<32xi32, #tpu.memory_space<vmem>>, vector<16xi32>,
    %get3A_335 = vector.shape_cast %get3A_334 : vector<16xi32> to vector<16xi32>
    %min3A_336 = arith.minsi %min3A_324, %get3A_335 : vector<16xi32>
    %swap3A_337 = arith.constant 0 : index
    %swap3A_338 = tpu.vector_load %arg7[%swap3A_337] {strides = array<i32>} : memref<32xi32, #tpu.memory_space<vmem>>, vector<16xi32>,
    %swap3A_339 = vector.shape_cast %swap3A_338 : vector<16xi32> to vector<16xi32>
    %swap3A_340 = vector.shape_cast %min3A_336 : vector<16xi32> to vector<16xi32>
    tpu.vector_store %arg7[%swap3A_337], %swap3A_340 {strides = array<i32>} : memref<32xi32, #tpu.memory_space<vmem>>, vector<16xi32>,
    %swap3A_341 = arith.constant 16 : index
    %swap3A_342 = tpu.vector_load %arg7[%swap3A_341] {strides = array<i32>} : memref<32xi32, #tpu.memory_space<vmem>>, vector<16xi32>,
    %swap3A_343 = vector.shape_cast %swap3A_342 : vector<16xi32> to vector<16xi32>
    %swap3A_344 = vector.shape_cast %min3A_336 : vector<16xi32> to vector<16xi32>
    tpu.vector_store %arg7[%swap3A_341], %swap3A_344 {strides = array<i32>} : memref<32xi32, #tpu.memory_space<vmem>>, vector<16xi32>,
    %get3A_345 = arith.constant 1 : index
    %get3A_346 = tpu.vector_load %arg7[%get3A_345] {strides = array<i32>} : memref<32xi32, #tpu.memory_space<vmem>>, vector<16xi32>,
    %get3A_347 = vector.shape_cast %get3A_346 : vector<16xi32> to vector<16xi32>
    %min3A_348 = arith.minsi %min3A_336, %get3A_347 : vector<16xi32>
    %eq3A_349 = arith.constant 2 : i32
    %eq3A_350 = vector.broadcast %eq3A_349 : i32 to vector<16xi32>
    %eq3A_351 = arith.cmpi eq, %iota3A, %eq3A_350 : vector<16xi32>
    %select_n3A_352 = arith.select %eq3A_351, %min3A_348, %select_n3A_233 : vector<16xi1>, vector<16xi32>
    %eq3A_353 = arith.constant 2 : i32
    %eq3A_354 = vector.broadcast %eq3A_353 : i32 to vector<16xi32>
    %eq3A_355 = arith.cmpi eq, %iota3A, %eq3A_354 : vector<16xi32>
    %select_n3A_356 = arith.select %eq3A_355, %max3A_296, %select_n3A_237 : vector<16xi1>, vector<16xf32>
    %broadcast_in_dim3A_357 = arith.constant -1.000000e+30 : f32
    %broadcast_in_dim3A_358 = vector.broadcast %broadcast_in_dim3A_357 : f32 to vector<16xf32>
    %broadcast_in_dim3A_359 = arith.constant 0 : i32
    %broadcast_in_dim3A_360 = vector.broadcast %broadcast_in_dim3A_359 : i32 to vector<16xi32>
    %scan3A_361 = arith.constant -1.000000e+30 : f32
    %scan3A_362 = arith.constant 0 : i32
    %scan3A_363 = arith.constant 128 : i32
    %scan3A_364 = arith.addi %scan3A_362, %scan3A_363 : i32
    %scan3A_365 = arith.constant 1 : i32
    %scan3A_366:2 = scf.for %scan3A_1017 = %scan3A_362 to %scan3A_364 step %scan3A_365 iter_args(%scan3A_1018 = %broadcast_in_dim3A_358, %scan3A_1019 = %broadcast_in_dim3A_360) -> (vector<16xf32>, vector<16xi32>)  : i32 {
      %mul3A_1020 = arith.constant 16 : i32
      %mul3A_1021 = arith.muli %scan3A_1017, %mul3A_1020 : i32
      %add3A_1022 = vector.broadcast %mul3A_1021 : i32 to vector<16xi32>
      %add3A_1023 = arith.addi %iota3A, %add3A_1022 : vector<16xi32>
      %mul3A_1024 = arith.constant 16 : i32
      %mul3A_1025 = arith.muli %scan3A_1017, %mul3A_1024 : i32
      %get3A_1026 = arith.index_cast %mul3A_1025 : i32 to index
      %get3A_1027 = tpu.vector_load %arg5[%get3A_1026] {strides = array<i32>} : memref<2048xf32, #tpu.memory_space<vmem>>, vector<16xf32>,
      %get3A_1028 = vector.shape_cast %get3A_1027 : vector<16xf32> to vector<16xf32>
      %eq3A_1029 = arith.cmpi eq, %add3A_1023, %min3A_348 : vector<16xi32>
      %broadcast_in_dim3A_1030 = vector.broadcast %scan3A_361 : f32 to vector<16xf32>
      %select_n3A_1031 = arith.select %eq3A_1029, %broadcast_in_dim3A_1030, %get3A_1028 : vector<16xi1>, vector<16xf32>
      %mul3A_1032 = arith.constant 16 : i32
      %mul3A_1033 = arith.muli %scan3A_1017, %mul3A_1032 : i32
      %swap3A_1034 = arith.index_cast %mul3A_1033 : i32 to index
      %swap3A_1035 = tpu.vector_load %arg5[%swap3A_1034] {strides = array<i32>} : memref<2048xf32, #tpu.memory_space<vmem>>, vector<16xf32>,
      %swap3A_1036 = vector.shape_cast %swap3A_1035 : vector<16xf32> to vector<16xf32>
      %swap3A_1037 = vector.shape_cast %select_n3A_1031 : vector<16xf32> to vector<16xf32>
      tpu.vector_store %arg5[%swap3A_1034], %swap3A_1037 {strides = array<i32>} : memref<2048xf32, #tpu.memory_space<vmem>>, vector<16xf32>,
      %gt3A = arith.cmpf ogt, %select_n3A_1031, %scan3A_1018 : vector<16xf32>
      %select_n3A_1038 = arith.select %gt3A, %select_n3A_1031, %scan3A_1018 : vector<16xi1>, vector<16xf32>
      %select_n3A_1039 = arith.select %gt3A, %add3A_1023, %scan3A_1019 : vector<16xi1>, vector<16xi32>
      scf.yield %select_n3A_1038, %select_n3A_1039 : vector<16xf32>, vector<16xi32>
    }
    %scan3A_367 = arith.constant 128 : i32
    %swap3A_368 = arith.constant 0 : index
    %swap3A_369 = tpu.vector_load %arg6[%swap3A_368] {strides = array<i32>} : memref<32xf32, #tpu.memory_space<vmem>>, vector<16xf32>,
    %swap3A_370 = vector.shape_cast %swap3A_369 : vector<16xf32> to vector<16xf32>
    %swap3A_371 = vector.shape_cast %scan3A_366#0 : vector<16xf32> to vector<16xf32>
    tpu.vector_store %arg6[%swap3A_368], %swap3A_371 {strides = array<i32>} : memref<32xf32, #tpu.memory_space<vmem>>, vector<16xf32>,
    %swap3A_372 = arith.constant 16 : index
    %swap3A_373 = tpu.vector_load %arg6[%swap3A_372] {strides = array<i32>} : memref<32xf32, #tpu.memory_space<vmem>>, vector<16xf32>,
    %swap3A_374 = vector.shape_cast %swap3A_373 : vector<16xf32> to vector<16xf32>
    %swap3A_375 = vector.shape_cast %scan3A_366#0 : vector<16xf32> to vector<16xf32>
    tpu.vector_store %arg6[%swap3A_372], %swap3A_375 {strides = array<i32>} : memref<32xf32, #tpu.memory_space<vmem>>, vector<16xf32>,
    %get3A_376 = arith.constant 8 : index
    %get3A_377 = tpu.vector_load %arg6[%get3A_376] {strides = array<i32>} : memref<32xf32, #tpu.memory_space<vmem>>, vector<16xf32>,
    %get3A_378 = vector.shape_cast %get3A_377 : vector<16xf32> to vector<16xf32>
    %max3A_379 = arith.maximumf %scan3A_366#0, %get3A_378 : vector<16xf32>
    %swap3A_380 = arith.constant 0 : index
    %swap3A_381 = tpu.vector_load %arg6[%swap3A_380] {strides = array<i32>} : memref<32xf32, #tpu.memory_space<vmem>>, vector<16xf32>,
    %swap3A_382 = vector.shape_cast %swap3A_381 : vector<16xf32> to vector<16xf32>
    %swap3A_383 = vector.shape_cast %max3A_379 : vector<16xf32> to vector<16xf32>
    tpu.vector_store %arg6[%swap3A_380], %swap3A_383 {strides = array<i32>} : memref<32xf32, #tpu.memory_space<vmem>>, vector<16xf32>,
    %swap3A_384 = arith.constant 16 : index
    %swap3A_385 = tpu.vector_load %arg6[%swap3A_384] {strides = array<i32>} : memref<32xf32, #tpu.memory_space<vmem>>, vector<16xf32>,
    %swap3A_386 = vector.shape_cast %swap3A_385 : vector<16xf32> to vector<16xf32>
    %swap3A_387 = vector.shape_cast %max3A_379 : vector<16xf32> to vector<16xf32>
    tpu.vector_store %arg6[%swap3A_384], %swap3A_387 {strides = array<i32>} : memref<32xf32, #tpu.memory_space<vmem>>, vector<16xf32>,
    %get3A_388 = arith.constant 4 : index
    %get3A_389 = tpu.vector_load %arg6[%get3A_388] {strides = array<i32>} : memref<32xf32, #tpu.memory_space<vmem>>, vector<16xf32>,
    %get3A_390 = vector.shape_cast %get3A_389 : vector<16xf32> to vector<16xf32>
    %max3A_391 = arith.maximumf %max3A_379, %get3A_390 : vector<16xf32>
    %swap3A_392 = arith.constant 0 : index
    %swap3A_393 = tpu.vector_load %arg6[%swap3A_392] {strides = array<i32>} : memref<32xf32, #tpu.memory_space<vmem>>, vector<16xf32>,
    %swap3A_394 = vector.shape_cast %swap3A_393 : vector<16xf32> to vector<16xf32>
    %swap3A_395 = vector.shape_cast %max3A_391 : vector<16xf32> to vector<16xf32>
    tpu.vector_store %arg6[%swap3A_392], %swap3A_395 {strides = array<i32>} : memref<32xf32, #tpu.memory_space<vmem>>, vector<16xf32>,
    %swap3A_396 = arith.constant 16 : index
    %swap3A_397 = tpu.vector_load %arg6[%swap3A_396] {strides = array<i32>} : memref<32xf32, #tpu.memory_space<vmem>>, vector<16xf32>,
    %swap3A_398 = vector.shape_cast %swap3A_397 : vector<16xf32> to vector<16xf32>
    %swap3A_399 = vector.shape_cast %max3A_391 : vector<16xf32> to vector<16xf32>
    tpu.vector_store %arg6[%swap3A_396], %swap3A_399 {strides = array<i32>} : memref<32xf32, #tpu.memory_space<vmem>>, vector<16xf32>,
    %get3A_400 = arith.constant 2 : index
    %get3A_401 = tpu.vector_load %arg6[%get3A_400] {strides = array<i32>} : memref<32xf32, #tpu.memory_space<vmem>>, vector<16xf32>,
    %get3A_402 = vector.shape_cast %get3A_401 : vector<16xf32> to vector<16xf32>
    %max3A_403 = arith.maximumf %max3A_391, %get3A_402 : vector<16xf32>
    %swap3A_404 = arith.constant 0 : index
    %swap3A_405 = tpu.vector_load %arg6[%swap3A_404] {strides = array<i32>} : memref<32xf32, #tpu.memory_space<vmem>>, vector<16xf32>,
    %swap3A_406 = vector.shape_cast %swap3A_405 : vector<16xf32> to vector<16xf32>
    %swap3A_407 = vector.shape_cast %max3A_403 : vector<16xf32> to vector<16xf32>
    tpu.vector_store %arg6[%swap3A_404], %swap3A_407 {strides = array<i32>} : memref<32xf32, #tpu.memory_space<vmem>>, vector<16xf32>,
    %swap3A_408 = arith.constant 16 : index
    %swap3A_409 = tpu.vector_load %arg6[%swap3A_408] {strides = array<i32>} : memref<32xf32, #tpu.memory_space<vmem>>, vector<16xf32>,
    %swap3A_410 = vector.shape_cast %swap3A_409 : vector<16xf32> to vector<16xf32>
    %swap3A_411 = vector.shape_cast %max3A_403 : vector<16xf32> to vector<16xf32>
    tpu.vector_store %arg6[%swap3A_408], %swap3A_411 {strides = array<i32>} : memref<32xf32, #tpu.memory_space<vmem>>, vector<16xf32>,
    %get3A_412 = arith.constant 1 : index
    %get3A_413 = tpu.vector_load %arg6[%get3A_412] {strides = array<i32>} : memref<32xf32, #tpu.memory_space<vmem>>, vector<16xf32>,
    %get3A_414 = vector.shape_cast %get3A_413 : vector<16xf32> to vector<16xf32>
    %max3A_415 = arith.maximumf %max3A_403, %get3A_414 : vector<16xf32>
    %eq3A_416 = arith.cmpf oeq, %scan3A_366#0, %max3A_415 : vector<16xf32>
    %jit3A_417 = arith.constant 2048 : i32
    %broadcast_in_dim3A_418 = vector.broadcast %jit3A_417 : i32 to vector<16xi32>
    %select_n3A_419 = arith.select %eq3A_416, %scan3A_366#1, %broadcast_in_dim3A_418 : vector<16xi1>, vector<16xi32>
    %swap3A_420 = arith.constant 0 : index
    %swap3A_421 = tpu.vector_load %arg7[%swap3A_420] {strides = array<i32>} : memref<32xi32, #tpu.memory_space<vmem>>, vector<16xi32>,
    %swap3A_422 = vector.shape_cast %swap3A_421 : vector<16xi32> to vector<16xi32>
    %swap3A_423 = vector.shape_cast %select_n3A_419 : vector<16xi32> to vector<16xi32>
    tpu.vector_store %arg7[%swap3A_420], %swap3A_423 {strides = array<i32>} : memref<32xi32, #tpu.memory_space<vmem>>, vector<16xi32>,
    %swap3A_424 = arith.constant 16 : index
    %swap3A_425 = tpu.vector_load %arg7[%swap3A_424] {strides = array<i32>} : memref<32xi32, #tpu.memory_space<vmem>>, vector<16xi32>,
    %swap3A_426 = vector.shape_cast %swap3A_425 : vector<16xi32> to vector<16xi32>
    %swap3A_427 = vector.shape_cast %select_n3A_419 : vector<16xi32> to vector<16xi32>
    tpu.vector_store %arg7[%swap3A_424], %swap3A_427 {strides = array<i32>} : memref<32xi32, #tpu.memory_space<vmem>>, vector<16xi32>,
    %get3A_428 = arith.constant 8 : index
    %get3A_429 = tpu.vector_load %arg7[%get3A_428] {strides = array<i32>} : memref<32xi32, #tpu.memory_space<vmem>>, vector<16xi32>,
    %get3A_430 = vector.shape_cast %get3A_429 : vector<16xi32> to vector<16xi32>
    %min3A_431 = arith.minsi %select_n3A_419, %get3A_430 : vector<16xi32>
    %swap3A_432 = arith.constant 0 : index
    %swap3A_433 = tpu.vector_load %arg7[%swap3A_432] {strides = array<i32>} : memref<32xi32, #tpu.memory_space<vmem>>, vector<16xi32>,
    %swap3A_434 = vector.shape_cast %swap3A_433 : vector<16xi32> to vector<16xi32>
    %swap3A_435 = vector.shape_cast %min3A_431 : vector<16xi32> to vector<16xi32>
    tpu.vector_store %arg7[%swap3A_432], %swap3A_435 {strides = array<i32>} : memref<32xi32, #tpu.memory_space<vmem>>, vector<16xi32>,
    %swap3A_436 = arith.constant 16 : index
    %swap3A_437 = tpu.vector_load %arg7[%swap3A_436] {strides = array<i32>} : memref<32xi32, #tpu.memory_space<vmem>>, vector<16xi32>,
    %swap3A_438 = vector.shape_cast %swap3A_437 : vector<16xi32> to vector<16xi32>
    %swap3A_439 = vector.shape_cast %min3A_431 : vector<16xi32> to vector<16xi32>
    tpu.vector_store %arg7[%swap3A_436], %swap3A_439 {strides = array<i32>} : memref<32xi32, #tpu.memory_space<vmem>>, vector<16xi32>,
    %get3A_440 = arith.constant 4 : index
    %get3A_441 = tpu.vector_load %arg7[%get3A_440] {strides = array<i32>} : memref<32xi32, #tpu.memory_space<vmem>>, vector<16xi32>,
    %get3A_442 = vector.shape_cast %get3A_441 : vector<16xi32> to vector<16xi32>
    %min3A_443 = arith.minsi %min3A_431, %get3A_442 : vector<16xi32>
    %swap3A_444 = arith.constant 0 : index
    %swap3A_445 = tpu.vector_load %arg7[%swap3A_444] {strides = array<i32>} : memref<32xi32, #tpu.memory_space<vmem>>, vector<16xi32>,
    %swap3A_446 = vector.shape_cast %swap3A_445 : vector<16xi32> to vector<16xi32>
    %swap3A_447 = vector.shape_cast %min3A_443 : vector<16xi32> to vector<16xi32>
    tpu.vector_store %arg7[%swap3A_444], %swap3A_447 {strides = array<i32>} : memref<32xi32, #tpu.memory_space<vmem>>, vector<16xi32>,
    %swap3A_448 = arith.constant 16 : index
    %swap3A_449 = tpu.vector_load %arg7[%swap3A_448] {strides = array<i32>} : memref<32xi32, #tpu.memory_space<vmem>>, vector<16xi32>,
    %swap3A_450 = vector.shape_cast %swap3A_449 : vector<16xi32> to vector<16xi32>
    %swap3A_451 = vector.shape_cast %min3A_443 : vector<16xi32> to vector<16xi32>
    tpu.vector_store %arg7[%swap3A_448], %swap3A_451 {strides = array<i32>} : memref<32xi32, #tpu.memory_space<vmem>>, vector<16xi32>,
    %get3A_452 = arith.constant 2 : index
    %get3A_453 = tpu.vector_load %arg7[%get3A_452] {strides = array<i32>} : memref<32xi32, #tpu.memory_space<vmem>>, vector<16xi32>,
    %get3A_454 = vector.shape_cast %get3A_453 : vector<16xi32> to vector<16xi32>
    %min3A_455 = arith.minsi %min3A_443, %get3A_454 : vector<16xi32>
    %swap3A_456 = arith.constant 0 : index
    %swap3A_457 = tpu.vector_load %arg7[%swap3A_456] {strides = array<i32>} : memref<32xi32, #tpu.memory_space<vmem>>, vector<16xi32>,
    %swap3A_458 = vector.shape_cast %swap3A_457 : vector<16xi32> to vector<16xi32>
    %swap3A_459 = vector.shape_cast %min3A_455 : vector<16xi32> to vector<16xi32>
    tpu.vector_store %arg7[%swap3A_456], %swap3A_459 {strides = array<i32>} : memref<32xi32, #tpu.memory_space<vmem>>, vector<16xi32>,
    %swap3A_460 = arith.constant 16 : index
    %swap3A_461 = tpu.vector_load %arg7[%swap3A_460] {strides = array<i32>} : memref<32xi32, #tpu.memory_space<vmem>>, vector<16xi32>,
    %swap3A_462 = vector.shape_cast %swap3A_461 : vector<16xi32> to vector<16xi32>
    %swap3A_463 = vector.shape_cast %min3A_455 : vector<16xi32> to vector<16xi32>
    tpu.vector_store %arg7[%swap3A_460], %swap3A_463 {strides = array<i32>} : memref<32xi32, #tpu.memory_space<vmem>>, vector<16xi32>,
    %get3A_464 = arith.constant 1 : index
    %get3A_465 = tpu.vector_load %arg7[%get3A_464] {strides = array<i32>} : memref<32xi32, #tpu.memory_space<vmem>>, vector<16xi32>,
    %get3A_466 = vector.shape_cast %get3A_465 : vector<16xi32> to vector<16xi32>
    %min3A_467 = arith.minsi %min3A_455, %get3A_466 : vector<16xi32>
    %eq3A_468 = arith.constant 3 : i32
    %eq3A_469 = vector.broadcast %eq3A_468 : i32 to vector<16xi32>
    %eq3A_470 = arith.cmpi eq, %iota3A, %eq3A_469 : vector<16xi32>
    %select_n3A_471 = arith.select %eq3A_470, %min3A_467, %select_n3A_352 : vector<16xi1>, vector<16xi32>
    %eq3A_472 = arith.constant 3 : i32
    %eq3A_473 = vector.broadcast %eq3A_472 : i32 to vector<16xi32>
    %eq3A_474 = arith.cmpi eq, %iota3A, %eq3A_473 : vector<16xi32>
    %select_n3A_475 = arith.select %eq3A_474, %max3A_415, %select_n3A_356 : vector<16xi1>, vector<16xf32>
    %broadcast_in_dim3A_476 = arith.constant -1.000000e+30 : f32
    %broadcast_in_dim3A_477 = vector.broadcast %broadcast_in_dim3A_476 : f32 to vector<16xf32>
    %broadcast_in_dim3A_478 = arith.constant 0 : i32
    %broadcast_in_dim3A_479 = vector.broadcast %broadcast_in_dim3A_478 : i32 to vector<16xi32>
    %scan3A_480 = arith.constant -1.000000e+30 : f32
    %scan3A_481 = arith.constant 0 : i32
    %scan3A_482 = arith.constant 128 : i32
    %scan3A_483 = arith.addi %scan3A_481, %scan3A_482 : i32
    %scan3A_484 = arith.constant 1 : i32
    %scan3A_485:2 = scf.for %scan3A_1017 = %scan3A_481 to %scan3A_483 step %scan3A_484 iter_args(%scan3A_1018 = %broadcast_in_dim3A_477, %scan3A_1019 = %broadcast_in_dim3A_479) -> (vector<16xf32>, vector<16xi32>)  : i32 {
      %mul3A_1020 = arith.constant 16 : i32
      %mul3A_1021 = arith.muli %scan3A_1017, %mul3A_1020 : i32
      %add3A_1022 = vector.broadcast %mul3A_1021 : i32 to vector<16xi32>
      %add3A_1023 = arith.addi %iota3A, %add3A_1022 : vector<16xi32>
      %mul3A_1024 = arith.constant 16 : i32
      %mul3A_1025 = arith.muli %scan3A_1017, %mul3A_1024 : i32
      %get3A_1026 = arith.index_cast %mul3A_1025 : i32 to index
      %get3A_1027 = tpu.vector_load %arg5[%get3A_1026] {strides = array<i32>} : memref<2048xf32, #tpu.memory_space<vmem>>, vector<16xf32>,
      %get3A_1028 = vector.shape_cast %get3A_1027 : vector<16xf32> to vector<16xf32>
      %eq3A_1029 = arith.cmpi eq, %add3A_1023, %min3A_467 : vector<16xi32>
      %broadcast_in_dim3A_1030 = vector.broadcast %scan3A_480 : f32 to vector<16xf32>
      %select_n3A_1031 = arith.select %eq3A_1029, %broadcast_in_dim3A_1030, %get3A_1028 : vector<16xi1>, vector<16xf32>
      %mul3A_1032 = arith.constant 16 : i32
      %mul3A_1033 = arith.muli %scan3A_1017, %mul3A_1032 : i32
      %swap3A_1034 = arith.index_cast %mul3A_1033 : i32 to index
      %swap3A_1035 = tpu.vector_load %arg5[%swap3A_1034] {strides = array<i32>} : memref<2048xf32, #tpu.memory_space<vmem>>, vector<16xf32>,
      %swap3A_1036 = vector.shape_cast %swap3A_1035 : vector<16xf32> to vector<16xf32>
      %swap3A_1037 = vector.shape_cast %select_n3A_1031 : vector<16xf32> to vector<16xf32>
      tpu.vector_store %arg5[%swap3A_1034], %swap3A_1037 {strides = array<i32>} : memref<2048xf32, #tpu.memory_space<vmem>>, vector<16xf32>,
      %gt3A = arith.cmpf ogt, %select_n3A_1031, %scan3A_1018 : vector<16xf32>
      %select_n3A_1038 = arith.select %gt3A, %select_n3A_1031, %scan3A_1018 : vector<16xi1>, vector<16xf32>
      %select_n3A_1039 = arith.select %gt3A, %add3A_1023, %scan3A_1019 : vector<16xi1>, vector<16xi32>
      scf.yield %select_n3A_1038, %select_n3A_1039 : vector<16xf32>, vector<16xi32>
    }
    %scan3A_486 = arith.constant 128 : i32
    %swap3A_487 = arith.constant 0 : index
    %swap3A_488 = tpu.vector_load %arg6[%swap3A_487] {strides = array<i32>} : memref<32xf32, #tpu.memory_space<vmem>>, vector<16xf32>,
    %swap3A_489 = vector.shape_cast %swap3A_488 : vector<16xf32> to vector<16xf32>
    %swap3A_490 = vector.shape_cast %scan3A_485#0 : vector<16xf32> to vector<16xf32>
    tpu.vector_store %arg6[%swap3A_487], %swap3A_490 {strides = array<i32>} : memref<32xf32, #tpu.memory_space<vmem>>, vector<16xf32>,
    %swap3A_491 = arith.constant 16 : index
    %swap3A_492 = tpu.vector_load %arg6[%swap3A_491] {strides = array<i32>} : memref<32xf32, #tpu.memory_space<vmem>>, vector<16xf32>,
    %swap3A_493 = vector.shape_cast %swap3A_492 : vector<16xf32> to vector<16xf32>
    %swap3A_494 = vector.shape_cast %scan3A_485#0 : vector<16xf32> to vector<16xf32>
    tpu.vector_store %arg6[%swap3A_491], %swap3A_494 {strides = array<i32>} : memref<32xf32, #tpu.memory_space<vmem>>, vector<16xf32>,
    %get3A_495 = arith.constant 8 : index
    %get3A_496 = tpu.vector_load %arg6[%get3A_495] {strides = array<i32>} : memref<32xf32, #tpu.memory_space<vmem>>, vector<16xf32>,
    %get3A_497 = vector.shape_cast %get3A_496 : vector<16xf32> to vector<16xf32>
    %max3A_498 = arith.maximumf %scan3A_485#0, %get3A_497 : vector<16xf32>
    %swap3A_499 = arith.constant 0 : index
    %swap3A_500 = tpu.vector_load %arg6[%swap3A_499] {strides = array<i32>} : memref<32xf32, #tpu.memory_space<vmem>>, vector<16xf32>,
    %swap3A_501 = vector.shape_cast %swap3A_500 : vector<16xf32> to vector<16xf32>
    %swap3A_502 = vector.shape_cast %max3A_498 : vector<16xf32> to vector<16xf32>
    tpu.vector_store %arg6[%swap3A_499], %swap3A_502 {strides = array<i32>} : memref<32xf32, #tpu.memory_space<vmem>>, vector<16xf32>,
    %swap3A_503 = arith.constant 16 : index
    %swap3A_504 = tpu.vector_load %arg6[%swap3A_503] {strides = array<i32>} : memref<32xf32, #tpu.memory_space<vmem>>, vector<16xf32>,
    %swap3A_505 = vector.shape_cast %swap3A_504 : vector<16xf32> to vector<16xf32>
    %swap3A_506 = vector.shape_cast %max3A_498 : vector<16xf32> to vector<16xf32>
    tpu.vector_store %arg6[%swap3A_503], %swap3A_506 {strides = array<i32>} : memref<32xf32, #tpu.memory_space<vmem>>, vector<16xf32>,
    %get3A_507 = arith.constant 4 : index
    %get3A_508 = tpu.vector_load %arg6[%get3A_507] {strides = array<i32>} : memref<32xf32, #tpu.memory_space<vmem>>, vector<16xf32>,
    %get3A_509 = vector.shape_cast %get3A_508 : vector<16xf32> to vector<16xf32>
    %max3A_510 = arith.maximumf %max3A_498, %get3A_509 : vector<16xf32>
    %swap3A_511 = arith.constant 0 : index
    %swap3A_512 = tpu.vector_load %arg6[%swap3A_511] {strides = array<i32>} : memref<32xf32, #tpu.memory_space<vmem>>, vector<16xf32>,
    %swap3A_513 = vector.shape_cast %swap3A_512 : vector<16xf32> to vector<16xf32>
    %swap3A_514 = vector.shape_cast %max3A_510 : vector<16xf32> to vector<16xf32>
    tpu.vector_store %arg6[%swap3A_511], %swap3A_514 {strides = array<i32>} : memref<32xf32, #tpu.memory_space<vmem>>, vector<16xf32>,
    %swap3A_515 = arith.constant 16 : index
    %swap3A_516 = tpu.vector_load %arg6[%swap3A_515] {strides = array<i32>} : memref<32xf32, #tpu.memory_space<vmem>>, vector<16xf32>,
    %swap3A_517 = vector.shape_cast %swap3A_516 : vector<16xf32> to vector<16xf32>
    %swap3A_518 = vector.shape_cast %max3A_510 : vector<16xf32> to vector<16xf32>
    tpu.vector_store %arg6[%swap3A_515], %swap3A_518 {strides = array<i32>} : memref<32xf32, #tpu.memory_space<vmem>>, vector<16xf32>,
    %get3A_519 = arith.constant 2 : index
    %get3A_520 = tpu.vector_load %arg6[%get3A_519] {strides = array<i32>} : memref<32xf32, #tpu.memory_space<vmem>>, vector<16xf32>,
    %get3A_521 = vector.shape_cast %get3A_520 : vector<16xf32> to vector<16xf32>
    %max3A_522 = arith.maximumf %max3A_510, %get3A_521 : vector<16xf32>
    %swap3A_523 = arith.constant 0 : index
    %swap3A_524 = tpu.vector_load %arg6[%swap3A_523] {strides = array<i32>} : memref<32xf32, #tpu.memory_space<vmem>>, vector<16xf32>,
    %swap3A_525 = vector.shape_cast %swap3A_524 : vector<16xf32> to vector<16xf32>
    %swap3A_526 = vector.shape_cast %max3A_522 : vector<16xf32> to vector<16xf32>
    tpu.vector_store %arg6[%swap3A_523], %swap3A_526 {strides = array<i32>} : memref<32xf32, #tpu.memory_space<vmem>>, vector<16xf32>,
    %swap3A_527 = arith.constant 16 : index
    %swap3A_528 = tpu.vector_load %arg6[%swap3A_527] {strides = array<i32>} : memref<32xf32, #tpu.memory_space<vmem>>, vector<16xf32>,
    %swap3A_529 = vector.shape_cast %swap3A_528 : vector<16xf32> to vector<16xf32>
    %swap3A_530 = vector.shape_cast %max3A_522 : vector<16xf32> to vector<16xf32>
    tpu.vector_store %arg6[%swap3A_527], %swap3A_530 {strides = array<i32>} : memref<32xf32, #tpu.memory_space<vmem>>, vector<16xf32>,
    %get3A_531 = arith.constant 1 : index
    %get3A_532 = tpu.vector_load %arg6[%get3A_531] {strides = array<i32>} : memref<32xf32, #tpu.memory_space<vmem>>, vector<16xf32>,
    %get3A_533 = vector.shape_cast %get3A_532 : vector<16xf32> to vector<16xf32>
    %max3A_534 = arith.maximumf %max3A_522, %get3A_533 : vector<16xf32>
    %eq3A_535 = arith.cmpf oeq, %scan3A_485#0, %max3A_534 : vector<16xf32>
    %jit3A_536 = arith.constant 2048 : i32
    %broadcast_in_dim3A_537 = vector.broadcast %jit3A_536 : i32 to vector<16xi32>
    %select_n3A_538 = arith.select %eq3A_535, %scan3A_485#1, %broadcast_in_dim3A_537 : vector<16xi1>, vector<16xi32>
    %swap3A_539 = arith.constant 0 : index
    %swap3A_540 = tpu.vector_load %arg7[%swap3A_539] {strides = array<i32>} : memref<32xi32, #tpu.memory_space<vmem>>, vector<16xi32>,
    %swap3A_541 = vector.shape_cast %swap3A_540 : vector<16xi32> to vector<16xi32>
    %swap3A_542 = vector.shape_cast %select_n3A_538 : vector<16xi32> to vector<16xi32>
    tpu.vector_store %arg7[%swap3A_539], %swap3A_542 {strides = array<i32>} : memref<32xi32, #tpu.memory_space<vmem>>, vector<16xi32>,
    %swap3A_543 = arith.constant 16 : index
    %swap3A_544 = tpu.vector_load %arg7[%swap3A_543] {strides = array<i32>} : memref<32xi32, #tpu.memory_space<vmem>>, vector<16xi32>,
    %swap3A_545 = vector.shape_cast %swap3A_544 : vector<16xi32> to vector<16xi32>
    %swap3A_546 = vector.shape_cast %select_n3A_538 : vector<16xi32> to vector<16xi32>
    tpu.vector_store %arg7[%swap3A_543], %swap3A_546 {strides = array<i32>} : memref<32xi32, #tpu.memory_space<vmem>>, vector<16xi32>,
    %get3A_547 = arith.constant 8 : index
    %get3A_548 = tpu.vector_load %arg7[%get3A_547] {strides = array<i32>} : memref<32xi32, #tpu.memory_space<vmem>>, vector<16xi32>,
    %get3A_549 = vector.shape_cast %get3A_548 : vector<16xi32> to vector<16xi32>
    %min3A_550 = arith.minsi %select_n3A_538, %get3A_549 : vector<16xi32>
    %swap3A_551 = arith.constant 0 : index
    %swap3A_552 = tpu.vector_load %arg7[%swap3A_551] {strides = array<i32>} : memref<32xi32, #tpu.memory_space<vmem>>, vector<16xi32>,
    %swap3A_553 = vector.shape_cast %swap3A_552 : vector<16xi32> to vector<16xi32>
    %swap3A_554 = vector.shape_cast %min3A_550 : vector<16xi32> to vector<16xi32>
    tpu.vector_store %arg7[%swap3A_551], %swap3A_554 {strides = array<i32>} : memref<32xi32, #tpu.memory_space<vmem>>, vector<16xi32>,
    %swap3A_555 = arith.constant 16 : index
    %swap3A_556 = tpu.vector_load %arg7[%swap3A_555] {strides = array<i32>} : memref<32xi32, #tpu.memory_space<vmem>>, vector<16xi32>,
    %swap3A_557 = vector.shape_cast %swap3A_556 : vector<16xi32> to vector<16xi32>
    %swap3A_558 = vector.shape_cast %min3A_550 : vector<16xi32> to vector<16xi32>
    tpu.vector_store %arg7[%swap3A_555], %swap3A_558 {strides = array<i32>} : memref<32xi32, #tpu.memory_space<vmem>>, vector<16xi32>,
    %get3A_559 = arith.constant 4 : index
    %get3A_560 = tpu.vector_load %arg7[%get3A_559] {strides = array<i32>} : memref<32xi32, #tpu.memory_space<vmem>>, vector<16xi32>,
    %get3A_561 = vector.shape_cast %get3A_560 : vector<16xi32> to vector<16xi32>
    %min3A_562 = arith.minsi %min3A_550, %get3A_561 : vector<16xi32>
    %swap3A_563 = arith.constant 0 : index
    %swap3A_564 = tpu.vector_load %arg7[%swap3A_563] {strides = array<i32>} : memref<32xi32, #tpu.memory_space<vmem>>, vector<16xi32>,
    %swap3A_565 = vector.shape_cast %swap3A_564 : vector<16xi32> to vector<16xi32>
    %swap3A_566 = vector.shape_cast %min3A_562 : vector<16xi32> to vector<16xi32>
    tpu.vector_store %arg7[%swap3A_563], %swap3A_566 {strides = array<i32>} : memref<32xi32, #tpu.memory_space<vmem>>, vector<16xi32>,
    %swap3A_567 = arith.constant 16 : index
    %swap3A_568 = tpu.vector_load %arg7[%swap3A_567] {strides = array<i32>} : memref<32xi32, #tpu.memory_space<vmem>>, vector<16xi32>,
    %swap3A_569 = vector.shape_cast %swap3A_568 : vector<16xi32> to vector<16xi32>
    %swap3A_570 = vector.shape_cast %min3A_562 : vector<16xi32> to vector<16xi32>
    tpu.vector_store %arg7[%swap3A_567], %swap3A_570 {strides = array<i32>} : memref<32xi32, #tpu.memory_space<vmem>>, vector<16xi32>,
    %get3A_571 = arith.constant 2 : index
    %get3A_572 = tpu.vector_load %arg7[%get3A_571] {strides = array<i32>} : memref<32xi32, #tpu.memory_space<vmem>>, vector<16xi32>,
    %get3A_573 = vector.shape_cast %get3A_572 : vector<16xi32> to vector<16xi32>
    %min3A_574 = arith.minsi %min3A_562, %get3A_573 : vector<16xi32>
    %swap3A_575 = arith.constant 0 : index
    %swap3A_576 = tpu.vector_load %arg7[%swap3A_575] {strides = array<i32>} : memref<32xi32, #tpu.memory_space<vmem>>, vector<16xi32>,
    %swap3A_577 = vector.shape_cast %swap3A_576 : vector<16xi32> to vector<16xi32>
    %swap3A_578 = vector.shape_cast %min3A_574 : vector<16xi32> to vector<16xi32>
    tpu.vector_store %arg7[%swap3A_575], %swap3A_578 {strides = array<i32>} : memref<32xi32, #tpu.memory_space<vmem>>, vector<16xi32>,
    %swap3A_579 = arith.constant 16 : index
    %swap3A_580 = tpu.vector_load %arg7[%swap3A_579] {strides = array<i32>} : memref<32xi32, #tpu.memory_space<vmem>>, vector<16xi32>,
    %swap3A_581 = vector.shape_cast %swap3A_580 : vector<16xi32> to vector<16xi32>
    %swap3A_582 = vector.shape_cast %min3A_574 : vector<16xi32> to vector<16xi32>
    tpu.vector_store %arg7[%swap3A_579], %swap3A_582 {strides = array<i32>} : memref<32xi32, #tpu.memory_space<vmem>>, vector<16xi32>,
    %get3A_583 = arith.constant 1 : index
    %get3A_584 = tpu.vector_load %arg7[%get3A_583] {strides = array<i32>} : memref<32xi32, #tpu.memory_space<vmem>>, vector<16xi32>,
    %get3A_585 = vector.shape_cast %get3A_584 : vector<16xi32> to vector<16xi32>
    %min3A_586 = arith.minsi %min3A_574, %get3A_585 : vector<16xi32>
    %eq3A_587 = arith.constant 4 : i32
    %eq3A_588 = vector.broadcast %eq3A_587 : i32 to vector<16xi32>
    %eq3A_589 = arith.cmpi eq, %iota3A, %eq3A_588 : vector<16xi32>
    %select_n3A_590 = arith.select %eq3A_589, %min3A_586, %select_n3A_471 : vector<16xi1>, vector<16xi32>
    %eq3A_591 = arith.constant 4 : i32
    %eq3A_592 = vector.broadcast %eq3A_591 : i32 to vector<16xi32>
    %eq3A_593 = arith.cmpi eq, %iota3A, %eq3A_592 : vector<16xi32>
    %select_n3A_594 = arith.select %eq3A_593, %max3A_534, %select_n3A_475 : vector<16xi1>, vector<16xf32>
    %broadcast_in_dim3A_595 = arith.constant -1.000000e+30 : f32
    %broadcast_in_dim3A_596 = vector.broadcast %broadcast_in_dim3A_595 : f32 to vector<16xf32>
    %broadcast_in_dim3A_597 = arith.constant 0 : i32
    %broadcast_in_dim3A_598 = vector.broadcast %broadcast_in_dim3A_597 : i32 to vector<16xi32>
    %scan3A_599 = arith.constant -1.000000e+30 : f32
    %scan3A_600 = arith.constant 0 : i32
    %scan3A_601 = arith.constant 128 : i32
    %scan3A_602 = arith.addi %scan3A_600, %scan3A_601 : i32
    %scan3A_603 = arith.constant 1 : i32
    %scan3A_604:2 = scf.for %scan3A_1017 = %scan3A_600 to %scan3A_602 step %scan3A_603 iter_args(%scan3A_1018 = %broadcast_in_dim3A_596, %scan3A_1019 = %broadcast_in_dim3A_598) -> (vector<16xf32>, vector<16xi32>)  : i32 {
      %mul3A_1020 = arith.constant 16 : i32
      %mul3A_1021 = arith.muli %scan3A_1017, %mul3A_1020 : i32
      %add3A_1022 = vector.broadcast %mul3A_1021 : i32 to vector<16xi32>
      %add3A_1023 = arith.addi %iota3A, %add3A_1022 : vector<16xi32>
      %mul3A_1024 = arith.constant 16 : i32
      %mul3A_1025 = arith.muli %scan3A_1017, %mul3A_1024 : i32
      %get3A_1026 = arith.index_cast %mul3A_1025 : i32 to index
      %get3A_1027 = tpu.vector_load %arg5[%get3A_1026] {strides = array<i32>} : memref<2048xf32, #tpu.memory_space<vmem>>, vector<16xf32>,
      %get3A_1028 = vector.shape_cast %get3A_1027 : vector<16xf32> to vector<16xf32>
      %eq3A_1029 = arith.cmpi eq, %add3A_1023, %min3A_586 : vector<16xi32>
      %broadcast_in_dim3A_1030 = vector.broadcast %scan3A_599 : f32 to vector<16xf32>
      %select_n3A_1031 = arith.select %eq3A_1029, %broadcast_in_dim3A_1030, %get3A_1028 : vector<16xi1>, vector<16xf32>
      %mul3A_1032 = arith.constant 16 : i32
      %mul3A_1033 = arith.muli %scan3A_1017, %mul3A_1032 : i32
      %swap3A_1034 = arith.index_cast %mul3A_1033 : i32 to index
      %swap3A_1035 = tpu.vector_load %arg5[%swap3A_1034] {strides = array<i32>} : memref<2048xf32, #tpu.memory_space<vmem>>, vector<16xf32>,
      %swap3A_1036 = vector.shape_cast %swap3A_1035 : vector<16xf32> to vector<16xf32>
      %swap3A_1037 = vector.shape_cast %select_n3A_1031 : vector<16xf32> to vector<16xf32>
      tpu.vector_store %arg5[%swap3A_1034], %swap3A_1037 {strides = array<i32>} : memref<2048xf32, #tpu.memory_space<vmem>>, vector<16xf32>,
      %gt3A = arith.cmpf ogt, %select_n3A_1031, %scan3A_1018 : vector<16xf32>
      %select_n3A_1038 = arith.select %gt3A, %select_n3A_1031, %scan3A_1018 : vector<16xi1>, vector<16xf32>
      %select_n3A_1039 = arith.select %gt3A, %add3A_1023, %scan3A_1019 : vector<16xi1>, vector<16xi32>
      scf.yield %select_n3A_1038, %select_n3A_1039 : vector<16xf32>, vector<16xi32>
    }
    %scan3A_605 = arith.constant 128 : i32
    %swap3A_606 = arith.constant 0 : index
    %swap3A_607 = tpu.vector_load %arg6[%swap3A_606] {strides = array<i32>} : memref<32xf32, #tpu.memory_space<vmem>>, vector<16xf32>,
    %swap3A_608 = vector.shape_cast %swap3A_607 : vector<16xf32> to vector<16xf32>
    %swap3A_609 = vector.shape_cast %scan3A_604#0 : vector<16xf32> to vector<16xf32>
    tpu.vector_store %arg6[%swap3A_606], %swap3A_609 {strides = array<i32>} : memref<32xf32, #tpu.memory_space<vmem>>, vector<16xf32>,
    %swap3A_610 = arith.constant 16 : index
    %swap3A_611 = tpu.vector_load %arg6[%swap3A_610] {strides = array<i32>} : memref<32xf32, #tpu.memory_space<vmem>>, vector<16xf32>,
    %swap3A_612 = vector.shape_cast %swap3A_611 : vector<16xf32> to vector<16xf32>
    %swap3A_613 = vector.shape_cast %scan3A_604#0 : vector<16xf32> to vector<16xf32>
    tpu.vector_store %arg6[%swap3A_610], %swap3A_613 {strides = array<i32>} : memref<32xf32, #tpu.memory_space<vmem>>, vector<16xf32>,
    %get3A_614 = arith.constant 8 : index
    %get3A_615 = tpu.vector_load %arg6[%get3A_614] {strides = array<i32>} : memref<32xf32, #tpu.memory_space<vmem>>, vector<16xf32>,
    %get3A_616 = vector.shape_cast %get3A_615 : vector<16xf32> to vector<16xf32>
    %max3A_617 = arith.maximumf %scan3A_604#0, %get3A_616 : vector<16xf32>
    %swap3A_618 = arith.constant 0 : index
    %swap3A_619 = tpu.vector_load %arg6[%swap3A_618] {strides = array<i32>} : memref<32xf32, #tpu.memory_space<vmem>>, vector<16xf32>,
    %swap3A_620 = vector.shape_cast %swap3A_619 : vector<16xf32> to vector<16xf32>
    %swap3A_621 = vector.shape_cast %max3A_617 : vector<16xf32> to vector<16xf32>
    tpu.vector_store %arg6[%swap3A_618], %swap3A_621 {strides = array<i32>} : memref<32xf32, #tpu.memory_space<vmem>>, vector<16xf32>,
    %swap3A_622 = arith.constant 16 : index
    %swap3A_623 = tpu.vector_load %arg6[%swap3A_622] {strides = array<i32>} : memref<32xf32, #tpu.memory_space<vmem>>, vector<16xf32>,
    %swap3A_624 = vector.shape_cast %swap3A_623 : vector<16xf32> to vector<16xf32>
    %swap3A_625 = vector.shape_cast %max3A_617 : vector<16xf32> to vector<16xf32>
    tpu.vector_store %arg6[%swap3A_622], %swap3A_625 {strides = array<i32>} : memref<32xf32, #tpu.memory_space<vmem>>, vector<16xf32>,
    %get3A_626 = arith.constant 4 : index
    %get3A_627 = tpu.vector_load %arg6[%get3A_626] {strides = array<i32>} : memref<32xf32, #tpu.memory_space<vmem>>, vector<16xf32>,
    %get3A_628 = vector.shape_cast %get3A_627 : vector<16xf32> to vector<16xf32>
    %max3A_629 = arith.maximumf %max3A_617, %get3A_628 : vector<16xf32>
    %swap3A_630 = arith.constant 0 : index
    %swap3A_631 = tpu.vector_load %arg6[%swap3A_630] {strides = array<i32>} : memref<32xf32, #tpu.memory_space<vmem>>, vector<16xf32>,
    %swap3A_632 = vector.shape_cast %swap3A_631 : vector<16xf32> to vector<16xf32>
    %swap3A_633 = vector.shape_cast %max3A_629 : vector<16xf32> to vector<16xf32>
    tpu.vector_store %arg6[%swap3A_630], %swap3A_633 {strides = array<i32>} : memref<32xf32, #tpu.memory_space<vmem>>, vector<16xf32>,
    %swap3A_634 = arith.constant 16 : index
    %swap3A_635 = tpu.vector_load %arg6[%swap3A_634] {strides = array<i32>} : memref<32xf32, #tpu.memory_space<vmem>>, vector<16xf32>,
    %swap3A_636 = vector.shape_cast %swap3A_635 : vector<16xf32> to vector<16xf32>
    %swap3A_637 = vector.shape_cast %max3A_629 : vector<16xf32> to vector<16xf32>
    tpu.vector_store %arg6[%swap3A_634], %swap3A_637 {strides = array<i32>} : memref<32xf32, #tpu.memory_space<vmem>>, vector<16xf32>,
    %get3A_638 = arith.constant 2 : index
    %get3A_639 = tpu.vector_load %arg6[%get3A_638] {strides = array<i32>} : memref<32xf32, #tpu.memory_space<vmem>>, vector<16xf32>,
    %get3A_640 = vector.shape_cast %get3A_639 : vector<16xf32> to vector<16xf32>
    %max3A_641 = arith.maximumf %max3A_629, %get3A_640 : vector<16xf32>
    %swap3A_642 = arith.constant 0 : index
    %swap3A_643 = tpu.vector_load %arg6[%swap3A_642] {strides = array<i32>} : memref<32xf32, #tpu.memory_space<vmem>>, vector<16xf32>,
    %swap3A_644 = vector.shape_cast %swap3A_643 : vector<16xf32> to vector<16xf32>
    %swap3A_645 = vector.shape_cast %max3A_641 : vector<16xf32> to vector<16xf32>
    tpu.vector_store %arg6[%swap3A_642], %swap3A_645 {strides = array<i32>} : memref<32xf32, #tpu.memory_space<vmem>>, vector<16xf32>,
    %swap3A_646 = arith.constant 16 : index
    %swap3A_647 = tpu.vector_load %arg6[%swap3A_646] {strides = array<i32>} : memref<32xf32, #tpu.memory_space<vmem>>, vector<16xf32>,
    %swap3A_648 = vector.shape_cast %swap3A_647 : vector<16xf32> to vector<16xf32>
    %swap3A_649 = vector.shape_cast %max3A_641 : vector<16xf32> to vector<16xf32>
    tpu.vector_store %arg6[%swap3A_646], %swap3A_649 {strides = array<i32>} : memref<32xf32, #tpu.memory_space<vmem>>, vector<16xf32>,
    %get3A_650 = arith.constant 1 : index
    %get3A_651 = tpu.vector_load %arg6[%get3A_650] {strides = array<i32>} : memref<32xf32, #tpu.memory_space<vmem>>, vector<16xf32>,
    %get3A_652 = vector.shape_cast %get3A_651 : vector<16xf32> to vector<16xf32>
    %max3A_653 = arith.maximumf %max3A_641, %get3A_652 : vector<16xf32>
    %eq3A_654 = arith.cmpf oeq, %scan3A_604#0, %max3A_653 : vector<16xf32>
    %jit3A_655 = arith.constant 2048 : i32
    %broadcast_in_dim3A_656 = vector.broadcast %jit3A_655 : i32 to vector<16xi32>
    %select_n3A_657 = arith.select %eq3A_654, %scan3A_604#1, %broadcast_in_dim3A_656 : vector<16xi1>, vector<16xi32>
    %swap3A_658 = arith.constant 0 : index
    %swap3A_659 = tpu.vector_load %arg7[%swap3A_658] {strides = array<i32>} : memref<32xi32, #tpu.memory_space<vmem>>, vector<16xi32>,
    %swap3A_660 = vector.shape_cast %swap3A_659 : vector<16xi32> to vector<16xi32>
    %swap3A_661 = vector.shape_cast %select_n3A_657 : vector<16xi32> to vector<16xi32>
    tpu.vector_store %arg7[%swap3A_658], %swap3A_661 {strides = array<i32>} : memref<32xi32, #tpu.memory_space<vmem>>, vector<16xi32>,
    %swap3A_662 = arith.constant 16 : index
    %swap3A_663 = tpu.vector_load %arg7[%swap3A_662] {strides = array<i32>} : memref<32xi32, #tpu.memory_space<vmem>>, vector<16xi32>,
    %swap3A_664 = vector.shape_cast %swap3A_663 : vector<16xi32> to vector<16xi32>
    %swap3A_665 = vector.shape_cast %select_n3A_657 : vector<16xi32> to vector<16xi32>
    tpu.vector_store %arg7[%swap3A_662], %swap3A_665 {strides = array<i32>} : memref<32xi32, #tpu.memory_space<vmem>>, vector<16xi32>,
    %get3A_666 = arith.constant 8 : index
    %get3A_667 = tpu.vector_load %arg7[%get3A_666] {strides = array<i32>} : memref<32xi32, #tpu.memory_space<vmem>>, vector<16xi32>,
    %get3A_668 = vector.shape_cast %get3A_667 : vector<16xi32> to vector<16xi32>
    %min3A_669 = arith.minsi %select_n3A_657, %get3A_668 : vector<16xi32>
    %swap3A_670 = arith.constant 0 : index
    %swap3A_671 = tpu.vector_load %arg7[%swap3A_670] {strides = array<i32>} : memref<32xi32, #tpu.memory_space<vmem>>, vector<16xi32>,
    %swap3A_672 = vector.shape_cast %swap3A_671 : vector<16xi32> to vector<16xi32>
    %swap3A_673 = vector.shape_cast %min3A_669 : vector<16xi32> to vector<16xi32>
    tpu.vector_store %arg7[%swap3A_670], %swap3A_673 {strides = array<i32>} : memref<32xi32, #tpu.memory_space<vmem>>, vector<16xi32>,
    %swap3A_674 = arith.constant 16 : index
    %swap3A_675 = tpu.vector_load %arg7[%swap3A_674] {strides = array<i32>} : memref<32xi32, #tpu.memory_space<vmem>>, vector<16xi32>,
    %swap3A_676 = vector.shape_cast %swap3A_675 : vector<16xi32> to vector<16xi32>
    %swap3A_677 = vector.shape_cast %min3A_669 : vector<16xi32> to vector<16xi32>
    tpu.vector_store %arg7[%swap3A_674], %swap3A_677 {strides = array<i32>} : memref<32xi32, #tpu.memory_space<vmem>>, vector<16xi32>,
    %get3A_678 = arith.constant 4 : index
    %get3A_679 = tpu.vector_load %arg7[%get3A_678] {strides = array<i32>} : memref<32xi32, #tpu.memory_space<vmem>>, vector<16xi32>,
    %get3A_680 = vector.shape_cast %get3A_679 : vector<16xi32> to vector<16xi32>
    %min3A_681 = arith.minsi %min3A_669, %get3A_680 : vector<16xi32>
    %swap3A_682 = arith.constant 0 : index
    %swap3A_683 = tpu.vector_load %arg7[%swap3A_682] {strides = array<i32>} : memref<32xi32, #tpu.memory_space<vmem>>, vector<16xi32>,
    %swap3A_684 = vector.shape_cast %swap3A_683 : vector<16xi32> to vector<16xi32>
    %swap3A_685 = vector.shape_cast %min3A_681 : vector<16xi32> to vector<16xi32>
    tpu.vector_store %arg7[%swap3A_682], %swap3A_685 {strides = array<i32>} : memref<32xi32, #tpu.memory_space<vmem>>, vector<16xi32>,
    %swap3A_686 = arith.constant 16 : index
    %swap3A_687 = tpu.vector_load %arg7[%swap3A_686] {strides = array<i32>} : memref<32xi32, #tpu.memory_space<vmem>>, vector<16xi32>,
    %swap3A_688 = vector.shape_cast %swap3A_687 : vector<16xi32> to vector<16xi32>
    %swap3A_689 = vector.shape_cast %min3A_681 : vector<16xi32> to vector<16xi32>
    tpu.vector_store %arg7[%swap3A_686], %swap3A_689 {strides = array<i32>} : memref<32xi32, #tpu.memory_space<vmem>>, vector<16xi32>,
    %get3A_690 = arith.constant 2 : index
    %get3A_691 = tpu.vector_load %arg7[%get3A_690] {strides = array<i32>} : memref<32xi32, #tpu.memory_space<vmem>>, vector<16xi32>,
    %get3A_692 = vector.shape_cast %get3A_691 : vector<16xi32> to vector<16xi32>
    %min3A_693 = arith.minsi %min3A_681, %get3A_692 : vector<16xi32>
    %swap3A_694 = arith.constant 0 : index
    %swap3A_695 = tpu.vector_load %arg7[%swap3A_694] {strides = array<i32>} : memref<32xi32, #tpu.memory_space<vmem>>, vector<16xi32>,
    %swap3A_696 = vector.shape_cast %swap3A_695 : vector<16xi32> to vector<16xi32>
    %swap3A_697 = vector.shape_cast %min3A_693 : vector<16xi32> to vector<16xi32>
    tpu.vector_store %arg7[%swap3A_694], %swap3A_697 {strides = array<i32>} : memref<32xi32, #tpu.memory_space<vmem>>, vector<16xi32>,
    %swap3A_698 = arith.constant 16 : index
    %swap3A_699 = tpu.vector_load %arg7[%swap3A_698] {strides = array<i32>} : memref<32xi32, #tpu.memory_space<vmem>>, vector<16xi32>,
    %swap3A_700 = vector.shape_cast %swap3A_699 : vector<16xi32> to vector<16xi32>
    %swap3A_701 = vector.shape_cast %min3A_693 : vector<16xi32> to vector<16xi32>
    tpu.vector_store %arg7[%swap3A_698], %swap3A_701 {strides = array<i32>} : memref<32xi32, #tpu.memory_space<vmem>>, vector<16xi32>,
    %get3A_702 = arith.constant 1 : index
    %get3A_703 = tpu.vector_load %arg7[%get3A_702] {strides = array<i32>} : memref<32xi32, #tpu.memory_space<vmem>>, vector<16xi32>,
    %get3A_704 = vector.shape_cast %get3A_703 : vector<16xi32> to vector<16xi32>
    %min3A_705 = arith.minsi %min3A_693, %get3A_704 : vector<16xi32>
    %eq3A_706 = arith.constant 5 : i32
    %eq3A_707 = vector.broadcast %eq3A_706 : i32 to vector<16xi32>
    %eq3A_708 = arith.cmpi eq, %iota3A, %eq3A_707 : vector<16xi32>
    %select_n3A_709 = arith.select %eq3A_708, %min3A_705, %select_n3A_590 : vector<16xi1>, vector<16xi32>
    %eq3A_710 = arith.constant 5 : i32
    %eq3A_711 = vector.broadcast %eq3A_710 : i32 to vector<16xi32>
    %eq3A_712 = arith.cmpi eq, %iota3A, %eq3A_711 : vector<16xi32>
    %select_n3A_713 = arith.select %eq3A_712, %max3A_653, %select_n3A_594 : vector<16xi1>, vector<16xf32>
    %broadcast_in_dim3A_714 = arith.constant -1.000000e+30 : f32
    %broadcast_in_dim3A_715 = vector.broadcast %broadcast_in_dim3A_714 : f32 to vector<16xf32>
    %broadcast_in_dim3A_716 = arith.constant 0 : i32
    %broadcast_in_dim3A_717 = vector.broadcast %broadcast_in_dim3A_716 : i32 to vector<16xi32>
    %scan3A_718 = arith.constant -1.000000e+30 : f32
    %scan3A_719 = arith.constant 0 : i32
    %scan3A_720 = arith.constant 128 : i32
    %scan3A_721 = arith.addi %scan3A_719, %scan3A_720 : i32
    %scan3A_722 = arith.constant 1 : i32
    %scan3A_723:2 = scf.for %scan3A_1017 = %scan3A_719 to %scan3A_721 step %scan3A_722 iter_args(%scan3A_1018 = %broadcast_in_dim3A_715, %scan3A_1019 = %broadcast_in_dim3A_717) -> (vector<16xf32>, vector<16xi32>)  : i32 {
      %mul3A_1020 = arith.constant 16 : i32
      %mul3A_1021 = arith.muli %scan3A_1017, %mul3A_1020 : i32
      %add3A_1022 = vector.broadcast %mul3A_1021 : i32 to vector<16xi32>
      %add3A_1023 = arith.addi %iota3A, %add3A_1022 : vector<16xi32>
      %mul3A_1024 = arith.constant 16 : i32
      %mul3A_1025 = arith.muli %scan3A_1017, %mul3A_1024 : i32
      %get3A_1026 = arith.index_cast %mul3A_1025 : i32 to index
      %get3A_1027 = tpu.vector_load %arg5[%get3A_1026] {strides = array<i32>} : memref<2048xf32, #tpu.memory_space<vmem>>, vector<16xf32>,
      %get3A_1028 = vector.shape_cast %get3A_1027 : vector<16xf32> to vector<16xf32>
      %eq3A_1029 = arith.cmpi eq, %add3A_1023, %min3A_705 : vector<16xi32>
      %broadcast_in_dim3A_1030 = vector.broadcast %scan3A_718 : f32 to vector<16xf32>
      %select_n3A_1031 = arith.select %eq3A_1029, %broadcast_in_dim3A_1030, %get3A_1028 : vector<16xi1>, vector<16xf32>
      %mul3A_1032 = arith.constant 16 : i32
      %mul3A_1033 = arith.muli %scan3A_1017, %mul3A_1032 : i32
      %swap3A_1034 = arith.index_cast %mul3A_1033 : i32 to index
      %swap3A_1035 = tpu.vector_load %arg5[%swap3A_1034] {strides = array<i32>} : memref<2048xf32, #tpu.memory_space<vmem>>, vector<16xf32>,
      %swap3A_1036 = vector.shape_cast %swap3A_1035 : vector<16xf32> to vector<16xf32>
      %swap3A_1037 = vector.shape_cast %select_n3A_1031 : vector<16xf32> to vector<16xf32>
      tpu.vector_store %arg5[%swap3A_1034], %swap3A_1037 {strides = array<i32>} : memref<2048xf32, #tpu.memory_space<vmem>>, vector<16xf32>,
      %gt3A = arith.cmpf ogt, %select_n3A_1031, %scan3A_1018 : vector<16xf32>
      %select_n3A_1038 = arith.select %gt3A, %select_n3A_1031, %scan3A_1018 : vector<16xi1>, vector<16xf32>
      %select_n3A_1039 = arith.select %gt3A, %add3A_1023, %scan3A_1019 : vector<16xi1>, vector<16xi32>
      scf.yield %select_n3A_1038, %select_n3A_1039 : vector<16xf32>, vector<16xi32>
    }
    %scan3A_724 = arith.constant 128 : i32
    %swap3A_725 = arith.constant 0 : index
    %swap3A_726 = tpu.vector_load %arg6[%swap3A_725] {strides = array<i32>} : memref<32xf32, #tpu.memory_space<vmem>>, vector<16xf32>,
    %swap3A_727 = vector.shape_cast %swap3A_726 : vector<16xf32> to vector<16xf32>
    %swap3A_728 = vector.shape_cast %scan3A_723#0 : vector<16xf32> to vector<16xf32>
    tpu.vector_store %arg6[%swap3A_725], %swap3A_728 {strides = array<i32>} : memref<32xf32, #tpu.memory_space<vmem>>, vector<16xf32>,
    %swap3A_729 = arith.constant 16 : index
    %swap3A_730 = tpu.vector_load %arg6[%swap3A_729] {strides = array<i32>} : memref<32xf32, #tpu.memory_space<vmem>>, vector<16xf32>,
    %swap3A_731 = vector.shape_cast %swap3A_730 : vector<16xf32> to vector<16xf32>
    %swap3A_732 = vector.shape_cast %scan3A_723#0 : vector<16xf32> to vector<16xf32>
    tpu.vector_store %arg6[%swap3A_729], %swap3A_732 {strides = array<i32>} : memref<32xf32, #tpu.memory_space<vmem>>, vector<16xf32>,
    %get3A_733 = arith.constant 8 : index
    %get3A_734 = tpu.vector_load %arg6[%get3A_733] {strides = array<i32>} : memref<32xf32, #tpu.memory_space<vmem>>, vector<16xf32>,
    %get3A_735 = vector.shape_cast %get3A_734 : vector<16xf32> to vector<16xf32>
    %max3A_736 = arith.maximumf %scan3A_723#0, %get3A_735 : vector<16xf32>
    %swap3A_737 = arith.constant 0 : index
    %swap3A_738 = tpu.vector_load %arg6[%swap3A_737] {strides = array<i32>} : memref<32xf32, #tpu.memory_space<vmem>>, vector<16xf32>,
    %swap3A_739 = vector.shape_cast %swap3A_738 : vector<16xf32> to vector<16xf32>
    %swap3A_740 = vector.shape_cast %max3A_736 : vector<16xf32> to vector<16xf32>
    tpu.vector_store %arg6[%swap3A_737], %swap3A_740 {strides = array<i32>} : memref<32xf32, #tpu.memory_space<vmem>>, vector<16xf32>,
    %swap3A_741 = arith.constant 16 : index
    %swap3A_742 = tpu.vector_load %arg6[%swap3A_741] {strides = array<i32>} : memref<32xf32, #tpu.memory_space<vmem>>, vector<16xf32>,
    %swap3A_743 = vector.shape_cast %swap3A_742 : vector<16xf32> to vector<16xf32>
    %swap3A_744 = vector.shape_cast %max3A_736 : vector<16xf32> to vector<16xf32>
    tpu.vector_store %arg6[%swap3A_741], %swap3A_744 {strides = array<i32>} : memref<32xf32, #tpu.memory_space<vmem>>, vector<16xf32>,
    %get3A_745 = arith.constant 4 : index
    %get3A_746 = tpu.vector_load %arg6[%get3A_745] {strides = array<i32>} : memref<32xf32, #tpu.memory_space<vmem>>, vector<16xf32>,
    %get3A_747 = vector.shape_cast %get3A_746 : vector<16xf32> to vector<16xf32>
    %max3A_748 = arith.maximumf %max3A_736, %get3A_747 : vector<16xf32>
    %swap3A_749 = arith.constant 0 : index
    %swap3A_750 = tpu.vector_load %arg6[%swap3A_749] {strides = array<i32>} : memref<32xf32, #tpu.memory_space<vmem>>, vector<16xf32>,
    %swap3A_751 = vector.shape_cast %swap3A_750 : vector<16xf32> to vector<16xf32>
    %swap3A_752 = vector.shape_cast %max3A_748 : vector<16xf32> to vector<16xf32>
    tpu.vector_store %arg6[%swap3A_749], %swap3A_752 {strides = array<i32>} : memref<32xf32, #tpu.memory_space<vmem>>, vector<16xf32>,
    %swap3A_753 = arith.constant 16 : index
    %swap3A_754 = tpu.vector_load %arg6[%swap3A_753] {strides = array<i32>} : memref<32xf32, #tpu.memory_space<vmem>>, vector<16xf32>,
    %swap3A_755 = vector.shape_cast %swap3A_754 : vector<16xf32> to vector<16xf32>
    %swap3A_756 = vector.shape_cast %max3A_748 : vector<16xf32> to vector<16xf32>
    tpu.vector_store %arg6[%swap3A_753], %swap3A_756 {strides = array<i32>} : memref<32xf32, #tpu.memory_space<vmem>>, vector<16xf32>,
    %get3A_757 = arith.constant 2 : index
    %get3A_758 = tpu.vector_load %arg6[%get3A_757] {strides = array<i32>} : memref<32xf32, #tpu.memory_space<vmem>>, vector<16xf32>,
    %get3A_759 = vector.shape_cast %get3A_758 : vector<16xf32> to vector<16xf32>
    %max3A_760 = arith.maximumf %max3A_748, %get3A_759 : vector<16xf32>
    %swap3A_761 = arith.constant 0 : index
    %swap3A_762 = tpu.vector_load %arg6[%swap3A_761] {strides = array<i32>} : memref<32xf32, #tpu.memory_space<vmem>>, vector<16xf32>,
    %swap3A_763 = vector.shape_cast %swap3A_762 : vector<16xf32> to vector<16xf32>
    %swap3A_764 = vector.shape_cast %max3A_760 : vector<16xf32> to vector<16xf32>
    tpu.vector_store %arg6[%swap3A_761], %swap3A_764 {strides = array<i32>} : memref<32xf32, #tpu.memory_space<vmem>>, vector<16xf32>,
    %swap3A_765 = arith.constant 16 : index
    %swap3A_766 = tpu.vector_load %arg6[%swap3A_765] {strides = array<i32>} : memref<32xf32, #tpu.memory_space<vmem>>, vector<16xf32>,
    %swap3A_767 = vector.shape_cast %swap3A_766 : vector<16xf32> to vector<16xf32>
    %swap3A_768 = vector.shape_cast %max3A_760 : vector<16xf32> to vector<16xf32>
    tpu.vector_store %arg6[%swap3A_765], %swap3A_768 {strides = array<i32>} : memref<32xf32, #tpu.memory_space<vmem>>, vector<16xf32>,
    %get3A_769 = arith.constant 1 : index
    %get3A_770 = tpu.vector_load %arg6[%get3A_769] {strides = array<i32>} : memref<32xf32, #tpu.memory_space<vmem>>, vector<16xf32>,
    %get3A_771 = vector.shape_cast %get3A_770 : vector<16xf32> to vector<16xf32>
    %max3A_772 = arith.maximumf %max3A_760, %get3A_771 : vector<16xf32>
    %eq3A_773 = arith.cmpf oeq, %scan3A_723#0, %max3A_772 : vector<16xf32>
    %jit3A_774 = arith.constant 2048 : i32
    %broadcast_in_dim3A_775 = vector.broadcast %jit3A_774 : i32 to vector<16xi32>
    %select_n3A_776 = arith.select %eq3A_773, %scan3A_723#1, %broadcast_in_dim3A_775 : vector<16xi1>, vector<16xi32>
    %swap3A_777 = arith.constant 0 : index
    %swap3A_778 = tpu.vector_load %arg7[%swap3A_777] {strides = array<i32>} : memref<32xi32, #tpu.memory_space<vmem>>, vector<16xi32>,
    %swap3A_779 = vector.shape_cast %swap3A_778 : vector<16xi32> to vector<16xi32>
    %swap3A_780 = vector.shape_cast %select_n3A_776 : vector<16xi32> to vector<16xi32>
    tpu.vector_store %arg7[%swap3A_777], %swap3A_780 {strides = array<i32>} : memref<32xi32, #tpu.memory_space<vmem>>, vector<16xi32>,
    %swap3A_781 = arith.constant 16 : index
    %swap3A_782 = tpu.vector_load %arg7[%swap3A_781] {strides = array<i32>} : memref<32xi32, #tpu.memory_space<vmem>>, vector<16xi32>,
    %swap3A_783 = vector.shape_cast %swap3A_782 : vector<16xi32> to vector<16xi32>
    %swap3A_784 = vector.shape_cast %select_n3A_776 : vector<16xi32> to vector<16xi32>
    tpu.vector_store %arg7[%swap3A_781], %swap3A_784 {strides = array<i32>} : memref<32xi32, #tpu.memory_space<vmem>>, vector<16xi32>,
    %get3A_785 = arith.constant 8 : index
    %get3A_786 = tpu.vector_load %arg7[%get3A_785] {strides = array<i32>} : memref<32xi32, #tpu.memory_space<vmem>>, vector<16xi32>,
    %get3A_787 = vector.shape_cast %get3A_786 : vector<16xi32> to vector<16xi32>
    %min3A_788 = arith.minsi %select_n3A_776, %get3A_787 : vector<16xi32>
    %swap3A_789 = arith.constant 0 : index
    %swap3A_790 = tpu.vector_load %arg7[%swap3A_789] {strides = array<i32>} : memref<32xi32, #tpu.memory_space<vmem>>, vector<16xi32>,
    %swap3A_791 = vector.shape_cast %swap3A_790 : vector<16xi32> to vector<16xi32>
    %swap3A_792 = vector.shape_cast %min3A_788 : vector<16xi32> to vector<16xi32>
    tpu.vector_store %arg7[%swap3A_789], %swap3A_792 {strides = array<i32>} : memref<32xi32, #tpu.memory_space<vmem>>, vector<16xi32>,
    %swap3A_793 = arith.constant 16 : index
    %swap3A_794 = tpu.vector_load %arg7[%swap3A_793] {strides = array<i32>} : memref<32xi32, #tpu.memory_space<vmem>>, vector<16xi32>,
    %swap3A_795 = vector.shape_cast %swap3A_794 : vector<16xi32> to vector<16xi32>
    %swap3A_796 = vector.shape_cast %min3A_788 : vector<16xi32> to vector<16xi32>
    tpu.vector_store %arg7[%swap3A_793], %swap3A_796 {strides = array<i32>} : memref<32xi32, #tpu.memory_space<vmem>>, vector<16xi32>,
    %get3A_797 = arith.constant 4 : index
    %get3A_798 = tpu.vector_load %arg7[%get3A_797] {strides = array<i32>} : memref<32xi32, #tpu.memory_space<vmem>>, vector<16xi32>,
    %get3A_799 = vector.shape_cast %get3A_798 : vector<16xi32> to vector<16xi32>
    %min3A_800 = arith.minsi %min3A_788, %get3A_799 : vector<16xi32>
    %swap3A_801 = arith.constant 0 : index
    %swap3A_802 = tpu.vector_load %arg7[%swap3A_801] {strides = array<i32>} : memref<32xi32, #tpu.memory_space<vmem>>, vector<16xi32>,
    %swap3A_803 = vector.shape_cast %swap3A_802 : vector<16xi32> to vector<16xi32>
    %swap3A_804 = vector.shape_cast %min3A_800 : vector<16xi32> to vector<16xi32>
    tpu.vector_store %arg7[%swap3A_801], %swap3A_804 {strides = array<i32>} : memref<32xi32, #tpu.memory_space<vmem>>, vector<16xi32>,
    %swap3A_805 = arith.constant 16 : index
    %swap3A_806 = tpu.vector_load %arg7[%swap3A_805] {strides = array<i32>} : memref<32xi32, #tpu.memory_space<vmem>>, vector<16xi32>,
    %swap3A_807 = vector.shape_cast %swap3A_806 : vector<16xi32> to vector<16xi32>
    %swap3A_808 = vector.shape_cast %min3A_800 : vector<16xi32> to vector<16xi32>
    tpu.vector_store %arg7[%swap3A_805], %swap3A_808 {strides = array<i32>} : memref<32xi32, #tpu.memory_space<vmem>>, vector<16xi32>,
    %get3A_809 = arith.constant 2 : index
    %get3A_810 = tpu.vector_load %arg7[%get3A_809] {strides = array<i32>} : memref<32xi32, #tpu.memory_space<vmem>>, vector<16xi32>,
    %get3A_811 = vector.shape_cast %get3A_810 : vector<16xi32> to vector<16xi32>
    %min3A_812 = arith.minsi %min3A_800, %get3A_811 : vector<16xi32>
    %swap3A_813 = arith.constant 0 : index
    %swap3A_814 = tpu.vector_load %arg7[%swap3A_813] {strides = array<i32>} : memref<32xi32, #tpu.memory_space<vmem>>, vector<16xi32>,
    %swap3A_815 = vector.shape_cast %swap3A_814 : vector<16xi32> to vector<16xi32>
    %swap3A_816 = vector.shape_cast %min3A_812 : vector<16xi32> to vector<16xi32>
    tpu.vector_store %arg7[%swap3A_813], %swap3A_816 {strides = array<i32>} : memref<32xi32, #tpu.memory_space<vmem>>, vector<16xi32>,
    %swap3A_817 = arith.constant 16 : index
    %swap3A_818 = tpu.vector_load %arg7[%swap3A_817] {strides = array<i32>} : memref<32xi32, #tpu.memory_space<vmem>>, vector<16xi32>,
    %swap3A_819 = vector.shape_cast %swap3A_818 : vector<16xi32> to vector<16xi32>
    %swap3A_820 = vector.shape_cast %min3A_812 : vector<16xi32> to vector<16xi32>
    tpu.vector_store %arg7[%swap3A_817], %swap3A_820 {strides = array<i32>} : memref<32xi32, #tpu.memory_space<vmem>>, vector<16xi32>,
    %get3A_821 = arith.constant 1 : index
    %get3A_822 = tpu.vector_load %arg7[%get3A_821] {strides = array<i32>} : memref<32xi32, #tpu.memory_space<vmem>>, vector<16xi32>,
    %get3A_823 = vector.shape_cast %get3A_822 : vector<16xi32> to vector<16xi32>
    %min3A_824 = arith.minsi %min3A_812, %get3A_823 : vector<16xi32>
    %eq3A_825 = arith.constant 6 : i32
    %eq3A_826 = vector.broadcast %eq3A_825 : i32 to vector<16xi32>
    %eq3A_827 = arith.cmpi eq, %iota3A, %eq3A_826 : vector<16xi32>
    %select_n3A_828 = arith.select %eq3A_827, %min3A_824, %select_n3A_709 : vector<16xi1>, vector<16xi32>
    %eq3A_829 = arith.constant 6 : i32
    %eq3A_830 = vector.broadcast %eq3A_829 : i32 to vector<16xi32>
    %eq3A_831 = arith.cmpi eq, %iota3A, %eq3A_830 : vector<16xi32>
    %select_n3A_832 = arith.select %eq3A_831, %max3A_772, %select_n3A_713 : vector<16xi1>, vector<16xf32>
    %broadcast_in_dim3A_833 = arith.constant -1.000000e+30 : f32
    %broadcast_in_dim3A_834 = vector.broadcast %broadcast_in_dim3A_833 : f32 to vector<16xf32>
    %broadcast_in_dim3A_835 = arith.constant 0 : i32
    %broadcast_in_dim3A_836 = vector.broadcast %broadcast_in_dim3A_835 : i32 to vector<16xi32>
    %scan3A_837 = arith.constant -1.000000e+30 : f32
    %scan3A_838 = arith.constant 0 : i32
    %scan3A_839 = arith.constant 128 : i32
    %scan3A_840 = arith.addi %scan3A_838, %scan3A_839 : i32
    %scan3A_841 = arith.constant 1 : i32
    %scan3A_842:2 = scf.for %scan3A_1017 = %scan3A_838 to %scan3A_840 step %scan3A_841 iter_args(%scan3A_1018 = %broadcast_in_dim3A_834, %scan3A_1019 = %broadcast_in_dim3A_836) -> (vector<16xf32>, vector<16xi32>)  : i32 {
      %mul3A_1020 = arith.constant 16 : i32
      %mul3A_1021 = arith.muli %scan3A_1017, %mul3A_1020 : i32
      %add3A_1022 = vector.broadcast %mul3A_1021 : i32 to vector<16xi32>
      %add3A_1023 = arith.addi %iota3A, %add3A_1022 : vector<16xi32>
      %mul3A_1024 = arith.constant 16 : i32
      %mul3A_1025 = arith.muli %scan3A_1017, %mul3A_1024 : i32
      %get3A_1026 = arith.index_cast %mul3A_1025 : i32 to index
      %get3A_1027 = tpu.vector_load %arg5[%get3A_1026] {strides = array<i32>} : memref<2048xf32, #tpu.memory_space<vmem>>, vector<16xf32>,
      %get3A_1028 = vector.shape_cast %get3A_1027 : vector<16xf32> to vector<16xf32>
      %eq3A_1029 = arith.cmpi eq, %add3A_1023, %min3A_824 : vector<16xi32>
      %broadcast_in_dim3A_1030 = vector.broadcast %scan3A_837 : f32 to vector<16xf32>
      %select_n3A_1031 = arith.select %eq3A_1029, %broadcast_in_dim3A_1030, %get3A_1028 : vector<16xi1>, vector<16xf32>
      %mul3A_1032 = arith.constant 16 : i32
      %mul3A_1033 = arith.muli %scan3A_1017, %mul3A_1032 : i32
      %swap3A_1034 = arith.index_cast %mul3A_1033 : i32 to index
      %swap3A_1035 = tpu.vector_load %arg5[%swap3A_1034] {strides = array<i32>} : memref<2048xf32, #tpu.memory_space<vmem>>, vector<16xf32>,
      %swap3A_1036 = vector.shape_cast %swap3A_1035 : vector<16xf32> to vector<16xf32>
      %swap3A_1037 = vector.shape_cast %select_n3A_1031 : vector<16xf32> to vector<16xf32>
      tpu.vector_store %arg5[%swap3A_1034], %swap3A_1037 {strides = array<i32>} : memref<2048xf32, #tpu.memory_space<vmem>>, vector<16xf32>,
      %gt3A = arith.cmpf ogt, %select_n3A_1031, %scan3A_1018 : vector<16xf32>
      %select_n3A_1038 = arith.select %gt3A, %select_n3A_1031, %scan3A_1018 : vector<16xi1>, vector<16xf32>
      %select_n3A_1039 = arith.select %gt3A, %add3A_1023, %scan3A_1019 : vector<16xi1>, vector<16xi32>
      scf.yield %select_n3A_1038, %select_n3A_1039 : vector<16xf32>, vector<16xi32>
    }
    %scan3A_843 = arith.constant 128 : i32
    %swap3A_844 = arith.constant 0 : index
    %swap3A_845 = tpu.vector_load %arg6[%swap3A_844] {strides = array<i32>} : memref<32xf32, #tpu.memory_space<vmem>>, vector<16xf32>,
    %swap3A_846 = vector.shape_cast %swap3A_845 : vector<16xf32> to vector<16xf32>
    %swap3A_847 = vector.shape_cast %scan3A_842#0 : vector<16xf32> to vector<16xf32>
    tpu.vector_store %arg6[%swap3A_844], %swap3A_847 {strides = array<i32>} : memref<32xf32, #tpu.memory_space<vmem>>, vector<16xf32>,
    %swap3A_848 = arith.constant 16 : index
    %swap3A_849 = tpu.vector_load %arg6[%swap3A_848] {strides = array<i32>} : memref<32xf32, #tpu.memory_space<vmem>>, vector<16xf32>,
    %swap3A_850 = vector.shape_cast %swap3A_849 : vector<16xf32> to vector<16xf32>
    %swap3A_851 = vector.shape_cast %scan3A_842#0 : vector<16xf32> to vector<16xf32>
    tpu.vector_store %arg6[%swap3A_848], %swap3A_851 {strides = array<i32>} : memref<32xf32, #tpu.memory_space<vmem>>, vector<16xf32>,
    %get3A_852 = arith.constant 8 : index
    %get3A_853 = tpu.vector_load %arg6[%get3A_852] {strides = array<i32>} : memref<32xf32, #tpu.memory_space<vmem>>, vector<16xf32>,
    %get3A_854 = vector.shape_cast %get3A_853 : vector<16xf32> to vector<16xf32>
    %max3A_855 = arith.maximumf %scan3A_842#0, %get3A_854 : vector<16xf32>
    %swap3A_856 = arith.constant 0 : index
    %swap3A_857 = tpu.vector_load %arg6[%swap3A_856] {strides = array<i32>} : memref<32xf32, #tpu.memory_space<vmem>>, vector<16xf32>,
    %swap3A_858 = vector.shape_cast %swap3A_857 : vector<16xf32> to vector<16xf32>
    %swap3A_859 = vector.shape_cast %max3A_855 : vector<16xf32> to vector<16xf32>
    tpu.vector_store %arg6[%swap3A_856], %swap3A_859 {strides = array<i32>} : memref<32xf32, #tpu.memory_space<vmem>>, vector<16xf32>,
    %swap3A_860 = arith.constant 16 : index
    %swap3A_861 = tpu.vector_load %arg6[%swap3A_860] {strides = array<i32>} : memref<32xf32, #tpu.memory_space<vmem>>, vector<16xf32>,
    %swap3A_862 = vector.shape_cast %swap3A_861 : vector<16xf32> to vector<16xf32>
    %swap3A_863 = vector.shape_cast %max3A_855 : vector<16xf32> to vector<16xf32>
    tpu.vector_store %arg6[%swap3A_860], %swap3A_863 {strides = array<i32>} : memref<32xf32, #tpu.memory_space<vmem>>, vector<16xf32>,
    %get3A_864 = arith.constant 4 : index
    %get3A_865 = tpu.vector_load %arg6[%get3A_864] {strides = array<i32>} : memref<32xf32, #tpu.memory_space<vmem>>, vector<16xf32>,
    %get3A_866 = vector.shape_cast %get3A_865 : vector<16xf32> to vector<16xf32>
    %max3A_867 = arith.maximumf %max3A_855, %get3A_866 : vector<16xf32>
    %swap3A_868 = arith.constant 0 : index
    %swap3A_869 = tpu.vector_load %arg6[%swap3A_868] {strides = array<i32>} : memref<32xf32, #tpu.memory_space<vmem>>, vector<16xf32>,
    %swap3A_870 = vector.shape_cast %swap3A_869 : vector<16xf32> to vector<16xf32>
    %swap3A_871 = vector.shape_cast %max3A_867 : vector<16xf32> to vector<16xf32>
    tpu.vector_store %arg6[%swap3A_868], %swap3A_871 {strides = array<i32>} : memref<32xf32, #tpu.memory_space<vmem>>, vector<16xf32>,
    %swap3A_872 = arith.constant 16 : index
    %swap3A_873 = tpu.vector_load %arg6[%swap3A_872] {strides = array<i32>} : memref<32xf32, #tpu.memory_space<vmem>>, vector<16xf32>,
    %swap3A_874 = vector.shape_cast %swap3A_873 : vector<16xf32> to vector<16xf32>
    %swap3A_875 = vector.shape_cast %max3A_867 : vector<16xf32> to vector<16xf32>
    tpu.vector_store %arg6[%swap3A_872], %swap3A_875 {strides = array<i32>} : memref<32xf32, #tpu.memory_space<vmem>>, vector<16xf32>,
    %get3A_876 = arith.constant 2 : index
    %get3A_877 = tpu.vector_load %arg6[%get3A_876] {strides = array<i32>} : memref<32xf32, #tpu.memory_space<vmem>>, vector<16xf32>,
    %get3A_878 = vector.shape_cast %get3A_877 : vector<16xf32> to vector<16xf32>
    %max3A_879 = arith.maximumf %max3A_867, %get3A_878 : vector<16xf32>
    %swap3A_880 = arith.constant 0 : index
    %swap3A_881 = tpu.vector_load %arg6[%swap3A_880] {strides = array<i32>} : memref<32xf32, #tpu.memory_space<vmem>>, vector<16xf32>,
    %swap3A_882 = vector.shape_cast %swap3A_881 : vector<16xf32> to vector<16xf32>
    %swap3A_883 = vector.shape_cast %max3A_879 : vector<16xf32> to vector<16xf32>
    tpu.vector_store %arg6[%swap3A_880], %swap3A_883 {strides = array<i32>} : memref<32xf32, #tpu.memory_space<vmem>>, vector<16xf32>,
    %swap3A_884 = arith.constant 16 : index
    %swap3A_885 = tpu.vector_load %arg6[%swap3A_884] {strides = array<i32>} : memref<32xf32, #tpu.memory_space<vmem>>, vector<16xf32>,
    %swap3A_886 = vector.shape_cast %swap3A_885 : vector<16xf32> to vector<16xf32>
    %swap3A_887 = vector.shape_cast %max3A_879 : vector<16xf32> to vector<16xf32>
    tpu.vector_store %arg6[%swap3A_884], %swap3A_887 {strides = array<i32>} : memref<32xf32, #tpu.memory_space<vmem>>, vector<16xf32>,
    %get3A_888 = arith.constant 1 : index
    %get3A_889 = tpu.vector_load %arg6[%get3A_888] {strides = array<i32>} : memref<32xf32, #tpu.memory_space<vmem>>, vector<16xf32>,
    %get3A_890 = vector.shape_cast %get3A_889 : vector<16xf32> to vector<16xf32>
    %max3A_891 = arith.maximumf %max3A_879, %get3A_890 : vector<16xf32>
    %eq3A_892 = arith.cmpf oeq, %scan3A_842#0, %max3A_891 : vector<16xf32>
    %jit3A_893 = arith.constant 2048 : i32
    %broadcast_in_dim3A_894 = vector.broadcast %jit3A_893 : i32 to vector<16xi32>
    %select_n3A_895 = arith.select %eq3A_892, %scan3A_842#1, %broadcast_in_dim3A_894 : vector<16xi1>, vector<16xi32>
    %swap3A_896 = arith.constant 0 : index
    %swap3A_897 = tpu.vector_load %arg7[%swap3A_896] {strides = array<i32>} : memref<32xi32, #tpu.memory_space<vmem>>, vector<16xi32>,
    %swap3A_898 = vector.shape_cast %swap3A_897 : vector<16xi32> to vector<16xi32>
    %swap3A_899 = vector.shape_cast %select_n3A_895 : vector<16xi32> to vector<16xi32>
    tpu.vector_store %arg7[%swap3A_896], %swap3A_899 {strides = array<i32>} : memref<32xi32, #tpu.memory_space<vmem>>, vector<16xi32>,
    %swap3A_900 = arith.constant 16 : index
    %swap3A_901 = tpu.vector_load %arg7[%swap3A_900] {strides = array<i32>} : memref<32xi32, #tpu.memory_space<vmem>>, vector<16xi32>,
    %swap3A_902 = vector.shape_cast %swap3A_901 : vector<16xi32> to vector<16xi32>
    %swap3A_903 = vector.shape_cast %select_n3A_895 : vector<16xi32> to vector<16xi32>
    tpu.vector_store %arg7[%swap3A_900], %swap3A_903 {strides = array<i32>} : memref<32xi32, #tpu.memory_space<vmem>>, vector<16xi32>,
    %get3A_904 = arith.constant 8 : index
    %get3A_905 = tpu.vector_load %arg7[%get3A_904] {strides = array<i32>} : memref<32xi32, #tpu.memory_space<vmem>>, vector<16xi32>,
    %get3A_906 = vector.shape_cast %get3A_905 : vector<16xi32> to vector<16xi32>
    %min3A_907 = arith.minsi %select_n3A_895, %get3A_906 : vector<16xi32>
    %swap3A_908 = arith.constant 0 : index
    %swap3A_909 = tpu.vector_load %arg7[%swap3A_908] {strides = array<i32>} : memref<32xi32, #tpu.memory_space<vmem>>, vector<16xi32>,
    %swap3A_910 = vector.shape_cast %swap3A_909 : vector<16xi32> to vector<16xi32>
    %swap3A_911 = vector.shape_cast %min3A_907 : vector<16xi32> to vector<16xi32>
    tpu.vector_store %arg7[%swap3A_908], %swap3A_911 {strides = array<i32>} : memref<32xi32, #tpu.memory_space<vmem>>, vector<16xi32>,
    %swap3A_912 = arith.constant 16 : index
    %swap3A_913 = tpu.vector_load %arg7[%swap3A_912] {strides = array<i32>} : memref<32xi32, #tpu.memory_space<vmem>>, vector<16xi32>,
    %swap3A_914 = vector.shape_cast %swap3A_913 : vector<16xi32> to vector<16xi32>
    %swap3A_915 = vector.shape_cast %min3A_907 : vector<16xi32> to vector<16xi32>
    tpu.vector_store %arg7[%swap3A_912], %swap3A_915 {strides = array<i32>} : memref<32xi32, #tpu.memory_space<vmem>>, vector<16xi32>,
    %get3A_916 = arith.constant 4 : index
    %get3A_917 = tpu.vector_load %arg7[%get3A_916] {strides = array<i32>} : memref<32xi32, #tpu.memory_space<vmem>>, vector<16xi32>,
    %get3A_918 = vector.shape_cast %get3A_917 : vector<16xi32> to vector<16xi32>
    %min3A_919 = arith.minsi %min3A_907, %get3A_918 : vector<16xi32>
    %swap3A_920 = arith.constant 0 : index
    %swap3A_921 = tpu.vector_load %arg7[%swap3A_920] {strides = array<i32>} : memref<32xi32, #tpu.memory_space<vmem>>, vector<16xi32>,
    %swap3A_922 = vector.shape_cast %swap3A_921 : vector<16xi32> to vector<16xi32>
    %swap3A_923 = vector.shape_cast %min3A_919 : vector<16xi32> to vector<16xi32>
    tpu.vector_store %arg7[%swap3A_920], %swap3A_923 {strides = array<i32>} : memref<32xi32, #tpu.memory_space<vmem>>, vector<16xi32>,
    %swap3A_924 = arith.constant 16 : index
    %swap3A_925 = tpu.vector_load %arg7[%swap3A_924] {strides = array<i32>} : memref<32xi32, #tpu.memory_space<vmem>>, vector<16xi32>,
    %swap3A_926 = vector.shape_cast %swap3A_925 : vector<16xi32> to vector<16xi32>
    %swap3A_927 = vector.shape_cast %min3A_919 : vector<16xi32> to vector<16xi32>
    tpu.vector_store %arg7[%swap3A_924], %swap3A_927 {strides = array<i32>} : memref<32xi32, #tpu.memory_space<vmem>>, vector<16xi32>,
    %get3A_928 = arith.constant 2 : index
    %get3A_929 = tpu.vector_load %arg7[%get3A_928] {strides = array<i32>} : memref<32xi32, #tpu.memory_space<vmem>>, vector<16xi32>,
    %get3A_930 = vector.shape_cast %get3A_929 : vector<16xi32> to vector<16xi32>
    %min3A_931 = arith.minsi %min3A_919, %get3A_930 : vector<16xi32>
    %swap3A_932 = arith.constant 0 : index
    %swap3A_933 = tpu.vector_load %arg7[%swap3A_932] {strides = array<i32>} : memref<32xi32, #tpu.memory_space<vmem>>, vector<16xi32>,
    %swap3A_934 = vector.shape_cast %swap3A_933 : vector<16xi32> to vector<16xi32>
    %swap3A_935 = vector.shape_cast %min3A_931 : vector<16xi32> to vector<16xi32>
    tpu.vector_store %arg7[%swap3A_932], %swap3A_935 {strides = array<i32>} : memref<32xi32, #tpu.memory_space<vmem>>, vector<16xi32>,
    %swap3A_936 = arith.constant 16 : index
    %swap3A_937 = tpu.vector_load %arg7[%swap3A_936] {strides = array<i32>} : memref<32xi32, #tpu.memory_space<vmem>>, vector<16xi32>,
    %swap3A_938 = vector.shape_cast %swap3A_937 : vector<16xi32> to vector<16xi32>
    %swap3A_939 = vector.shape_cast %min3A_931 : vector<16xi32> to vector<16xi32>
    tpu.vector_store %arg7[%swap3A_936], %swap3A_939 {strides = array<i32>} : memref<32xi32, #tpu.memory_space<vmem>>, vector<16xi32>,
    %get3A_940 = arith.constant 1 : index
    %get3A_941 = tpu.vector_load %arg7[%get3A_940] {strides = array<i32>} : memref<32xi32, #tpu.memory_space<vmem>>, vector<16xi32>,
    %get3A_942 = vector.shape_cast %get3A_941 : vector<16xi32> to vector<16xi32>
    %min3A_943 = arith.minsi %min3A_931, %get3A_942 : vector<16xi32>
    %eq3A_944 = arith.constant 7 : i32
    %eq3A_945 = vector.broadcast %eq3A_944 : i32 to vector<16xi32>
    %eq3A_946 = arith.cmpi eq, %iota3A, %eq3A_945 : vector<16xi32>
    %select_n3A_947 = arith.select %eq3A_946, %min3A_943, %select_n3A_828 : vector<16xi1>, vector<16xi32>
    %eq3A_948 = arith.constant 7 : i32
    %eq3A_949 = vector.broadcast %eq3A_948 : i32 to vector<16xi32>
    %eq3A_950 = arith.cmpi eq, %iota3A, %eq3A_949 : vector<16xi32>
    %select_n3A_951 = arith.select %eq3A_950, %max3A_891, %select_n3A_832 : vector<16xi1>, vector<16xf32>
    %lt3A = arith.constant 8 : i32
    %lt3A_952 = vector.broadcast %lt3A : i32 to vector<16xi32>
    %lt3A_953 = arith.cmpi slt, %iota3A, %lt3A_952 : vector<16xi32>
    %sub3A = arith.subf %select_n3A_951, %max3A_62 : vector<16xf32>
    %exp3A = math.exp %sub3A : vector<16xf32>
    %jit3A_954 = arith.constant 0.000000e+00 : f32
    %broadcast_in_dim3A_955 = vector.broadcast %jit3A_954 : f32 to vector<16xf32>
    %select_n3A_956 = arith.select %lt3A_953, %exp3A, %broadcast_in_dim3A_955 : vector<16xi1>, vector<16xf32>
    %swap3A_957 = arith.constant 0 : index
    %swap3A_958 = tpu.vector_load %arg6[%swap3A_957] {strides = array<i32>} : memref<32xf32, #tpu.memory_space<vmem>>, vector<16xf32>,
    %swap3A_959 = vector.shape_cast %swap3A_958 : vector<16xf32> to vector<16xf32>
    %swap3A_960 = vector.shape_cast %select_n3A_956 : vector<16xf32> to vector<16xf32>
    tpu.vector_store %arg6[%swap3A_957], %swap3A_960 {strides = array<i32>} : memref<32xf32, #tpu.memory_space<vmem>>, vector<16xf32>,
    %swap3A_961 = arith.constant 16 : index
    %swap3A_962 = tpu.vector_load %arg6[%swap3A_961] {strides = array<i32>} : memref<32xf32, #tpu.memory_space<vmem>>, vector<16xf32>,
    %swap3A_963 = vector.shape_cast %swap3A_962 : vector<16xf32> to vector<16xf32>
    %swap3A_964 = vector.shape_cast %select_n3A_956 : vector<16xf32> to vector<16xf32>
    tpu.vector_store %arg6[%swap3A_961], %swap3A_964 {strides = array<i32>} : memref<32xf32, #tpu.memory_space<vmem>>, vector<16xf32>,
    %get3A_965 = arith.constant 8 : index
    %get3A_966 = tpu.vector_load %arg6[%get3A_965] {strides = array<i32>} : memref<32xf32, #tpu.memory_space<vmem>>, vector<16xf32>,
    %get3A_967 = vector.shape_cast %get3A_966 : vector<16xf32> to vector<16xf32>
    %add3A_968 = arith.addf %select_n3A_956, %get3A_967 : vector<16xf32>
    %swap3A_969 = arith.constant 0 : index
    %swap3A_970 = tpu.vector_load %arg6[%swap3A_969] {strides = array<i32>} : memref<32xf32, #tpu.memory_space<vmem>>, vector<16xf32>,
    %swap3A_971 = vector.shape_cast %swap3A_970 : vector<16xf32> to vector<16xf32>
    %swap3A_972 = vector.shape_cast %add3A_968 : vector<16xf32> to vector<16xf32>
    tpu.vector_store %arg6[%swap3A_969], %swap3A_972 {strides = array<i32>} : memref<32xf32, #tpu.memory_space<vmem>>, vector<16xf32>,
    %swap3A_973 = arith.constant 16 : index
    %swap3A_974 = tpu.vector_load %arg6[%swap3A_973] {strides = array<i32>} : memref<32xf32, #tpu.memory_space<vmem>>, vector<16xf32>,
    %swap3A_975 = vector.shape_cast %swap3A_974 : vector<16xf32> to vector<16xf32>
    %swap3A_976 = vector.shape_cast %add3A_968 : vector<16xf32> to vector<16xf32>
    tpu.vector_store %arg6[%swap3A_973], %swap3A_976 {strides = array<i32>} : memref<32xf32, #tpu.memory_space<vmem>>, vector<16xf32>,
    %get3A_977 = arith.constant 4 : index
    %get3A_978 = tpu.vector_load %arg6[%get3A_977] {strides = array<i32>} : memref<32xf32, #tpu.memory_space<vmem>>, vector<16xf32>,
    %get3A_979 = vector.shape_cast %get3A_978 : vector<16xf32> to vector<16xf32>
    %add3A_980 = arith.addf %add3A_968, %get3A_979 : vector<16xf32>
    %swap3A_981 = arith.constant 0 : index
    %swap3A_982 = tpu.vector_load %arg6[%swap3A_981] {strides = array<i32>} : memref<32xf32, #tpu.memory_space<vmem>>, vector<16xf32>,
    %swap3A_983 = vector.shape_cast %swap3A_982 : vector<16xf32> to vector<16xf32>
    %swap3A_984 = vector.shape_cast %add3A_980 : vector<16xf32> to vector<16xf32>
    tpu.vector_store %arg6[%swap3A_981], %swap3A_984 {strides = array<i32>} : memref<32xf32, #tpu.memory_space<vmem>>, vector<16xf32>,
    %swap3A_985 = arith.constant 16 : index
    %swap3A_986 = tpu.vector_load %arg6[%swap3A_985] {strides = array<i32>} : memref<32xf32, #tpu.memory_space<vmem>>, vector<16xf32>,
    %swap3A_987 = vector.shape_cast %swap3A_986 : vector<16xf32> to vector<16xf32>
    %swap3A_988 = vector.shape_cast %add3A_980 : vector<16xf32> to vector<16xf32>
    tpu.vector_store %arg6[%swap3A_985], %swap3A_988 {strides = array<i32>} : memref<32xf32, #tpu.memory_space<vmem>>, vector<16xf32>,
    %get3A_989 = arith.constant 2 : index
    %get3A_990 = tpu.vector_load %arg6[%get3A_989] {strides = array<i32>} : memref<32xf32, #tpu.memory_space<vmem>>, vector<16xf32>,
    %get3A_991 = vector.shape_cast %get3A_990 : vector<16xf32> to vector<16xf32>
    %add3A_992 = arith.addf %add3A_980, %get3A_991 : vector<16xf32>
    %swap3A_993 = arith.constant 0 : index
    %swap3A_994 = tpu.vector_load %arg6[%swap3A_993] {strides = array<i32>} : memref<32xf32, #tpu.memory_space<vmem>>, vector<16xf32>,
    %swap3A_995 = vector.shape_cast %swap3A_994 : vector<16xf32> to vector<16xf32>
    %swap3A_996 = vector.shape_cast %add3A_992 : vector<16xf32> to vector<16xf32>
    tpu.vector_store %arg6[%swap3A_993], %swap3A_996 {strides = array<i32>} : memref<32xf32, #tpu.memory_space<vmem>>, vector<16xf32>,
    %swap3A_997 = arith.constant 16 : index
    %swap3A_998 = tpu.vector_load %arg6[%swap3A_997] {strides = array<i32>} : memref<32xf32, #tpu.memory_space<vmem>>, vector<16xf32>,
    %swap3A_999 = vector.shape_cast %swap3A_998 : vector<16xf32> to vector<16xf32>
    %swap3A_1000 = vector.shape_cast %add3A_992 : vector<16xf32> to vector<16xf32>
    tpu.vector_store %arg6[%swap3A_997], %swap3A_1000 {strides = array<i32>} : memref<32xf32, #tpu.memory_space<vmem>>, vector<16xf32>,
    %get3A_1001 = arith.constant 1 : index
    %get3A_1002 = tpu.vector_load %arg6[%get3A_1001] {strides = array<i32>} : memref<32xf32, #tpu.memory_space<vmem>>, vector<16xf32>,
    %get3A_1003 = vector.shape_cast %get3A_1002 : vector<16xf32> to vector<16xf32>
    %add3A_1004 = arith.addf %add3A_992, %get3A_1003 : vector<16xf32>
    %div3A = arith.divf %select_n3A_956, %add3A_1004 : vector<16xf32>
    %swap3A_1005 = arith.constant 0 : index
    %swap3A_1006 = tpu.vector_load %arg8[%swap3A_1005] {strides = array<i32>} : memref<16xi32, #tpu.memory_space<vmem>>, vector<16xi32>,
    %swap3A_1007 = vector.shape_cast %swap3A_1006 : vector<16xi32> to vector<16xi32>
    %swap3A_1008 = vector.shape_cast %select_n3A_947 : vector<16xi32> to vector<16xi32>
    tpu.vector_store %arg8[%swap3A_1005], %swap3A_1008 {strides = array<i32>} : memref<16xi32, #tpu.memory_space<vmem>>, vector<16xi32>,
    %swap3A_1009 = arith.constant 0 : index
    %swap3A_1010 = tpu.vector_load %arg9[%swap3A_1009] {strides = array<i32>} : memref<16xf32, #tpu.memory_space<vmem>>, vector<16xf32>,
    %swap3A_1011 = vector.shape_cast %swap3A_1010 : vector<16xf32> to vector<16xf32>
    %swap3A_1012 = vector.shape_cast %div3A : vector<16xf32> to vector<16xf32>
    tpu.vector_store %arg9[%swap3A_1009], %swap3A_1012 {strides = array<i32>} : memref<16xf32, #tpu.memory_space<vmem>>, vector<16xf32>,
    %mul3A_1013 = arith.constant 16 : i32
    %mul3A_1014 = arith.muli %add3A, %mul3A_1013 : i32
    "tpu.region"() ({
      %run_scoped3A = tpu.sem_alloc : memref<!tpu.dma_semaphore, #tpu.memory_space<semaphore_mem>>
      %dma_start3A = tpu.memref_slice %arg3[%mul3A_1014] : memref<512xi32, #tpu.memory_space<hbm>> -> memref<16xi32, #tpu.memory_space<hbm>>
      %dma_start3A_1017 = tpu.memref_slice %arg3[%mul3A_1014] : memref<512xi32, #tpu.memory_space<hbm>> -> memref<16xi32, #tpu.memory_space<hbm>>
      tpu.enqueue_dma source(%arg8 : memref<16xi32, #tpu.memory_space<vmem>>) target(%dma_start3A_1017 : memref<16xi32, #tpu.memory_space<hbm>>) target_semaphore(%run_scoped3A : memref<!tpu.dma_semaphore, #tpu.memory_space<semaphore_mem>>)
      %dma_wait3A = tpu.memref_slice %arg3[%mul3A_1014] : memref<512xi32, #tpu.memory_space<hbm>> -> memref<16xi32, #tpu.memory_space<hbm>>
      %dma_wait3A_1018 = tpu.memref_slice %arg3[%mul3A_1014] : memref<512xi32, #tpu.memory_space<hbm>> -> memref<16xi32, #tpu.memory_space<hbm>>
      tpu.wait_dma2 semaphore(%run_scoped3A : memref<!tpu.dma_semaphore, #tpu.memory_space<semaphore_mem>>) src(%arg8 : memref<16xi32, #tpu.memory_space<vmem>>) dst(%dma_wait3A_1018 : memref<16xi32, #tpu.memory_space<hbm>>)
      tpu.yield
    }) : () -> ()
    %mul3A_1015 = arith.constant 16 : i32
    %mul3A_1016 = arith.muli %add3A, %mul3A_1015 : i32
    "tpu.region"() ({
      %run_scoped3A = tpu.sem_alloc : memref<!tpu.dma_semaphore, #tpu.memory_space<semaphore_mem>>
      %dma_start3A = tpu.memref_slice %arg4[%mul3A_1016] : memref<512xf32, #tpu.memory_space<hbm>> -> memref<16xf32, #tpu.memory_space<hbm>>
      %dma_start3A_1017 = tpu.memref_slice %arg4[%mul3A_1016] : memref<512xf32, #tpu.memory_space<hbm>> -> memref<16xf32, #tpu.memory_space<hbm>>
      tpu.enqueue_dma source(%arg9 : memref<16xf32, #tpu.memory_space<vmem>>) target(%dma_start3A_1017 : memref<16xf32, #tpu.memory_space<hbm>>) target_semaphore(%run_scoped3A : memref<!tpu.dma_semaphore, #tpu.memory_space<semaphore_mem>>)
      %dma_wait3A = tpu.memref_slice %arg4[%mul3A_1016] : memref<512xf32, #tpu.memory_space<hbm>> -> memref<16xf32, #tpu.memory_space<hbm>>
      %dma_wait3A_1018 = tpu.memref_slice %arg4[%mul3A_1016] : memref<512xf32, #tpu.memory_space<hbm>> -> memref<16xf32, #tpu.memory_space<hbm>>
      tpu.wait_dma2 semaphore(%run_scoped3A : memref<!tpu.dma_semaphore, #tpu.memory_space<semaphore_mem>>) src(%arg9 : memref<16xf32, #tpu.memory_space<vmem>>) dst(%dma_wait3A_1018 : memref<16xf32, #tpu.memory_space<hbm>>)
      tpu.yield
    }) : () -> ()
    return
  }
}

module attributes {stable_mosaic.version = 14 : i64} {
  func.func @_means_kernel(%arg0: i32, %arg1: i32, %arg2: memref<1x512x2048xf32, #tpu.memory_space<vmem>>, %arg3: memref<1x512x2048xf32, #tpu.memory_space<vmem>>, %arg4: memref<2048x16xf32, #tpu.memory_space<vmem>>, %arg5: memref<2048x16xf32, #tpu.memory_space<vmem>>, %arg6: memref<1x16xf32, #tpu.memory_space<vmem>>, %arg7: memref<1x16xf32, #tpu.memory_space<vmem>>, %arg8: memref<1x512x16xf32, #tpu.memory_space<vmem>>, %arg9: memref<1x512x16xf32, #tpu.memory_space<vmem>>) attributes {dimension_semantics = [#tpu.dimension_semantics<arbitrary>, #tpu.dimension_semantics<arbitrary>], iteration_bounds = array<i64: 2, 4>, scalar_prefetch = 0 : i64, scratch_operands = 0 : i64, tpu.core_type = #tpu.core_type<tc>, window_params = [{transform_indices = @transform_0, window_bounds = array<i64: 1, 512, 2048>}, {transform_indices = @transform_1, window_bounds = array<i64: 1, 512, 2048>}, {pipeline_mode = #tpu.pipeline_mode<synchronous>, transform_indices = @transform_2, window_bounds = array<i64: 2048, 16>}, {pipeline_mode = #tpu.pipeline_mode<synchronous>, transform_indices = @transform_3, window_bounds = array<i64: 2048, 16>}, {pipeline_mode = #tpu.pipeline_mode<synchronous>, transform_indices = @transform_4, window_bounds = array<i64: 1, 16>}, {pipeline_mode = #tpu.pipeline_mode<synchronous>, transform_indices = @transform_5, window_bounds = array<i64: 1, 16>}, {transform_indices = @transform_6, window_bounds = array<i64: 1, 512, 16>}, {transform_indices = @transform_7, window_bounds = array<i64: 1, 512, 16>}]} {
    %get3A = arith.constant 0 : index
    %get3A_0 = arith.constant 0 : index
    %get3A_1 = arith.constant 0 : index
    %get3A_2 = vector.load %arg2[%get3A, %get3A_0, %get3A_1] : memref<1x512x2048xf32, #tpu.memory_space<vmem>>, vector<1x512x2048xf32>
    %get3A_3 = vector.shape_cast %get3A_2 : vector<1x512x2048xf32> to vector<512x2048xf32>
    %convert_element_type3A = arith.truncf %get3A_3 : vector<512x2048xf32> to vector<512x2048xbf16>
    %convert_element_type3A_4 = arith.extf %convert_element_type3A : vector<512x2048xbf16> to vector<512x2048xf32>
    %get3A_5 = arith.constant 0 : index
    %get3A_6 = arith.constant 0 : index
    %get3A_7 = arith.constant 0 : index
    %get3A_8 = vector.load %arg3[%get3A_5, %get3A_6, %get3A_7] : memref<1x512x2048xf32, #tpu.memory_space<vmem>>, vector<1x512x2048xf32>
    %get3A_9 = vector.shape_cast %get3A_8 : vector<1x512x2048xf32> to vector<512x2048xf32>
    %convert_element_type3A_10 = arith.truncf %get3A_9 : vector<512x2048xf32> to vector<512x2048xbf16>
    %convert_element_type3A_11 = arith.extf %convert_element_type3A_10 : vector<512x2048xbf16> to vector<512x2048xf32>
    %get3A_12 = arith.constant 0 : index
    %get3A_13 = arith.constant 0 : index
    %get3A_14 = vector.load %arg4[%get3A_12, %get3A_13] : memref<2048x16xf32, #tpu.memory_space<vmem>>, vector<2048x16xf32>
    %convert_element_type3A_15 = arith.truncf %get3A_14 : vector<2048x16xf32> to vector<2048x16xbf16>
    %convert_element_type3A_16 = arith.extf %convert_element_type3A_15 : vector<2048x16xbf16> to vector<2048x16xf32>
    %sub3A = arith.subf %get3A_14, %convert_element_type3A_16 : vector<2048x16xf32>
    %dot_general3A = arith.constant dense<0.000000e+00> : vector<512x16xf32>
    %dot_general3A_17 = tpu.matmul %convert_element_type3A_4, %convert_element_type3A_16, %dot_general3A {dimension_numbers = #tpu.dot_dimension_numbers<[1], [0], [0], [1], [0, 0, 1, 1], [], []>, transpose_lhs_hint = false} : vector<512x2048xf32>, vector<2048x16xf32>, vector<512x16xf32> -> vector<512x16xf32>
    %convert_element_type3A_18 = arith.truncf %sub3A : vector<2048x16xf32> to vector<2048x16xbf16>
    %convert_element_type3A_19 = arith.extf %convert_element_type3A_18 : vector<2048x16xbf16> to vector<2048x16xf32>
    %sub3A_20 = arith.subf %sub3A, %convert_element_type3A_19 : vector<2048x16xf32>
    %dot_general3A_21 = arith.constant dense<0.000000e+00> : vector<512x16xf32>
    %dot_general3A_22 = tpu.matmul %convert_element_type3A_4, %convert_element_type3A_19, %dot_general3A_21 {dimension_numbers = #tpu.dot_dimension_numbers<[1], [0], [0], [1], [0, 0, 1, 1], [], []>, transpose_lhs_hint = false} : vector<512x2048xf32>, vector<2048x16xf32>, vector<512x16xf32> -> vector<512x16xf32>
    %add3A = arith.addf %dot_general3A_17, %dot_general3A_22 : vector<512x16xf32>
    %convert_element_type3A_23 = arith.truncf %sub3A_20 : vector<2048x16xf32> to vector<2048x16xbf16>
    %convert_element_type3A_24 = arith.extf %convert_element_type3A_23 : vector<2048x16xbf16> to vector<2048x16xf32>
    %dot_general3A_25 = arith.constant dense<0.000000e+00> : vector<512x16xf32>
    %dot_general3A_26 = tpu.matmul %convert_element_type3A_4, %convert_element_type3A_24, %dot_general3A_25 {dimension_numbers = #tpu.dot_dimension_numbers<[1], [0], [0], [1], [0, 0, 1, 1], [], []>, transpose_lhs_hint = false} : vector<512x2048xf32>, vector<2048x16xf32>, vector<512x16xf32> -> vector<512x16xf32>
    %add3A_27 = arith.addf %add3A, %dot_general3A_26 : vector<512x16xf32>
    %get3A_28 = arith.constant 0 : index
    %get3A_29 = arith.constant 0 : index
    %get3A_30 = vector.load %arg6[%get3A_28, %get3A_29] : memref<1x16xf32, #tpu.memory_space<vmem>>, vector<1x16xf32>
    %add3A_31 = vector.broadcast %get3A_30 : vector<1x16xf32> to vector<512x16xf32>
    %add3A_32 = arith.addf %add3A_27, %add3A_31 : vector<512x16xf32>
    %swap3A = arith.constant 0 : index
    %swap3A_33 = arith.constant 0 : index
    %swap3A_34 = arith.constant 0 : index
    %swap3A_35 = vector.load %arg8[%swap3A, %swap3A_33, %swap3A_34] : memref<1x512x16xf32, #tpu.memory_space<vmem>>, vector<1x512x16xf32>
    %swap3A_36 = vector.shape_cast %swap3A_35 : vector<1x512x16xf32> to vector<512x16xf32>
    %swap3A_37 = vector.shape_cast %add3A_32 : vector<512x16xf32> to vector<1x512x16xf32>
    tpu.vector_store %arg8[%swap3A, %swap3A_33, %swap3A_34], %swap3A_37 {strides = array<i32>} : memref<1x512x16xf32, #tpu.memory_space<vmem>>, vector<1x512x16xf32>,
    %get3A_38 = arith.constant 0 : index
    %get3A_39 = arith.constant 0 : index
    %get3A_40 = vector.load %arg5[%get3A_38, %get3A_39] : memref<2048x16xf32, #tpu.memory_space<vmem>>, vector<2048x16xf32>
    %convert_element_type3A_41 = arith.truncf %get3A_40 : vector<2048x16xf32> to vector<2048x16xbf16>
    %convert_element_type3A_42 = arith.extf %convert_element_type3A_41 : vector<2048x16xbf16> to vector<2048x16xf32>
    %sub3A_43 = arith.subf %get3A_40, %convert_element_type3A_42 : vector<2048x16xf32>
    %dot_general3A_44 = arith.constant dense<0.000000e+00> : vector<512x16xf32>
    %dot_general3A_45 = tpu.matmul %convert_element_type3A_11, %convert_element_type3A_42, %dot_general3A_44 {dimension_numbers = #tpu.dot_dimension_numbers<[1], [0], [0], [1], [0, 0, 1, 1], [], []>, transpose_lhs_hint = false} : vector<512x2048xf32>, vector<2048x16xf32>, vector<512x16xf32> -> vector<512x16xf32>
    %convert_element_type3A_46 = arith.truncf %sub3A_43 : vector<2048x16xf32> to vector<2048x16xbf16>
    %convert_element_type3A_47 = arith.extf %convert_element_type3A_46 : vector<2048x16xbf16> to vector<2048x16xf32>
    %sub3A_48 = arith.subf %sub3A_43, %convert_element_type3A_47 : vector<2048x16xf32>
    %dot_general3A_49 = arith.constant dense<0.000000e+00> : vector<512x16xf32>
    %dot_general3A_50 = tpu.matmul %convert_element_type3A_11, %convert_element_type3A_47, %dot_general3A_49 {dimension_numbers = #tpu.dot_dimension_numbers<[1], [0], [0], [1], [0, 0, 1, 1], [], []>, transpose_lhs_hint = false} : vector<512x2048xf32>, vector<2048x16xf32>, vector<512x16xf32> -> vector<512x16xf32>
    %add3A_51 = arith.addf %dot_general3A_45, %dot_general3A_50 : vector<512x16xf32>
    %convert_element_type3A_52 = arith.truncf %sub3A_48 : vector<2048x16xf32> to vector<2048x16xbf16>
    %convert_element_type3A_53 = arith.extf %convert_element_type3A_52 : vector<2048x16xbf16> to vector<2048x16xf32>
    %dot_general3A_54 = arith.constant dense<0.000000e+00> : vector<512x16xf32>
    %dot_general3A_55 = tpu.matmul %convert_element_type3A_11, %convert_element_type3A_53, %dot_general3A_54 {dimension_numbers = #tpu.dot_dimension_numbers<[1], [0], [0], [1], [0, 0, 1, 1], [], []>, transpose_lhs_hint = false} : vector<512x2048xf32>, vector<2048x16xf32>, vector<512x16xf32> -> vector<512x16xf32>
    %add3A_56 = arith.addf %add3A_51, %dot_general3A_55 : vector<512x16xf32>
    %get3A_57 = arith.constant 0 : index
    %get3A_58 = arith.constant 0 : index
    %get3A_59 = vector.load %arg7[%get3A_57, %get3A_58] : memref<1x16xf32, #tpu.memory_space<vmem>>, vector<1x16xf32>
    %add3A_60 = vector.broadcast %get3A_59 : vector<1x16xf32> to vector<512x16xf32>
    %add3A_61 = arith.addf %add3A_56, %add3A_60 : vector<512x16xf32>
    %swap3A_62 = arith.constant 0 : index
    %swap3A_63 = arith.constant 0 : index
    %swap3A_64 = arith.constant 0 : index
    %swap3A_65 = vector.load %arg9[%swap3A_62, %swap3A_63, %swap3A_64] : memref<1x512x16xf32, #tpu.memory_space<vmem>>, vector<1x512x16xf32>
    %swap3A_66 = vector.shape_cast %swap3A_65 : vector<1x512x16xf32> to vector<512x16xf32>
    %swap3A_67 = vector.shape_cast %add3A_61 : vector<512x16xf32> to vector<1x512x16xf32>
    tpu.vector_store %arg9[%swap3A_62, %swap3A_63, %swap3A_64], %swap3A_67 {strides = array<i32>} : memref<1x512x16xf32, #tpu.memory_space<vmem>>, vector<1x512x16xf32>,
    return
  }
  func.func @transform_0(%arg0: i32, %arg1: i32) -> (i32, i32, i32) {
    %c0_i32 = arith.constant 0 : i32
    %c0_i32_0 = arith.constant 0 : i32
    return %arg0, %arg1, %c0_i32 : i32, i32, i32
  }
  func.func @transform_1(%arg0: i32, %arg1: i32) -> (i32, i32, i32) {
    %c0_i32 = arith.constant 0 : i32
    %c0_i32_0 = arith.constant 0 : i32
    return %arg0, %arg1, %c0_i32 : i32, i32, i32
  }
  func.func @transform_2(%arg0: i32, %arg1: i32) -> (i32, i32) {
    %c0_i32 = arith.constant 0 : i32
    %c0_i32_0 = arith.constant 0 : i32
    %c0_i32_1 = arith.constant 0 : i32
    return %c0_i32, %c0_i32_0 : i32, i32
  }
  func.func @transform_3(%arg0: i32, %arg1: i32) -> (i32, i32) {
    %c0_i32 = arith.constant 0 : i32
    %c0_i32_0 = arith.constant 0 : i32
    %c0_i32_1 = arith.constant 0 : i32
    return %c0_i32, %c0_i32_0 : i32, i32
  }
  func.func @transform_4(%arg0: i32, %arg1: i32) -> (i32, i32) {
    %c0_i32 = arith.constant 0 : i32
    %c0_i32_0 = arith.constant 0 : i32
    %c0_i32_1 = arith.constant 0 : i32
    return %c0_i32, %c0_i32_0 : i32, i32
  }
  func.func @transform_5(%arg0: i32, %arg1: i32) -> (i32, i32) {
    %c0_i32 = arith.constant 0 : i32
    %c0_i32_0 = arith.constant 0 : i32
    %c0_i32_1 = arith.constant 0 : i32
    return %c0_i32, %c0_i32_0 : i32, i32
  }
  func.func @transform_6(%arg0: i32, %arg1: i32) -> (i32, i32, i32) {
    %c0_i32 = arith.constant 0 : i32
    %c0_i32_0 = arith.constant 0 : i32
    return %arg0, %arg1, %c0_i32 : i32, i32, i32
  }
  func.func @transform_7(%arg0: i32, %arg1: i32) -> (i32, i32, i32) {
    %c0_i32 = arith.constant 0 : i32
    %c0_i32_0 = arith.constant 0 : i32
    return %arg0, %arg1, %c0_i32 : i32, i32, i32
  }
}

module attributes {stable_mosaic.version = 14 : i64} {
  func.func @_red_kernel(%arg0: i32, %arg1: memref<512x2048xf32, #tpu.memory_space<vmem>>, %arg2: memref<512x2048xf32, #tpu.memory_space<vmem>>, %arg3: memref<1x2048xf32, #tpu.memory_space<vmem>>, %arg4: memref<1x2048xf32, #tpu.memory_space<vmem>>, %arg5: memref<512x16xf32, #tpu.memory_space<vmem>>, %arg6: memref<512x16xf32, #tpu.memory_space<vmem>>, %arg7: memref<1x16xf32, #tpu.memory_space<vmem>>, %arg8: memref<1x16xf32, #tpu.memory_space<vmem>>) attributes {dimension_semantics = [#tpu.dimension_semantics<arbitrary>], iteration_bounds = array<i64: 4>, scalar_prefetch = 0 : i64, scratch_operands = 0 : i64, tpu.core_type = #tpu.core_type<tc>, window_params = [{transform_indices = @transform_0, window_bounds = array<i64: 512, 2048>}, {transform_indices = @transform_1, window_bounds = array<i64: 512, 2048>}, {pipeline_mode = #tpu.pipeline_mode<synchronous>, transform_indices = @transform_2, window_bounds = array<i64: 1, 2048>}, {pipeline_mode = #tpu.pipeline_mode<synchronous>, transform_indices = @transform_3, window_bounds = array<i64: 1, 2048>}, {transform_indices = @transform_4, window_bounds = array<i64: 512, 16>}, {transform_indices = @transform_5, window_bounds = array<i64: 512, 16>}, {pipeline_mode = #tpu.pipeline_mode<synchronous>, transform_indices = @transform_6, window_bounds = array<i64: 1, 16>}, {pipeline_mode = #tpu.pipeline_mode<synchronous>, transform_indices = @transform_7, window_bounds = array<i64: 1, 16>}]} {
    %iota3A = tpu.iota {dimensions = array<i32: 0>} : vector<2048x16xi32>
    %iota3A_0 = tpu.iota {dimensions = array<i32: 1>} : vector<2048x16xi32>
    %jit3A = arith.constant 128 : i32
    %div3A = vector.broadcast %jit3A : i32 to vector<2048x16xi32>
    %div3A_1 = arith.divsi %iota3A, %div3A : vector<2048x16xi32>
    %sign3A = arith.constant 0 : i32
    %sign3A_2 = vector.broadcast %sign3A : i32 to vector<2048x16xi32>
    %sign3A_3 = arith.cmpi sgt, %iota3A, %sign3A_2 : vector<2048x16xi32>
    %sign3A_4 = arith.extui %sign3A_3 : vector<2048x16xi1> to vector<2048x16xi32>
    %sign3A_5 = arith.constant 0 : i32
    %sign3A_6 = vector.broadcast %sign3A_5 : i32 to vector<2048x16xi32>
    %sign3A_7 = arith.cmpi slt, %iota3A, %sign3A_6 : vector<2048x16xi32>
    %sign3A_8 = arith.extui %sign3A_7 : vector<2048x16xi1> to vector<2048x16xi32>
    %sign3A_9 = arith.subi %sign3A_4, %sign3A_8 : vector<2048x16xi32>
    %sign3A_10 = arith.constant 0 : i32
    %sign3A_11 = arith.cmpi sgt, %jit3A, %sign3A_10 : i32
    %sign3A_12 = arith.extui %sign3A_11 : i1 to i32
    %sign3A_13 = arith.constant 0 : i32
    %sign3A_14 = arith.cmpi slt, %jit3A, %sign3A_13 : i32
    %sign3A_15 = arith.extui %sign3A_14 : i1 to i32
    %sign3A_16 = arith.subi %sign3A_12, %sign3A_15 : i32
    %ne3A = vector.broadcast %sign3A_16 : i32 to vector<2048x16xi32>
    %ne3A_17 = arith.cmpi ne, %sign3A_9, %ne3A : vector<2048x16xi32>
    %rem3A = vector.broadcast %jit3A : i32 to vector<2048x16xi32>
    %rem3A_18 = arith.remsi %iota3A, %rem3A : vector<2048x16xi32>
    %ne3A_19 = arith.constant 0 : i32
    %ne3A_20 = vector.broadcast %ne3A_19 : i32 to vector<2048x16xi32>
    %ne3A_21 = arith.cmpi ne, %rem3A_18, %ne3A_20 : vector<2048x16xi32>
    %and3A = arith.andi %ne3A_17, %ne3A_21 : vector<2048x16xi1>
    %sub3A = arith.constant 1 : i32
    %sub3A_22 = vector.broadcast %sub3A : i32 to vector<2048x16xi32>
    %sub3A_23 = arith.subi %div3A_1, %sub3A_22 : vector<2048x16xi32>
    %select_n3A = arith.select %and3A, %sub3A_23, %div3A_1 : vector<2048x16xi1>, vector<2048x16xi32>
    %eq3A = arith.cmpi eq, %select_n3A, %iota3A_0 : vector<2048x16xi32>
    %jit3A_24 = arith.constant 7.812500e-03 : f32
    %jit3A_25 = arith.constant 0.000000e+00 : f32
    %broadcast_in_dim3A = vector.broadcast %jit3A_24 : f32 to vector<2048x16xf32>
    %broadcast_in_dim3A_26 = vector.broadcast %jit3A_25 : f32 to vector<2048x16xf32>
    %select_n3A_27 = arith.select %eq3A, %broadcast_in_dim3A, %broadcast_in_dim3A_26 : vector<2048x16xi1>, vector<2048x16xf32>
    %get3A = arith.constant 0 : index
    %get3A_28 = arith.constant 0 : index
    %get3A_29 = vector.load %arg1[%get3A, %get3A_28] : memref<512x2048xf32, #tpu.memory_space<vmem>>, vector<512x2048xf32>
    %convert_element_type3A = arith.truncf %get3A_29 : vector<512x2048xf32> to vector<512x2048xbf16>
    %convert_element_type3A_30 = arith.extf %convert_element_type3A : vector<512x2048xbf16> to vector<512x2048xf32>
    %get3A_31 = arith.constant 0 : index
    %get3A_32 = arith.constant 0 : index
    %get3A_33 = vector.load %arg2[%get3A_31, %get3A_32] : memref<512x2048xf32, #tpu.memory_space<vmem>>, vector<512x2048xf32>
    %convert_element_type3A_34 = arith.truncf %get3A_33 : vector<512x2048xf32> to vector<512x2048xbf16>
    %convert_element_type3A_35 = arith.extf %convert_element_type3A_34 : vector<512x2048xbf16> to vector<512x2048xf32>
    %dot_general3A = arith.constant dense<0.000000e+00> : vector<512x16xf32>
    %dot_general3A_36 = tpu.matmul %convert_element_type3A_30, %select_n3A_27, %dot_general3A {dimension_numbers = #tpu.dot_dimension_numbers<[1], [0], [0], [1], [0, 0, 1, 1], [], []>, transpose_lhs_hint = false} : vector<512x2048xf32>, vector<2048x16xf32>, vector<512x16xf32> -> vector<512x16xf32>
    %swap3A = arith.constant 0 : index
    %swap3A_37 = arith.constant 0 : index
    %swap3A_38 = vector.load %arg5[%swap3A, %swap3A_37] : memref<512x16xf32, #tpu.memory_space<vmem>>, vector<512x16xf32>
    tpu.vector_store %arg5[%swap3A, %swap3A_37], %dot_general3A_36 {strides = array<i32>} : memref<512x16xf32, #tpu.memory_space<vmem>>, vector<512x16xf32>,
    %dot_general3A_39 = arith.constant dense<0.000000e+00> : vector<512x16xf32>
    %dot_general3A_40 = tpu.matmul %convert_element_type3A_35, %select_n3A_27, %dot_general3A_39 {dimension_numbers = #tpu.dot_dimension_numbers<[1], [0], [0], [1], [0, 0, 1, 1], [], []>, transpose_lhs_hint = false} : vector<512x2048xf32>, vector<2048x16xf32>, vector<512x16xf32> -> vector<512x16xf32>
    %swap3A_41 = arith.constant 0 : index
    %swap3A_42 = arith.constant 0 : index
    %swap3A_43 = vector.load %arg6[%swap3A_41, %swap3A_42] : memref<512x16xf32, #tpu.memory_space<vmem>>, vector<512x16xf32>
    tpu.vector_store %arg6[%swap3A_41, %swap3A_42], %dot_general3A_40 {strides = array<i32>} : memref<512x16xf32, #tpu.memory_space<vmem>>, vector<512x16xf32>,
    %get3A_44 = arith.constant 0 : index
    %get3A_45 = arith.constant 0 : index
    %get3A_46 = vector.load %arg3[%get3A_44, %get3A_45] : memref<1x2048xf32, #tpu.memory_space<vmem>>, vector<1x2048xf32>
    %dot_general3A_47 = arith.constant dense<0.000000e+00> : vector<1x16xf32>
    %dot_general3A_48 = tpu.matmul %get3A_46, %select_n3A_27, %dot_general3A_47 {dimension_numbers = #tpu.dot_dimension_numbers<[1], [0], [0], [1], [0, 0, 1, 1], [], []>, precision = #tpu.contract_precision<fp32>, transpose_lhs_hint = false} : vector<1x2048xf32>, vector<2048x16xf32>, vector<1x16xf32> -> vector<1x16xf32>
    %swap3A_49 = arith.constant 0 : index
    %swap3A_50 = arith.constant 0 : index
    %swap3A_51 = vector.load %arg7[%swap3A_49, %swap3A_50] : memref<1x16xf32, #tpu.memory_space<vmem>>, vector<1x16xf32>
    tpu.vector_store %arg7[%swap3A_49, %swap3A_50], %dot_general3A_48 {strides = array<i32>} : memref<1x16xf32, #tpu.memory_space<vmem>>, vector<1x16xf32>,
    %get3A_52 = arith.constant 0 : index
    %get3A_53 = arith.constant 0 : index
    %get3A_54 = vector.load %arg4[%get3A_52, %get3A_53] : memref<1x2048xf32, #tpu.memory_space<vmem>>, vector<1x2048xf32>
    %dot_general3A_55 = arith.constant dense<0.000000e+00> : vector<1x16xf32>
    %dot_general3A_56 = tpu.matmul %get3A_54, %select_n3A_27, %dot_general3A_55 {dimension_numbers = #tpu.dot_dimension_numbers<[1], [0], [0], [1], [0, 0, 1, 1], [], []>, precision = #tpu.contract_precision<fp32>, transpose_lhs_hint = false} : vector<1x2048xf32>, vector<2048x16xf32>, vector<1x16xf32> -> vector<1x16xf32>
    %swap3A_57 = arith.constant 0 : index
    %swap3A_58 = arith.constant 0 : index
    %swap3A_59 = vector.load %arg8[%swap3A_57, %swap3A_58] : memref<1x16xf32, #tpu.memory_space<vmem>>, vector<1x16xf32>
    tpu.vector_store %arg8[%swap3A_57, %swap3A_58], %dot_general3A_56 {strides = array<i32>} : memref<1x16xf32, #tpu.memory_space<vmem>>, vector<1x16xf32>,
    return
  }
  func.func @transform_0(%arg0: i32) -> (i32, i32) {
    %c0_i32 = arith.constant 0 : i32
    %c0_i32_0 = arith.constant 0 : i32
    return %arg0, %c0_i32 : i32, i32
  }
  func.func @transform_1(%arg0: i32) -> (i32, i32) {
    %c0_i32 = arith.constant 0 : i32
    %c0_i32_0 = arith.constant 0 : i32
    return %arg0, %c0_i32 : i32, i32
  }
  func.func @transform_2(%arg0: i32) -> (i32, i32) {
    %c0_i32 = arith.constant 0 : i32
    %c0_i32_0 = arith.constant 0 : i32
    %c0_i32_1 = arith.constant 0 : i32
    return %c0_i32, %c0_i32_0 : i32, i32
  }
  func.func @transform_3(%arg0: i32) -> (i32, i32) {
    %c0_i32 = arith.constant 0 : i32
    %c0_i32_0 = arith.constant 0 : i32
    %c0_i32_1 = arith.constant 0 : i32
    return %c0_i32, %c0_i32_0 : i32, i32
  }
  func.func @transform_4(%arg0: i32) -> (i32, i32) {
    %c0_i32 = arith.constant 0 : i32
    %c0_i32_0 = arith.constant 0 : i32
    return %arg0, %c0_i32 : i32, i32
  }
  func.func @transform_5(%arg0: i32) -> (i32, i32) {
    %c0_i32 = arith.constant 0 : i32
    %c0_i32_0 = arith.constant 0 : i32
    return %arg0, %c0_i32 : i32, i32
  }
  func.func @transform_6(%arg0: i32) -> (i32, i32) {
    %c0_i32 = arith.constant 0 : i32
    %c0_i32_0 = arith.constant 0 : i32
    %c0_i32_1 = arith.constant 0 : i32
    return %c0_i32, %c0_i32_0 : i32, i32
  }
  func.func @transform_7(%arg0: i32) -> (i32, i32) {
    %c0_i32 = arith.constant 0 : i32
    %c0_i32_0 = arith.constant 0 : i32
    %c0_i32_1 = arith.constant 0 : i32
    return %c0_i32, %c0_i32_0 : i32, i32
  }
}

module attributes {stable_mosaic.version = 14 : i64} {
  func.func @_spectrum_kernel(%arg0: i32, %arg1: memref<32x2048xf32, #tpu.memory_space<vmem>>, %arg2: memref<32x2048xf32, #tpu.memory_space<vmem>>, %arg3: memref<2048x384xf32, #tpu.memory_space<vmem>>, %arg4: memref<2048x384xf32, #tpu.memory_space<vmem>>, %arg5: memref<32x384xf32, #tpu.memory_space<vmem>>, %arg6: memref<32x384xf32, #tpu.memory_space<vmem>>) attributes {dimension_semantics = [#tpu.dimension_semantics<arbitrary>], iteration_bounds = array<i64: 3>, scalar_prefetch = 0 : i64, scratch_operands = 0 : i64, tpu.core_type = #tpu.core_type<tc>, window_params = [{pipeline_mode = #tpu.pipeline_mode<synchronous>, transform_indices = @transform_0, window_bounds = array<i64: 32, 2048>}, {pipeline_mode = #tpu.pipeline_mode<synchronous>, transform_indices = @transform_1, window_bounds = array<i64: 32, 2048>}, {transform_indices = @transform_2, window_bounds = array<i64: 2048, 384>}, {transform_indices = @transform_3, window_bounds = array<i64: 2048, 384>}, {transform_indices = @transform_4, window_bounds = array<i64: 32, 384>}, {transform_indices = @transform_5, window_bounds = array<i64: 32, 384>}]} {
    %get3A = arith.constant 0 : index
    %get3A_0 = arith.constant 0 : index
    %get3A_1 = vector.load %arg1[%get3A, %get3A_0] : memref<32x2048xf32, #tpu.memory_space<vmem>>, vector<32x2048xf32>
    %get3A_2 = arith.constant 0 : index
    %get3A_3 = arith.constant 0 : index
    %get3A_4 = vector.load %arg2[%get3A_2, %get3A_3] : memref<32x2048xf32, #tpu.memory_space<vmem>>, vector<32x2048xf32>
    %get3A_5 = arith.constant 0 : index
    %get3A_6 = arith.constant 0 : index
    %get3A_7 = vector.load %arg3[%get3A_5, %get3A_6] : memref<2048x384xf32, #tpu.memory_space<vmem>>, vector<2048x384xf32>
    %get3A_8 = arith.constant 0 : index
    %get3A_9 = arith.constant 0 : index
    %get3A_10 = vector.load %arg4[%get3A_8, %get3A_9] : memref<2048x384xf32, #tpu.memory_space<vmem>>, vector<2048x384xf32>
    %dot_general3A = arith.constant dense<0.000000e+00> : vector<32x384xf32>
    %dot_general3A_11 = tpu.matmul %get3A_1, %get3A_7, %dot_general3A {dimension_numbers = #tpu.dot_dimension_numbers<[1], [0], [0], [1], [0, 0, 1, 1], [], []>, precision = #tpu.contract_precision<fp32>, transpose_lhs_hint = false} : vector<32x2048xf32>, vector<2048x384xf32>, vector<32x384xf32> -> vector<32x384xf32>
    %dot_general3A_12 = arith.constant dense<0.000000e+00> : vector<32x384xf32>
    %dot_general3A_13 = tpu.matmul %get3A_1, %get3A_10, %dot_general3A_12 {dimension_numbers = #tpu.dot_dimension_numbers<[1], [0], [0], [1], [0, 0, 1, 1], [], []>, precision = #tpu.contract_precision<fp32>, transpose_lhs_hint = false} : vector<32x2048xf32>, vector<2048x384xf32>, vector<32x384xf32> -> vector<32x384xf32>
    %dot_general3A_14 = arith.constant dense<0.000000e+00> : vector<32x384xf32>
    %dot_general3A_15 = tpu.matmul %get3A_4, %get3A_7, %dot_general3A_14 {dimension_numbers = #tpu.dot_dimension_numbers<[1], [0], [0], [1], [0, 0, 1, 1], [], []>, precision = #tpu.contract_precision<fp32>, transpose_lhs_hint = false} : vector<32x2048xf32>, vector<2048x384xf32>, vector<32x384xf32> -> vector<32x384xf32>
    %dot_general3A_16 = arith.constant dense<0.000000e+00> : vector<32x384xf32>
    %dot_general3A_17 = tpu.matmul %get3A_4, %get3A_10, %dot_general3A_16 {dimension_numbers = #tpu.dot_dimension_numbers<[1], [0], [0], [1], [0, 0, 1, 1], [], []>, precision = #tpu.contract_precision<fp32>, transpose_lhs_hint = false} : vector<32x2048xf32>, vector<2048x384xf32>, vector<32x384xf32> -> vector<32x384xf32>
    %mul3A = arith.mulf %dot_general3A_11, %dot_general3A_15 : vector<32x384xf32>
    %mul3A_18 = arith.mulf %dot_general3A_13, %dot_general3A_17 : vector<32x384xf32>
    %add3A = arith.addf %mul3A, %mul3A_18 : vector<32x384xf32>
    %swap3A = arith.constant 0 : index
    %swap3A_19 = arith.constant 0 : index
    %swap3A_20 = vector.load %arg5[%swap3A, %swap3A_19] : memref<32x384xf32, #tpu.memory_space<vmem>>, vector<32x384xf32>
    tpu.vector_store %arg5[%swap3A, %swap3A_19], %add3A {strides = array<i32>} : memref<32x384xf32, #tpu.memory_space<vmem>>, vector<32x384xf32>,
    %mul3A_21 = arith.mulf %dot_general3A_11, %dot_general3A_17 : vector<32x384xf32>
    %mul3A_22 = arith.mulf %dot_general3A_13, %dot_general3A_15 : vector<32x384xf32>
    %sub3A = arith.subf %mul3A_21, %mul3A_22 : vector<32x384xf32>
    %swap3A_23 = arith.constant 0 : index
    %swap3A_24 = arith.constant 0 : index
    %swap3A_25 = vector.load %arg6[%swap3A_23, %swap3A_24] : memref<32x384xf32, #tpu.memory_space<vmem>>, vector<32x384xf32>
    tpu.vector_store %arg6[%swap3A_23, %swap3A_24], %sub3A {strides = array<i32>} : memref<32x384xf32, #tpu.memory_space<vmem>>, vector<32x384xf32>,
    return
  }
  func.func @transform_0(%arg0: i32) -> (i32, i32) {
    %c0_i32 = arith.constant 0 : i32
    %c0_i32_0 = arith.constant 0 : i32
    %c0_i32_1 = arith.constant 0 : i32
    return %c0_i32, %c0_i32_0 : i32, i32
  }
  func.func @transform_1(%arg0: i32) -> (i32, i32) {
    %c0_i32 = arith.constant 0 : i32
    %c0_i32_0 = arith.constant 0 : i32
    %c0_i32_1 = arith.constant 0 : i32
    return %c0_i32, %c0_i32_0 : i32, i32
  }
  func.func @transform_2(%arg0: i32) -> (i32, i32) {
    %c0_i32 = arith.constant 0 : i32
    %c0_i32_0 = arith.constant 0 : i32
    return %c0_i32, %arg0 : i32, i32
  }
  func.func @transform_3(%arg0: i32) -> (i32, i32) {
    %c0_i32 = arith.constant 0 : i32
    %c0_i32_0 = arith.constant 0 : i32
    return %c0_i32, %arg0 : i32, i32
  }
  func.func @transform_4(%arg0: i32) -> (i32, i32) {
    %c0_i32 = arith.constant 0 : i32
    %c0_i32_0 = arith.constant 0 : i32
    return %c0_i32, %arg0 : i32, i32
  }
  func.func @transform_5(%arg0: i32) -> (i32, i32) {
    %c0_i32 = arith.constant 0 : i32
    %c0_i32_0 = arith.constant 0 : i32
    return %c0_i32, %arg0 : i32, i32
  }
}

module attributes {stable_mosaic.version = 14 : i64} {
  func.func @_idft_kernel(%arg0: i32, %arg1: memref<32x1152xf32, #tpu.memory_space<vmem>>, %arg2: memref<32x1152xf32, #tpu.memory_space<vmem>>, %arg3: memref<1152x512xf32, #tpu.memory_space<vmem>>, %arg4: memref<1152x512xf32, #tpu.memory_space<vmem>>, %arg5: memref<32x512xf32, #tpu.memory_space<vmem>>) attributes {dimension_semantics = [#tpu.dimension_semantics<arbitrary>], iteration_bounds = array<i64: 4>, scalar_prefetch = 0 : i64, scratch_operands = 0 : i64, tpu.core_type = #tpu.core_type<tc>, window_params = [{pipeline_mode = #tpu.pipeline_mode<synchronous>, transform_indices = @transform_0, window_bounds = array<i64: 32, 1152>}, {pipeline_mode = #tpu.pipeline_mode<synchronous>, transform_indices = @transform_1, window_bounds = array<i64: 32, 1152>}, {transform_indices = @transform_2, window_bounds = array<i64: 1152, 512>}, {transform_indices = @transform_3, window_bounds = array<i64: 1152, 512>}, {transform_indices = @transform_4, window_bounds = array<i64: 32, 512>}]} {
    %get3A = arith.constant 0 : index
    %get3A_0 = arith.constant 0 : index
    %get3A_1 = vector.load %arg1[%get3A, %get3A_0] : memref<32x1152xf32, #tpu.memory_space<vmem>>, vector<32x1152xf32>
    %get3A_2 = arith.constant 0 : index
    %get3A_3 = arith.constant 0 : index
    %get3A_4 = vector.load %arg3[%get3A_2, %get3A_3] : memref<1152x512xf32, #tpu.memory_space<vmem>>, vector<1152x512xf32>
    %dot_general3A = arith.constant dense<0.000000e+00> : vector<32x512xf32>
    %dot_general3A_5 = tpu.matmul %get3A_1, %get3A_4, %dot_general3A {dimension_numbers = #tpu.dot_dimension_numbers<[1], [0], [0], [1], [0, 0, 1, 1], [], []>, precision = #tpu.contract_precision<fp32>, transpose_lhs_hint = false} : vector<32x1152xf32>, vector<1152x512xf32>, vector<32x512xf32> -> vector<32x512xf32>
    %get3A_6 = arith.constant 0 : index
    %get3A_7 = arith.constant 0 : index
    %get3A_8 = vector.load %arg2[%get3A_6, %get3A_7] : memref<32x1152xf32, #tpu.memory_space<vmem>>, vector<32x1152xf32>
    %get3A_9 = arith.constant 0 : index
    %get3A_10 = arith.constant 0 : index
    %get3A_11 = vector.load %arg4[%get3A_9, %get3A_10] : memref<1152x512xf32, #tpu.memory_space<vmem>>, vector<1152x512xf32>
    %dot_general3A_12 = arith.constant dense<0.000000e+00> : vector<32x512xf32>
    %dot_general3A_13 = tpu.matmul %get3A_8, %get3A_11, %dot_general3A_12 {dimension_numbers = #tpu.dot_dimension_numbers<[1], [0], [0], [1], [0, 0, 1, 1], [], []>, precision = #tpu.contract_precision<fp32>, transpose_lhs_hint = false} : vector<32x1152xf32>, vector<1152x512xf32>, vector<32x512xf32> -> vector<32x512xf32>
    %sub3A = arith.subf %dot_general3A_5, %dot_general3A_13 : vector<32x512xf32>
    %mul3A = arith.constant 4.8828125E-4 : f32
    %mul3A_14 = vector.broadcast %mul3A : f32 to vector<32x512xf32>
    %mul3A_15 = arith.mulf %sub3A, %mul3A_14 : vector<32x512xf32>
    %swap3A = arith.constant 0 : index
    %swap3A_16 = arith.constant 0 : index
    %swap3A_17 = vector.load %arg5[%swap3A, %swap3A_16] : memref<32x512xf32, #tpu.memory_space<vmem>>, vector<32x512xf32>
    tpu.vector_store %arg5[%swap3A, %swap3A_16], %mul3A_15 {strides = array<i32>} : memref<32x512xf32, #tpu.memory_space<vmem>>, vector<32x512xf32>,
    return
  }
  func.func @transform_0(%arg0: i32) -> (i32, i32) {
    %c0_i32 = arith.constant 0 : i32
    %c0_i32_0 = arith.constant 0 : i32
    %c0_i32_1 = arith.constant 0 : i32
    return %c0_i32, %c0_i32_0 : i32, i32
  }
  func.func @transform_1(%arg0: i32) -> (i32, i32) {
    %c0_i32 = arith.constant 0 : i32
    %c0_i32_0 = arith.constant 0 : i32
    %c0_i32_1 = arith.constant 0 : i32
    return %c0_i32, %c0_i32_0 : i32, i32
  }
  func.func @transform_2(%arg0: i32) -> (i32, i32) {
    %c0_i32 = arith.constant 0 : i32
    %c0_i32_0 = arith.constant 0 : i32
    return %c0_i32, %arg0 : i32, i32
  }
  func.func @transform_3(%arg0: i32) -> (i32, i32) {
    %c0_i32 = arith.constant 0 : i32
    %c0_i32_0 = arith.constant 0 : i32
    return %c0_i32, %arg0 : i32, i32
  }
  func.func @transform_4(%arg0: i32) -> (i32, i32) {
    %c0_i32 = arith.constant 0 : i32
    %c0_i32_0 = arith.constant 0 : i32
    return %c0_i32, %arg0 : i32, i32
  }
}

module attributes {stable_mosaic.version = 14 : i64} {
  func.func @_proj_kernel(%arg0: i32, %arg1: memref<512x2048xf32, #tpu.memory_space<vmem>>, %arg2: memref<2048x2048xf32, #tpu.memory_space<vmem>>, %arg3: memref<1x2048xf32, #tpu.memory_space<vmem>>, %arg4: memref<512x2048xf32, #tpu.memory_space<vmem>>) attributes {dimension_semantics = [#tpu.dimension_semantics<arbitrary>], iteration_bounds = array<i64: 8>, scalar_prefetch = 0 : i64, scratch_operands = 0 : i64, tpu.core_type = #tpu.core_type<tc>, window_params = [{transform_indices = @transform_0, window_bounds = array<i64: 512, 2048>}, {pipeline_mode = #tpu.pipeline_mode<synchronous>, transform_indices = @transform_1, window_bounds = array<i64: 2048, 2048>}, {pipeline_mode = #tpu.pipeline_mode<synchronous>, transform_indices = @transform_2, window_bounds = array<i64: 1, 2048>}, {transform_indices = @transform_3, window_bounds = array<i64: 512, 2048>}]} {
    %get3A = arith.constant 0 : index
    %get3A_0 = arith.constant 0 : index
    %get3A_1 = vector.load %arg1[%get3A, %get3A_0] : memref<512x2048xf32, #tpu.memory_space<vmem>>, vector<512x2048xf32>
    %get3A_2 = arith.constant 0 : index
    %get3A_3 = arith.constant 0 : index
    %get3A_4 = vector.load %arg2[%get3A_2, %get3A_3] : memref<2048x2048xf32, #tpu.memory_space<vmem>>, vector<2048x2048xf32>
    %dot_general3A = arith.constant dense<0.000000e+00> : vector<512x2048xf32>
    %dot_general3A_5 = tpu.matmul %get3A_1, %get3A_4, %dot_general3A {dimension_numbers = #tpu.dot_dimension_numbers<[1], [0], [0], [1], [0, 0, 1, 1], [], []>, transpose_lhs_hint = false} : vector<512x2048xf32>, vector<2048x2048xf32>, vector<512x2048xf32> -> vector<512x2048xf32>
    %get3A_6 = arith.constant 0 : index
    %get3A_7 = arith.constant 0 : index
    %get3A_8 = vector.load %arg3[%get3A_6, %get3A_7] : memref<1x2048xf32, #tpu.memory_space<vmem>>, vector<1x2048xf32>
    %add3A = vector.broadcast %get3A_8 : vector<1x2048xf32> to vector<512x2048xf32>
    %add3A_9 = arith.addf %dot_general3A_5, %add3A : vector<512x2048xf32>
    %swap3A = arith.constant 0 : index
    %swap3A_10 = arith.constant 0 : index
    %swap3A_11 = vector.load %arg4[%swap3A, %swap3A_10] : memref<512x2048xf32, #tpu.memory_space<vmem>>, vector<512x2048xf32>
    tpu.vector_store %arg4[%swap3A, %swap3A_10], %add3A_9 {strides = array<i32>} : memref<512x2048xf32, #tpu.memory_space<vmem>>, vector<512x2048xf32>,
    return
  }
  func.func @transform_0(%arg0: i32) -> (i32, i32) {
    %c0_i32 = arith.constant 0 : i32
    %c0_i32_0 = arith.constant 0 : i32
    return %arg0, %c0_i32 : i32, i32
  }
  func.func @transform_1(%arg0: i32) -> (i32, i32) {
    %c0_i32 = arith.constant 0 : i32
    %c0_i32_0 = arith.constant 0 : i32
    %c0_i32_1 = arith.constant 0 : i32
    return %c0_i32, %c0_i32_0 : i32, i32
  }
  func.func @transform_2(%arg0: i32) -> (i32, i32) {
    %c0_i32 = arith.constant 0 : i32
    %c0_i32_0 = arith.constant 0 : i32
    %c0_i32_1 = arith.constant 0 : i32
    return %c0_i32, %c0_i32_0 : i32, i32
  }
  func.func @transform_3(%arg0: i32) -> (i32, i32) {
    %c0_i32 = arith.constant 0 : i32
    %c0_i32_0 = arith.constant 0 : i32
    return %arg0, %c0_i32 : i32, i32
  }
}

module attributes {stable_mosaic.version = 14 : i64} {
  func.func @_roll_kernel(%arg0: i32, %arg1: i32, %arg2: memref<256xi32, #tpu.memory_space<smem>>, %arg3: memref<256xf32, #tpu.memory_space<smem>>, %arg4: memref<1x2048x128xf32, #tpu.memory_space<vmem>>, %arg5: memref<1x2048x128xf32, #tpu.memory_space<vmem>>, %arg6: memref<4096x128xf32, #tpu.memory_space<vmem>>) attributes {dimension_semantics = [#tpu.dimension_semantics<arbitrary>, #tpu.dimension_semantics<arbitrary>], iteration_bounds = array<i64: 2, 16>, scalar_prefetch = 0 : i64, scratch_operands = 1 : i64, tpu.core_type = #tpu.core_type<tc>, window_params = [{transform_indices = @transform_0, window_bounds = array<i64: 256>}, {transform_indices = @transform_1, window_bounds = array<i64: 256>}, {transform_indices = @transform_2, window_bounds = array<i64: 1, 2048, 128>}, {transform_indices = @transform_3, window_bounds = array<i64: 1, 2048, 128>}]} {
    %mul3A = arith.constant 16 : i32
    %mul3A_0 = arith.muli %arg0, %mul3A : i32
    %add3A = arith.addi %mul3A_0, %arg1 : i32
    %get3A = arith.constant 0 : index
    %get3A_1 = arith.constant 0 : index
    %get3A_2 = arith.constant 0 : index
    %get3A_3 = vector.load %arg4[%get3A, %get3A_1, %get3A_2] : memref<1x2048x128xf32, #tpu.memory_space<vmem>>, vector<1x2048x128xf32>
    %get3A_4 = vector.shape_cast %get3A_3 : vector<1x2048x128xf32> to vector<2048x128xf32>
    %swap3A = arith.constant 0 : index
    %swap3A_5 = arith.constant 0 : index
    %swap3A_6 = vector.load %arg6[%swap3A, %swap3A_5] : memref<4096x128xf32, #tpu.memory_space<vmem>>, vector<2048x128xf32>
    tpu.vector_store %arg6[%swap3A, %swap3A_5], %get3A_4 {strides = array<i32>} : memref<4096x128xf32, #tpu.memory_space<vmem>>, vector<2048x128xf32>,
    %swap3A_7 = arith.constant 2048 : index
    %swap3A_8 = arith.constant 0 : index
    %swap3A_9 = vector.load %arg6[%swap3A_7, %swap3A_8] : memref<4096x128xf32, #tpu.memory_space<vmem>>, vector<2048x128xf32>
    tpu.vector_store %arg6[%swap3A_7, %swap3A_8], %get3A_4 {strides = array<i32>} : memref<4096x128xf32, #tpu.memory_space<vmem>>, vector<2048x128xf32>,
    %broadcast_in_dim3A = arith.constant 0.000000e+00 : f32
    %broadcast_in_dim3A_10 = vector.broadcast %broadcast_in_dim3A : f32 to vector<2048x128xf32>
    %mul3A_11 = arith.constant 8 : i32
    %mul3A_12 = arith.muli %add3A, %mul3A_11 : i32
    %add3A_13 = arith.constant 0 : i32
    %add3A_14 = arith.addi %mul3A_12, %add3A_13 : i32
    %get3A_15 = arith.index_cast %add3A_14 : i32 to index
    %get3A_16 = memref.load %arg2[%get3A_15] : memref<256xi32, #tpu.memory_space<smem>>
    %mul3A_17 = arith.constant 8 : i32
    %mul3A_18 = arith.muli %add3A, %mul3A_17 : i32
    %add3A_19 = arith.constant 0 : i32
    %add3A_20 = arith.addi %mul3A_18, %add3A_19 : i32
    %get3A_21 = arith.index_cast %add3A_20 : i32 to index
    %get3A_22 = memref.load %arg3[%get3A_21] : memref<256xf32, #tpu.memory_space<smem>>
    %sub3A = arith.constant 2048 : i32
    %sub3A_23 = arith.subi %sub3A, %get3A_16 : i32
    %get3A_24 = arith.index_cast %sub3A_23 : i32 to index
    %get3A_25 = arith.constant 0 : index
    %get3A_26 = vector.load %arg6[%get3A_24, %get3A_25] : memref<4096x128xf32, #tpu.memory_space<vmem>>, vector<2048x128xf32>
    %mul3A_27 = vector.broadcast %get3A_22 : f32 to vector<2048x128xf32>
    %mul3A_28 = arith.mulf %mul3A_27, %get3A_26 : vector<2048x128xf32>
    %add3A_29 = arith.addf %broadcast_in_dim3A_10, %mul3A_28 : vector<2048x128xf32>
    %mul3A_30 = arith.constant 8 : i32
    %mul3A_31 = arith.muli %add3A, %mul3A_30 : i32
    %add3A_32 = arith.constant 1 : i32
    %add3A_33 = arith.addi %mul3A_31, %add3A_32 : i32
    %get3A_34 = arith.index_cast %add3A_33 : i32 to index
    %get3A_35 = memref.load %arg2[%get3A_34] : memref<256xi32, #tpu.memory_space<smem>>
    %mul3A_36 = arith.constant 8 : i32
    %mul3A_37 = arith.muli %add3A, %mul3A_36 : i32
    %add3A_38 = arith.constant 1 : i32
    %add3A_39 = arith.addi %mul3A_37, %add3A_38 : i32
    %get3A_40 = arith.index_cast %add3A_39 : i32 to index
    %get3A_41 = memref.load %arg3[%get3A_40] : memref<256xf32, #tpu.memory_space<smem>>
    %sub3A_42 = arith.constant 2048 : i32
    %sub3A_43 = arith.subi %sub3A_42, %get3A_35 : i32
    %get3A_44 = arith.index_cast %sub3A_43 : i32 to index
    %get3A_45 = arith.constant 0 : index
    %get3A_46 = vector.load %arg6[%get3A_44, %get3A_45] : memref<4096x128xf32, #tpu.memory_space<vmem>>, vector<2048x128xf32>
    %mul3A_47 = vector.broadcast %get3A_41 : f32 to vector<2048x128xf32>
    %mul3A_48 = arith.mulf %mul3A_47, %get3A_46 : vector<2048x128xf32>
    %add3A_49 = arith.addf %add3A_29, %mul3A_48 : vector<2048x128xf32>
    %mul3A_50 = arith.constant 8 : i32
    %mul3A_51 = arith.muli %add3A, %mul3A_50 : i32
    %add3A_52 = arith.constant 2 : i32
    %add3A_53 = arith.addi %mul3A_51, %add3A_52 : i32
    %get3A_54 = arith.index_cast %add3A_53 : i32 to index
    %get3A_55 = memref.load %arg2[%get3A_54] : memref<256xi32, #tpu.memory_space<smem>>
    %mul3A_56 = arith.constant 8 : i32
    %mul3A_57 = arith.muli %add3A, %mul3A_56 : i32
    %add3A_58 = arith.constant 2 : i32
    %add3A_59 = arith.addi %mul3A_57, %add3A_58 : i32
    %get3A_60 = arith.index_cast %add3A_59 : i32 to index
    %get3A_61 = memref.load %arg3[%get3A_60] : memref<256xf32, #tpu.memory_space<smem>>
    %sub3A_62 = arith.constant 2048 : i32
    %sub3A_63 = arith.subi %sub3A_62, %get3A_55 : i32
    %get3A_64 = arith.index_cast %sub3A_63 : i32 to index
    %get3A_65 = arith.constant 0 : index
    %get3A_66 = vector.load %arg6[%get3A_64, %get3A_65] : memref<4096x128xf32, #tpu.memory_space<vmem>>, vector<2048x128xf32>
    %mul3A_67 = vector.broadcast %get3A_61 : f32 to vector<2048x128xf32>
    %mul3A_68 = arith.mulf %mul3A_67, %get3A_66 : vector<2048x128xf32>
    %add3A_69 = arith.addf %add3A_49, %mul3A_68 : vector<2048x128xf32>
    %mul3A_70 = arith.constant 8 : i32
    %mul3A_71 = arith.muli %add3A, %mul3A_70 : i32
    %add3A_72 = arith.constant 3 : i32
    %add3A_73 = arith.addi %mul3A_71, %add3A_72 : i32
    %get3A_74 = arith.index_cast %add3A_73 : i32 to index
    %get3A_75 = memref.load %arg2[%get3A_74] : memref<256xi32, #tpu.memory_space<smem>>
    %mul3A_76 = arith.constant 8 : i32
    %mul3A_77 = arith.muli %add3A, %mul3A_76 : i32
    %add3A_78 = arith.constant 3 : i32
    %add3A_79 = arith.addi %mul3A_77, %add3A_78 : i32
    %get3A_80 = arith.index_cast %add3A_79 : i32 to index
    %get3A_81 = memref.load %arg3[%get3A_80] : memref<256xf32, #tpu.memory_space<smem>>
    %sub3A_82 = arith.constant 2048 : i32
    %sub3A_83 = arith.subi %sub3A_82, %get3A_75 : i32
    %get3A_84 = arith.index_cast %sub3A_83 : i32 to index
    %get3A_85 = arith.constant 0 : index
    %get3A_86 = vector.load %arg6[%get3A_84, %get3A_85] : memref<4096x128xf32, #tpu.memory_space<vmem>>, vector<2048x128xf32>
    %mul3A_87 = vector.broadcast %get3A_81 : f32 to vector<2048x128xf32>
    %mul3A_88 = arith.mulf %mul3A_87, %get3A_86 : vector<2048x128xf32>
    %add3A_89 = arith.addf %add3A_69, %mul3A_88 : vector<2048x128xf32>
    %mul3A_90 = arith.constant 8 : i32
    %mul3A_91 = arith.muli %add3A, %mul3A_90 : i32
    %add3A_92 = arith.constant 4 : i32
    %add3A_93 = arith.addi %mul3A_91, %add3A_92 : i32
    %get3A_94 = arith.index_cast %add3A_93 : i32 to index
    %get3A_95 = memref.load %arg2[%get3A_94] : memref<256xi32, #tpu.memory_space<smem>>
    %mul3A_96 = arith.constant 8 : i32
    %mul3A_97 = arith.muli %add3A, %mul3A_96 : i32
    %add3A_98 = arith.constant 4 : i32
    %add3A_99 = arith.addi %mul3A_97, %add3A_98 : i32
    %get3A_100 = arith.index_cast %add3A_99 : i32 to index
    %get3A_101 = memref.load %arg3[%get3A_100] : memref<256xf32, #tpu.memory_space<smem>>
    %sub3A_102 = arith.constant 2048 : i32
    %sub3A_103 = arith.subi %sub3A_102, %get3A_95 : i32
    %get3A_104 = arith.index_cast %sub3A_103 : i32 to index
    %get3A_105 = arith.constant 0 : index
    %get3A_106 = vector.load %arg6[%get3A_104, %get3A_105] : memref<4096x128xf32, #tpu.memory_space<vmem>>, vector<2048x128xf32>
    %mul3A_107 = vector.broadcast %get3A_101 : f32 to vector<2048x128xf32>
    %mul3A_108 = arith.mulf %mul3A_107, %get3A_106 : vector<2048x128xf32>
    %add3A_109 = arith.addf %add3A_89, %mul3A_108 : vector<2048x128xf32>
    %mul3A_110 = arith.constant 8 : i32
    %mul3A_111 = arith.muli %add3A, %mul3A_110 : i32
    %add3A_112 = arith.constant 5 : i32
    %add3A_113 = arith.addi %mul3A_111, %add3A_112 : i32
    %get3A_114 = arith.index_cast %add3A_113 : i32 to index
    %get3A_115 = memref.load %arg2[%get3A_114] : memref<256xi32, #tpu.memory_space<smem>>
    %mul3A_116 = arith.constant 8 : i32
    %mul3A_117 = arith.muli %add3A, %mul3A_116 : i32
    %add3A_118 = arith.constant 5 : i32
    %add3A_119 = arith.addi %mul3A_117, %add3A_118 : i32
    %get3A_120 = arith.index_cast %add3A_119 : i32 to index
    %get3A_121 = memref.load %arg3[%get3A_120] : memref<256xf32, #tpu.memory_space<smem>>
    %sub3A_122 = arith.constant 2048 : i32
    %sub3A_123 = arith.subi %sub3A_122, %get3A_115 : i32
    %get3A_124 = arith.index_cast %sub3A_123 : i32 to index
    %get3A_125 = arith.constant 0 : index
    %get3A_126 = vector.load %arg6[%get3A_124, %get3A_125] : memref<4096x128xf32, #tpu.memory_space<vmem>>, vector<2048x128xf32>
    %mul3A_127 = vector.broadcast %get3A_121 : f32 to vector<2048x128xf32>
    %mul3A_128 = arith.mulf %mul3A_127, %get3A_126 : vector<2048x128xf32>
    %add3A_129 = arith.addf %add3A_109, %mul3A_128 : vector<2048x128xf32>
    %mul3A_130 = arith.constant 8 : i32
    %mul3A_131 = arith.muli %add3A, %mul3A_130 : i32
    %add3A_132 = arith.constant 6 : i32
    %add3A_133 = arith.addi %mul3A_131, %add3A_132 : i32
    %get3A_134 = arith.index_cast %add3A_133 : i32 to index
    %get3A_135 = memref.load %arg2[%get3A_134] : memref<256xi32, #tpu.memory_space<smem>>
    %mul3A_136 = arith.constant 8 : i32
    %mul3A_137 = arith.muli %add3A, %mul3A_136 : i32
    %add3A_138 = arith.constant 6 : i32
    %add3A_139 = arith.addi %mul3A_137, %add3A_138 : i32
    %get3A_140 = arith.index_cast %add3A_139 : i32 to index
    %get3A_141 = memref.load %arg3[%get3A_140] : memref<256xf32, #tpu.memory_space<smem>>
    %sub3A_142 = arith.constant 2048 : i32
    %sub3A_143 = arith.subi %sub3A_142, %get3A_135 : i32
    %get3A_144 = arith.index_cast %sub3A_143 : i32 to index
    %get3A_145 = arith.constant 0 : index
    %get3A_146 = vector.load %arg6[%get3A_144, %get3A_145] : memref<4096x128xf32, #tpu.memory_space<vmem>>, vector<2048x128xf32>
    %mul3A_147 = vector.broadcast %get3A_141 : f32 to vector<2048x128xf32>
    %mul3A_148 = arith.mulf %mul3A_147, %get3A_146 : vector<2048x128xf32>
    %add3A_149 = arith.addf %add3A_129, %mul3A_148 : vector<2048x128xf32>
    %mul3A_150 = arith.constant 8 : i32
    %mul3A_151 = arith.muli %add3A, %mul3A_150 : i32
    %add3A_152 = arith.constant 7 : i32
    %add3A_153 = arith.addi %mul3A_151, %add3A_152 : i32
    %get3A_154 = arith.index_cast %add3A_153 : i32 to index
    %get3A_155 = memref.load %arg2[%get3A_154] : memref<256xi32, #tpu.memory_space<smem>>
    %mul3A_156 = arith.constant 8 : i32
    %mul3A_157 = arith.muli %add3A, %mul3A_156 : i32
    %add3A_158 = arith.constant 7 : i32
    %add3A_159 = arith.addi %mul3A_157, %add3A_158 : i32
    %get3A_160 = arith.index_cast %add3A_159 : i32 to index
    %get3A_161 = memref.load %arg3[%get3A_160] : memref<256xf32, #tpu.memory_space<smem>>
    %sub3A_162 = arith.constant 2048 : i32
    %sub3A_163 = arith.subi %sub3A_162, %get3A_155 : i32
    %get3A_164 = arith.index_cast %sub3A_163 : i32 to index
    %get3A_165 = arith.constant 0 : index
    %get3A_166 = vector.load %arg6[%get3A_164, %get3A_165] : memref<4096x128xf32, #tpu.memory_space<vmem>>, vector<2048x128xf32>
    %mul3A_167 = vector.broadcast %get3A_161 : f32 to vector<2048x128xf32>
    %mul3A_168 = arith.mulf %mul3A_167, %get3A_166 : vector<2048x128xf32>
    %add3A_169 = arith.addf %add3A_149, %mul3A_168 : vector<2048x128xf32>
    %swap3A_170 = arith.constant 0 : index
    %swap3A_171 = arith.constant 0 : index
    %swap3A_172 = arith.constant 0 : index
    %swap3A_173 = vector.load %arg5[%swap3A_170, %swap3A_171, %swap3A_172] : memref<1x2048x128xf32, #tpu.memory_space<vmem>>, vector<1x2048x128xf32>
    %swap3A_174 = vector.shape_cast %swap3A_173 : vector<1x2048x128xf32> to vector<2048x128xf32>
    %swap3A_175 = vector.shape_cast %add3A_169 : vector<2048x128xf32> to vector<1x2048x128xf32>
    tpu.vector_store %arg5[%swap3A_170, %swap3A_171, %swap3A_172], %swap3A_175 {strides = array<i32>} : memref<1x2048x128xf32, #tpu.memory_space<vmem>>, vector<1x2048x128xf32>,
    return
  }
  func.func @transform_0(%arg0: i32, %arg1: i32) -> i32 {
    %c0_i32 = arith.constant 0 : i32
    %c0_i32_0 = arith.constant 0 : i32
    return %c0_i32 : i32
  }
  func.func @transform_1(%arg0: i32, %arg1: i32) -> i32 {
    %c0_i32 = arith.constant 0 : i32
    %c0_i32_0 = arith.constant 0 : i32
    return %c0_i32 : i32
  }
  func.func @transform_2(%arg0: i32, %arg1: i32) -> (i32, i32, i32) {
    %c0_i32 = arith.constant 0 : i32
    %c0_i32_0 = arith.constant 0 : i32
    return %arg0, %c0_i32, %arg1 : i32, i32, i32
  }
  func.func @transform_3(%arg0: i32, %arg1: i32) -> (i32, i32, i32) {
    %c0_i32 = arith.constant 0 : i32
    %c0_i32_0 = arith.constant 0 : i32
    return %arg0, %c0_i32, %arg1 : i32, i32, i32
  }
}

</mosaic_0001>

<sc_bundles>
// kernel: kernel.10.cloned.1.call-start
scs
__scs_entry_jumppad:
0x0: {  	(pc) =	sbr.rel $0x88, $3  }
0x1: {  	(tag) =	ssettag $0x0;
	lr =	simm.s32 $0x1  }
0x2: {  	[smem:$0x3F96] =	sst lr;
	_ =	strace $0xD0000000  }
0x3: {  	_ = 	snop  }
0x4: {  	_ = 	snop  }
0x5: {  	_ = 	snop  }
0x6: {  	_ = 	snop  }
0x7: {  	_ = 	snop  }
__scs_overlays_trampoline_lowered:
0x8: {  	[smem:$0x3FA5] =	sst s0  }
0x9: {  	[smem:$0x3FA6] =	sst s1  }
0xa: {  	[smem:$0x3FA7] =	sst s2  }
0xb: {  	[smem:$0x3FA8] =	sst s3  }
0xc: {  	[smem:$0x3FA9] =	sst s4  }
0xd: {  	[smem:$0x3FAA] =	sst s5  }
0xe: {  	[smem:$0x3FAB] =	sst s6  }
0xf: {  	[smem:$0x3FAC] =	sst s7  }
0x10: {  	[smem:$0x3FAD] =	sst s8  }
0x11: {  	[smem:$0x3FAE] =	sst s9;
	s0 =	simm.s32 @!p0 $0x0  }
0x12: {  	s1 =	sld [smem:$0x3F94];
	s0 =	simm.s32 @p0 $0x1  }
0x13: {  	[smem:$0x3FAF] =	sst s0;
	s0 =	simm.s32 @!p1 $0x0  }
0x14: {  	s2 =	sld [smem:$0x3F93];
	s0 =	simm.s32 @p1 $0x1  }
0x15: {  	[smem:$0x3FB0] =	sst s0;
	s0 =	simm.s32 @!p2 $0x0  }
0x16: {  	s3 =	sld [smem:$0x3FDB];
	s0 =	simm.s32 @p2 $0x1  }
0x17: {  	s4 =	simm.s32 $0x1BF5;
	[smem:$0x3FB2] =	sst s0  }
0x18: {  	s0 =	sld [smem:$0x3F95];
	_ =	swait.ge [sflag:s4], $0x0  }
0x19: {  	s7 =	sld [smem:$0x3F96]  }
0x1a: {  	s8 =	sadd.s32 $0xFFFFE003, lr  }
0x1b: {  	s9 =	sadd.s32 $0xFFFFFEF7, lr;
	s5 =	simm.s32 $0xFFFFFFFF;
	p2 =	slt.u32 s8, $0xFFFFF086  }
0x1c: {  	p1 =	slt.u32 s9, $0xF7A;
	s5 =	simm.s32 @!p2 $0x0  }
0x1d: {  	s5 =	simm.s32 @p1 $0x1;
	p0 =	seq.s32 s7, s2  }
0x1e: {  	s7 =	smul.u32 @!p0 $0xF7A, s2;
	p2 =	seq.s32 @!p0 s5, $0x0  }
0x1f: {  	s9 =	smul.u32 $0xF7A, s1;
	s8 =	simm.s32 @!p0 $0x1BF5;
	p2 =	por !p2, p0  }
0x20: {  	[sflag:s8] =	ssyncset.s32 @!p0 $0xFFFFF086;
	s6 =	sadd.s32 @!p0 s3, s7;
	s7 =	simm.s32 @!p0 $0x108  }
0x21: {  	s3 =	sadd.s32 s3, s9;
	s6 =	sadd.s32 @!p0 $0x88, s6;
	s7 =	simm.s32 @p2 $0x1082  }
0x22: {  	[simem:s7], [sflag:s8] =	dma.local @!p0 [hbm:s6], $0xF7A  }
0x23: {  	s9 =	sor.u32 $0xD0000000, s2;
	s6 =	simm.s32 $0x108;
	_ =	swait.ge @!p0 [sflag:s8], $0x0  }
0x24: {  	s3 =	sadd.s32 $0x88, s3;
	s6 =	simm.s32 @!p1 $0x1082;
	[sflag:s4] =	ssyncset.s32 $0xFFFFF086  }
0x25: {  	[simem:s6], [sflag:s4] =	dma.local [hbm:s3], $0xF7A  }
0x26: {  	[smem:$0x3F96] =	sst s1;
	(tag) =	ssettag s2;
	_ =	strace s9  }
0x27: {  	s1 =	sld [smem:$0x3FA6]  }
0x28: {  	s2 =	sld [smem:$0x3FA7]  }
0x29: {  	s4 =	sld [smem:$0x3FA9]  }
0x2a: {  	p0 =	seq.s32 s5, $0x0;
	s5 =	sld [smem:$0x3FAA]  }
0x2b: {  	s6 =	sld [smem:$0x3FAB]  }
0x2c: {  	s7 =	sld [smem:$0x3FAC]  }
0x2d: {  	s3 =	simm.s32 $0x108;
	s8 =	sld [smem:$0x3FAD]  }
0x2e: {  	s3 =	simm.s32 @!p0 $0x1082;
	s9 =	sld [smem:$0x3FAE]  }
0x2f: {  	lr =	sadd.s32 s0, s3;
	s0 =	sld [smem:$0x3FA5]  }
0x30: {  	s3 =	sld [smem:$0x3FA8]  }
0x31: {  	[smem:$0x3FB1] =	sst s10  }
0x32: {  	s10 =	sld [smem:$0x3FAF];
	_ =	sdelay $0x3  }
0x33: {  	p0 =	seq.s32 s10, $0x1;
	s10 =	sld [smem:$0x3FB1];
	_ =	sdelay $0x3  }
0x34: {  	[smem:$0x3FB1] =	sst s10  }
0x35: {  	s10 =	sld [smem:$0x3FB0];
	_ =	sdelay $0x3  }
0x36: {  	p1 =	seq.s32 s10, $0x1;
	s10 =	sld [smem:$0x3FB1];
	_ =	sdelay $0x3  }
0x37: {  	[smem:$0x3FB1] =	sst s10  }
0x38: {  	s10 =	sld [smem:$0x3FB2]  }
0x39: {  	_ = 	snop;
	(pc) =	sbr.ind lr, $3  }
0x3a: {  	_ = 	snop  }
0x3b: {  	_ = 	snop  }
0x3c: {  	p2 =	seq.s32 s10, $0x1;
	s10 =	sld [smem:$0x3FB1]  }
0x3d: {  	_ =	shalt  }
0x3e: {  	_ =	shalt  }
0x3f: {  	_ =	shalt  }
0x40: {  	_ =	shalt  }
0x41: {  	_ =	shalt  }
0x42: {  	_ =	shalt  }
0x43: {  	_ =	shalt  }
0x44: {  	_ =	shalt  }
0x45: {  	_ =	shalt  }
0x46: {  	_ =	shalt  }
0x47: {  	_ =	shalt  }
0x48: {  	_ =	shalt  }
0x49: {  	_ =	shalt  }
0x4a: {  	_ =	shalt  }
0x4b: {  	_ =	shalt  }
0x4c: {  	_ =	shalt  }
0x4d: {  	_ =	shalt  }
0x4e: {  	_ =	shalt  }
0x4f: {  	_ =	shalt  }
0x50: {  	_ =	shalt  }
0x51: {  	_ =	shalt  }
0x52: {  	_ =	shalt  }
0x53: {  	_ =	shalt  }
0x54: {  	_ =	shalt  }
0x55: {  	_ =	shalt  }
0x56: {  	_ =	shalt  }
0x57: {  	_ =	shalt  }
0x58: {  	_ =	shalt  }
0x59: {  	_ =	shalt  }
0x5a: {  	_ =	shalt  }
0x5b: {  	_ =	shalt  }
0x5c: {  	_ =	shalt  }
0x5d: {  	_ =	shalt  }
0x5e: {  	_ =	shalt  }
0x5f: {  	_ =	shalt  }
0x60: {  	_ =	shalt  }
0x61: {  	_ =	shalt  }
0x62: {  	_ =	shalt  }
0x63: {  	_ =	shalt  }
0x64: {  	_ =	shalt  }
0x65: {  	_ =	shalt  }
0x66: {  	_ =	shalt  }
0x67: {  	_ =	shalt  }
0x68: {  	_ =	shalt  }
0x69: {  	_ =	shalt  }
0x6a: {  	_ =	shalt  }
0x6b: {  	_ =	shalt  }
0x6c: {  	_ =	shalt  }
0x6d: {  	_ =	shalt  }
0x6e: {  	_ =	shalt  }
0x6f: {  	_ =	shalt  }
0x70: {  	_ =	shalt  }
0x71: {  	_ =	shalt  }
0x72: {  	_ =	shalt  }
0x73: {  	_ =	shalt  }
0x74: {  	_ =	shalt  }
0x75: {  	_ =	shalt  }
0x76: {  	_ =	shalt  }
0x77: {  	_ =	shalt  }
0x78: {  	_ =	shalt  }
0x79: {  	_ =	shalt  }
0x7a: {  	_ =	shalt  }
0x7b: {  	_ =	shalt  }
0x7c: {  	_ =	shalt  }
0x7d: {  	_ =	shalt  }
0x7e: {  	_ =	shalt  }
0x7f: {  	_ =	shalt  }
0x80: {  	_ =	shalt  }
0x81: {  	_ =	shalt  }
0x82: {  	_ =	shalt  }
0x83: {  	_ =	shalt  }
0x84: {  	_ =	shalt  }
0x85: {  	_ =	shalt  }
0x86: {  	_ =	shalt  }
0x87: {  	_ =	shalt  }
.Lfunc_end0:
.L_simem_size_0:
called_computation_lowered:
.L_overlay_start_0:
0x88: {  	s2 =	sld [smem:$0x3FD9]  }
0x89: {  	s3 =	sld [smem:$0x3FFE];
	_ =	sdelay $0x1  }
0x8a: {  	s1 =	srdreg.scid  }
0x8b: {  	s0 =	sand.u32 $0x1, s1  }
0x8c: {  	s16 =	sshll.u32 s0, $0xA;
	s2 =	sadd.s32 s3, s2  }
0x8d: {  	s2 =	sadd.s32 s2, s16  }
0x8e: {  	[smem:$0x3FBD] =	sst s2  }
0x8f: {  	_ = 	snop  }
0x90: {  	(tm) =	ssettm $0x1  }
0x91: {  	s17 =	sld [smem:$0x3FFB];
	_ =	sdelay $0x3  }
0x92: {  	_ =	strace s17  }
0x93: {  	s2 =	sld [smem:$0x3FFC];
	_ =	sdelay $0x3  }
0x94: {  	_ =	strace s2  }
0x95: {  	s2 =	sld [smem:$0x3FFD];
	_ =	sdelay $0x3  }
0x96: {  	_ =	strace s2  }
0x97: {  	_ =	strace $0x8FFFFFFF  }
0x98: {  	s18 =	sld [smem:$0x3FDB];
	_ =	sdelay $0x1  }
0x99: {  	s19 =	simm.s32 $_scs_section_size  }
0x9a: {  	s4 =	simm.s32 $_size__tile_overlayer_lowered;
	s5 =	simm.s32 $_tile_overlayer_lowered  }
0x9b: {  	s22 =	simm.s32 $0x1BFF;
	s21 =	sshll.u32 s5, $0x1;
	s2 =	sadd.s32 s19, s18  }
0x9c: {  	s6 =	simm.s32 $0x0;
	s20 =	sshll.u32 s4, $0x1;
	s4 =	sadd.s32 s21, s2  }
0x9d: {  	[timem:s6], [sflag:s22] =	dma.local [hbm:s4], s20  }
0x9e: {  	_ =	swait.ge [sflag:s22], s20  }
0x9f: {  	s3 =	ssub.s32 $0x0, s20;
	[sflag:s22] =	ssyncset.done $0x0  }
0xa0: {  	[sflag:s22] =	ssyncadd.s32 s3;
	_ =	sdelay $0x1  }
0xa1: {  	s23 =	simm.s32 $0x1B8B  }
0xa2: {  	_ =	swait.ge [sflag:s23], $0x1  }
0xa3: {  	[sflag:s23] =	ssyncset.done $0x0  }
0xa4: {  	s25 =	simm.s32 $0x1B8E;
	s24 =	sld [smem:$0x3FFE];
	[sflag:s23] =	ssyncadd.s32 $0xFFFFFFFF  }
0xa5: {  	s26 =	simm.s32 $execute0_lowered;
	[smem:$0x3FD2] =	sst s25  }
0xa6: {  	s4 =	sshll.u32 s26, $0x1;
	_ =	strace $0x80000046;
	[dreg:$0x1] =	wrdreg $0xFFFFFFFF  }
0xa7: {  	s28 =	simm.s32 $_size_execute0_lowered;
	s2 =	sadd.s32 s2, s4;
	[dreg:$0x0] =	wrdreg $0x0  }
0xa8: {  	s4 =	sshll.u32 s28, $0x1;
	[dreg:$0x2] =	wrdreg s2  }
0xa9: {  	[dreg:$0x3] =	wrdreg s4  }
0xaa: {  	[dreg:$0x4] =	wrdreg $0xC0  }
0xab: {  	_ =	task [dreg:s6], $0x5FFFF  }
0xac: {  	[dreg:$0x1] =	wrdreg $0xFFFFFFFF  }
0xad: {  	[dreg:$0x0] =	wrdreg $0x60  }
0xae: {  	[dreg:$0x2] =	wrdreg s24  }
0xaf: {  	[dreg:$0x3] =	wrdreg $0x9  }
0xb0: {  	_ =	task.clear_ibuf [dreg:s6], $0x4FFFF;
	_ =	strace $0x90000046  }
0xb1: {  	s29 =	simm.s32 $0x9;
	_ =	strace $0x80000048  }
0xb2: {  	_ =	swait.ge [sflag:s29], $0x1  }
0xb3: {  	[sflag:s29] =	ssyncadd.s32 $0xFFFFFFFF  }
0xb4: {  	_ =	strace $0x90000048  }
0xb5: {  	_ =	sfence  }
0xb6: {  	s30 =	sld [smem:$0x0];
	_ =	sdelay $0x2  }
0xb7: {  	s31 =	sshll.u32 s1, $0xD;
	s1 =	sshrl.u32 s1, $0x2  }
0xb8: {  	s3 =	sand.u32 $0x4000, s31;
	s1 =	sadd.s32 s1, s30  }
0xb9: {  	s0 =	sor.u32 s3, s0;
	s1 =	sshll.u32 s1, $0x11  }
0xba: {  	s0 =	sor.u32 s1, s0  }
0xbb: {  	s0 =	sadd.s32 $0x8F2B, s0  }
0xbc: {  	[sflag:s0] =	ssyncadd.remote.s32 $0x1  }
0xbd: {  	_ =	sfence.sel $0xFFFF  }
0xbe: {  	[dreg:$0x0] =	wrdreg $0xFFFFFFFF;
	(pc) =	sbr.abs _section_cstart, $3  }
0xbf: {  	[dreg:$0x1] =	wrdreg $0xFFFFFFFF  }
0xc0: {  	_ =	task.clear_ibuf [dreg:s6], $0x2FFFF;
	_ =	strace $0x9FFFFFFF  }
0xc1: {  	(tm) =	ssettm $0x7FFFFFFF  }
tec
execute0_lowered:
.L_overlay_start_1:
0x0: {  	(tag) =	ssettag $0x1  }
0x1: {  	s3 =	rddreg [dreg:$0x0]  }
0x2: {  	s0 =	rddreg [dreg:$0x1];
	s2 =	simm.s32 $0x0;
	s4 =	srdreg.scid  }
0x3: {  	s1 =	stileid.u32;
	s8 =	simm.s32 $0x900;
	s9 =	simm.s32 $0x980  }
0x4: {  	[smem:$0x7FF] =	sst s2;
	s4 =	sand.u32 $0x1, s4;
	s5 =	sshll.u32 s1, $0x1  }
0x5: {  	s10 =	simm.s32 $0x0;
	_ =	strace $0x80000047;
	s5 =	sor.u32 s4, s5  }
0x6: {  	s4 =	ssub.s32 $0x2, s4;
	s6 =	sshll.u32 s5, $0x8;
	s5 =	sshll.u32 s5, $0x1  }
0x7: {  	v0 =	vlaneseq.u32;
	vm0 =	vcmask $0x320;
	vm1 =	vcmask $0x720;
	s31 =	sshrl.u32 s4, $0x1;
	s6 =	sadd.s32 s6, s3;
	s5 =	sadd.s32 s5, s3  }
0x8: {  	vm2 =	vcmask $0xB20;
	vm3 =	vcmask $0xF20;
	vm4 =	vcmask $0x1320;
	s7 =	ssub.s32 s4, s31;
	s3 =	sadd.s32 $0x2200, s6;
	s4 =	sadd.s32 $0x4200, s5  }
0x9: {  	vm5 =	vcmask $0x1720;
	vm6 =	vcmask $0x1B20;
	vm10 =	vmmov $0xff;
	s5 =	sadd.s32 $0x4400, s5;
	s6 =	smax.u32 s7, $0x1;
	s7 =	simm.s32 $0x1  }
.LBB2_1:
0xa: {  	[tilespmem:s2], [sflag:$0x1] =	stream.linear.gather [hbm4b:s3+s2], $0x800, $0x38;
	[tilespmem:$0xA00] =	vst v63  }
0xb: {  	_ =	swait.ge [sflag:s7], $0x800  }
0xc: {  	[sflag:s7] =	ssyncset.done $0x0  }
0xd: {  	[sflag:s7] =	ssyncadd.s32 $0xFFFFF800  }
0xe: {  	v2 =	vld [tilespmem:s2+$0x0];
	_ =	sdelay $0x3  }
0xf: {  	v4 =	vimm.f32 $-1.000000020e+30  }
0x10: {  	v1 =	vimm.s32 $0x0;
	s11 =	simm.s32 $0x10;
	v3 =	vor.u32 s2, v0;
	s12 =	simm.s32 $0x10;
	vm7 =	vgt.f32 v2, v4  }
.LBB2_2:
0x11: {  	p0 =	sne.s32 s11, $0x7F0;
	v4 =	vsel vm7, v2, v4;
	v2 =	vld [tilespmem:s12+$0x0];
	v1 =	vsel vm7, v3, v1;
	s13 =	smov.u32 s11;
	s11 =	sadd.s32 $0x10, s11  }
.Ltmp0:
0x12: {  	(pc) =	sbr.rel @p0 .LBB2_2-.Ltmp0, $2  }
0x13: {  	_ =	sdelay $0x2  }
0x14: {  	s12 =	sadd.s32 $0x10, s12;
	v3 =	vor.u32 s13, v0;
	vm7 =	vgt.f32 v2, v4  }
0x15: {  	v4 =	vsel vm7, v2, v4  }
0x16: {  	[tilespmem:$0x800] =	vst v4  }
0x17: {  	[tilespmem:$0x810] =	vst v4  }
0x18: {  	v2 =	vld [tilespmem:$0x808];
	_ =	sdelay $0x4  }
0x19: {  	v2 =	vmax.f32 v4, v2  }
0x1a: {  	[tilespmem:$0x800] =	vst v2  }
0x1b: {  	[tilespmem:$0x810] =	vst v2  }
0x1c: {  	v5 =	vld [tilespmem:$0x804];
	_ =	sdelay $0x4  }
0x1d: {  	v2 =	vmax.f32 v2, v5  }
0x1e: {  	[tilespmem:$0x800] =	vst v2  }
0x1f: {  	[tilespmem:$0x810] =	vst v2  }
0x20: {  	v5 =	vld [tilespmem:$0x802];
	_ =	sdelay $0x4  }
0x21: {  	v2 =	vmax.f32 v2, v5  }
0x22: {  	[tilespmem:$0x800] =	vst v2  }
0x23: {  	[tilespmem:$0x810] =	vst v2  }
0x24: {  	v5 =	vld [tilespmem:$0x801];
	_ =	sdelay $0x4  }
0x25: {  	v2 =	vmax.f32 v2, v5  }
0x26: {  	v1 =	vsel vm7, v3, v1;
	vm7 =	veq.f32 v4, v2  }
0x27: {  	v1 =	vnsel vm7, $0x800, v1  }
0x28: {  	[tilespmem:$0x880] =	vst v1  }
0x29: {  	[tilespmem:$0x890] =	vst v1  }
0x2a: {  	v3 =	vld [tilespmem:$0x888];
	_ =	sdelay $0x4  }
0x2b: {  	vm7 =	vlt.s32 v1, v3  }
0x2c: {  	v1 =	vsel vm7, v1, v3  }
0x2d: {  	[tilespmem:$0x880] =	vst v1  }
0x2e: {  	[tilespmem:$0x890] =	vst v1  }
0x2f: {  	v3 =	vld [tilespmem:$0x884];
	_ =	sdelay $0x4  }
0x30: {  	vm7 =	vlt.s32 v1, v3  }
0x31: {  	v1 =	vsel vm7, v1, v3  }
0x32: {  	[tilespmem:$0x880] =	vst v1  }
0x33: {  	[tilespmem:$0x890] =	vst v1  }
0x34: {  	v3 =	vld [tilespmem:$0x882];
	_ =	sdelay $0x4  }
0x35: {  	vm7 =	vlt.s32 v1, v3  }
0x36: {  	v1 =	vsel vm7, v1, v3  }
0x37: {  	[tilespmem:$0x880] =	vst v1  }
0x38: {  	[tilespmem:$0x890] =	vst v1  }
0x39: {  	v3 =	vld [tilespmem:$0x881];
	_ =	sdelay $0x1  }
0x3a: {  	s13 =	simm.s32 $0x0  }
0x3b: {  	v4 =	vld [tilespmem:s13+$0x0];
	_ =	sdelay $0x1  }
0x3c: {  	vm7 =	vlt.s32 v1, v3  }
0x3d: {  	v1 =	vsel vm7, v1, v3;
	v3 =	vor.u32 s13, v0  }
0x3e: {  	vm7 =	veq.s32 v3, v1  }
0x3f: {  	v5 =	vimm.f32 $-1.000000020e+30;
	v6 =	vsel vm7, $0xF149F2CA, v4  }
0x40: {  	s11 =	simm.s32 $0x10;
	s12 =	simm.s32 $0x20;
	v4 =	vimm.s32 $0x0;
	[tilespmem:s13+$0x0] =	vst v6;
	vm7 =	vgt.f32 v6, v5;
	s13 =	simm.s32 $0x10  }
.LBB2_4:
0x41: {  	p0 =	sne.s32 s12, $0x7F0;
	v7 =	vld [tilespmem:s11+$0x0];
	v5 =	vsel vm7, v6, v5;
	v4 =	vsel vm7, v3, v4;
	_ =	sdelay $0x1  }
.Ltmp1:
0x42: {  	(pc) =	sbr.rel @p0 .LBB2_4-.Ltmp1, $4  }
0x43: {  	v3 =	vor.u32 s13, v0;
	s13 =	smov.u32 s12  }
0x44: {  	vm7 =	veq.s32 v3, v1  }
0x45: {  	v6 =	vsel vm7, $0xF149F2CA, v7  }
0x46: {  	s12 =	sadd.s32 $0x10, s12;
	[tilespmem:s11+$0x0] =	vst v6;
	vm7 =	vgt.f32 v6, v5;
	s11 =	sadd.s32 $0x10, s11  }
0x47: {  	v7 =	vld [tilespmem:s11+$0x0];
	_ =	sdelay $0x2  }
0x48: {  	v8 =	vor.u32 s13, v0  }
0x49: {  	vm8 =	veq.s32 v8, v1  }
0x4a: {  	v5 =	vsel vm7, v6, v5;
	v6 =	vsel vm8, $0xF149F2CA, v7  }
0x4b: {  	vm8 =	vgt.f32 v6, v5  }
0x4c: {  	[tilespmem:s11+$0x0] =	vst v6;
	v5 =	vsel vm8, v6, v5  }
0x4d: {  	[tilespmem:$0x800] =	vst v5  }
0x4e: {  	[tilespmem:$0x810] =	vst v5  }
0x4f: {  	v6 =	vld [tilespmem:$0x808];
	_ =	sdelay $0x4  }
0x50: {  	v6 =	vmax.f32 v5, v6  }
0x51: {  	[tilespmem:$0x800] =	vst v6  }
0x52: {  	[tilespmem:$0x810] =	vst v6  }
0x53: {  	v7 =	vld [tilespmem:$0x804];
	_ =	sdelay $0x4  }
0x54: {  	v6 =	vmax.f32 v6, v7  }
0x55: {  	[tilespmem:$0x800] =	vst v6  }
0x56: {  	[tilespmem:$0x810] =	vst v6  }
0x57: {  	v7 =	vld [tilespmem:$0x802];
	_ =	sdelay $0x4  }
0x58: {  	v6 =	vmax.f32 v6, v7  }
0x59: {  	[tilespmem:$0x800] =	vst v6  }
0x5a: {  	[tilespmem:$0x810] =	vst v6  }
0x5b: {  	v7 =	vld [tilespmem:$0x801];
	_ =	sdelay $0x4  }
0x5c: {  	v3 =	vsel vm7, v3, v4;
	v4 =	vmax.f32 v6, v7  }
0x5d: {  	v3 =	vsel vm8, v8, v3;
	vm7 =	veq.f32 v5, v4  }
0x5e: {  	v3 =	vnsel vm7, $0x800, v3  }
0x5f: {  	[tilespmem:$0x880] =	vst v3  }
0x60: {  	[tilespmem:$0x890] =	vst v3  }
0x61: {  	v5 =	vld [tilespmem:$0x888];
	_ =	sdelay $0x4  }
0x62: {  	vm7 =	vlt.s32 v3, v5  }
0x63: {  	v3 =	vsel vm7, v3, v5  }
0x64: {  	[tilespmem:$0x880] =	vst v3  }
0x65: {  	[tilespmem:$0x890] =	vst v3  }
0x66: {  	v5 =	vld [tilespmem:$0x884];
	_ =	sdelay $0x4  }
0x67: {  	vm7 =	vlt.s32 v3, v5  }
0x68: {  	v3 =	vsel vm7, v3, v5  }
0x69: {  	[tilespmem:$0x880] =	vst v3  }
0x6a: {  	[tilespmem:$0x890] =	vst v3  }
0x6b: {  	v5 =	vld [tilespmem:$0x882];
	_ =	sdelay $0x4  }
0x6c: {  	vm7 =	vlt.s32 v3, v5  }
0x6d: {  	v3 =	vsel vm7, v3, v5  }
0x6e: {  	[tilespmem:$0x880] =	vst v3  }
0x6f: {  	[tilespmem:$0x890] =	vst v3  }
0x70: {  	v5 =	vld [tilespmem:$0x881];
	_ =	sdelay $0x1  }
0x71: {  	s31 =	simm.s32 $0x0  }
0x72: {  	v6 =	vld [tilespmem:s31+$0x0];
	_ =	sdelay $0x1  }
0x73: {  	vm7 =	vlt.s32 v3, v5  }
0x74: {  	v3 =	vsel vm7, v3, v5;
	v5 =	vor.u32 s31, v0  }
0x75: {  	vm7 =	veq.s32 v5, v3  }
0x76: {  	v7 =	vimm.f32 $-1.000000020e+30;
	v8 =	vsel vm7, $0xF149F2CA, v6  }
0x77: {  	s12 =	simm.s32 $0x20;
	s13 =	simm.s32 $0x10;
	s11 =	simm.s32 $0x10;
	v6 =	vimm.s32 $0x0;
	[tilespmem:s31+$0x0] =	vst v8;
	vm7 =	vgt.f32 v8, v7  }
.LBB2_6:
0x78: {  	p0 =	sne.s32 s12, $0x7F0;
	v9 =	vld [tilespmem:s11+$0x0];
	v7 =	vsel vm7, v8, v7;
	v6 =	vsel vm7, v5, v6;
	_ =	sdelay $0x1  }
.Ltmp2:
0x79: {  	(pc) =	sbr.rel @p0 .LBB2_6-.Ltmp2, $4  }
0x7a: {  	v5 =	vor.u32 s13, v0;
	s13 =	smov.u32 s12  }
0x7b: {  	vm7 =	veq.s32 v5, v3  }
0x7c: {  	v8 =	vsel vm7, $0xF149F2CA, v9  }
0x7d: {  	s12 =	sadd.s32 $0x10, s12;
	[tilespmem:s11+$0x0] =	vst v8;
	vm7 =	vgt.f32 v8, v7;
	s11 =	sadd.s32 $0x10, s11  }
0x7e: {  	v9 =	vld [tilespmem:s11+$0x0];
	_ =	sdelay $0x2  }
0x7f: {  	v10 =	vor.u32 s13, v0  }
0x80: {  	vm8 =	veq.s32 v10, v3  }
0x81: {  	v7 =	vsel vm7, v8, v7;
	v8 =	vsel vm8, $0xF149F2CA, v9  }
0x82: {  	vm8 =	vgt.f32 v8, v7  }
0x83: {  	[tilespmem:s11+$0x0] =	vst v8;
	v7 =	vsel vm8, v8, v7  }
0x84: {  	[tilespmem:$0x800] =	vst v7  }
0x85: {  	[tilespmem:$0x810] =	vst v7  }
0x86: {  	v8 =	vld [tilespmem:$0x808];
	_ =	sdelay $0x4  }
0x87: {  	v8 =	vmax.f32 v7, v8  }
0x88: {  	[tilespmem:$0x800] =	vst v8  }
0x89: {  	[tilespmem:$0x810] =	vst v8  }
0x8a: {  	v9 =	vld [tilespmem:$0x804];
	_ =	sdelay $0x4  }
0x8b: {  	v8 =	vmax.f32 v8, v9  }
0x8c: {  	[tilespmem:$0x800] =	vst v8  }
0x8d: {  	[tilespmem:$0x810] =	vst v8  }
0x8e: {  	v9 =	vld [tilespmem:$0x802];
	_ =	sdelay $0x4  }
0x8f: {  	v8 =	vmax.f32 v8, v9  }
0x90: {  	[tilespmem:$0x800] =	vst v8  }
0x91: {  	[tilespmem:$0x810] =	vst v8  }
0x92: {  	v9 =	vld [tilespmem:$0x801];
	_ =	sdelay $0x4  }
0x93: {  	v5 =	vsel vm7, v5, v6;
	v6 =	vmax.f32 v8, v9  }
0x94: {  	v5 =	vsel vm8, v10, v5;
	vm7 =	veq.f32 v7, v6  }
0x95: {  	v5 =	vnsel vm7, $0x800, v5  }
0x96: {  	[tilespmem:$0x880] =	vst v5  }
0x97: {  	[tilespmem:$0x890] =	vst v5  }
0x98: {  	v7 =	vld [tilespmem:$0x888];
	_ =	sdelay $0x4  }
0x99: {  	vm7 =	vlt.s32 v5, v7  }
0x9a: {  	v5 =	vsel vm7, v5, v7  }
0x9b: {  	[tilespmem:$0x880] =	vst v5  }
0x9c: {  	[tilespmem:$0x890] =	vst v5  }
0x9d: {  	v7 =	vld [tilespmem:$0x884];
	_ =	sdelay $0x4  }
0x9e: {  	vm7 =	vlt.s32 v5, v7  }
0x9f: {  	v5 =	vsel vm7, v5, v7  }
0xa0: {  	[tilespmem:$0x880] =	vst v5  }
0xa1: {  	[tilespmem:$0x890] =	vst v5  }
0xa2: {  	v7 =	vld [tilespmem:$0x882];
	_ =	sdelay $0x4  }
0xa3: {  	vm7 =	vlt.s32 v5, v7  }
0xa4: {  	v5 =	vsel vm7, v5, v7  }
0xa5: {  	[tilespmem:$0x880] =	vst v5  }
0xa6: {  	[tilespmem:$0x890] =	vst v5  }
0xa7: {  	v7 =	vld [tilespmem:$0x881];
	_ =	sdelay $0x1  }
0xa8: {  	s31 =	simm.s32 $0x0  }
0xa9: {  	v8 =	vld [tilespmem:s31+$0x0];
	_ =	sdelay $0x1  }
0xaa: {  	vm7 =	vlt.s32 v5, v7  }
0xab: {  	v5 =	vsel vm7, v5, v7;
	v7 =	vor.u32 s31, v0  }
0xac: {  	vm7 =	veq.s32 v7, v5  }
0xad: {  	v9 =	vimm.f32 $-1.000000020e+30;
	v10 =	vsel vm7, $0xF149F2CA, v8  }
0xae: {  	s12 =	simm.s32 $0x20;
	s13 =	simm.s32 $0x10;
	s11 =	simm.s32 $0x10;
	v8 =	vimm.s32 $0x0;
	[tilespmem:s31+$0x0] =	vst v10;
	vm7 =	vgt.f32 v10, v9  }
.LBB2_8:
0xaf: {  	p0 =	sne.s32 s12, $0x7F0;
	v11 =	vld [tilespmem:s11+$0x0];
	v9 =	vsel vm7, v10, v9;
	v8 =	vsel vm7, v7, v8;
	_ =	sdelay $0x1  }
.Ltmp3:
0xb0: {  	(pc) =	sbr.rel @p0 .LBB2_8-.Ltmp3, $4  }
0xb1: {  	v7 =	vor.u32 s13, v0;
	s13 =	smov.u32 s12  }
0xb2: {  	vm7 =	veq.s32 v7, v5  }
0xb3: {  	v10 =	vsel vm7, $0xF149F2CA, v11  }
0xb4: {  	s12 =	sadd.s32 $0x10, s12;
	[tilespmem:s11+$0x0] =	vst v10;
	vm7 =	vgt.f32 v10, v9;
	s11 =	sadd.s32 $0x10, s11  }
0xb5: {  	v11 =	vld [tilespmem:s11+$0x0];
	_ =	sdelay $0x2  }
0xb6: {  	v12 =	vor.u32 s13, v0  }
0xb7: {  	vm8 =	veq.s32 v12, v5  }
0xb8: {  	v9 =	vsel vm7, v10, v9;
	v10 =	vsel vm8, $0xF149F2CA, v11  }
0xb9: {  	vm8 =	vgt.f32 v10, v9  }
0xba: {  	[tilespmem:s11+$0x0] =	vst v10;
	v9 =	vsel vm8, v10, v9  }
0xbb: {  	[tilespmem:$0x800] =	vst v9  }
0xbc: {  	[tilespmem:$0x810] =	vst v9  }
0xbd: {  	v10 =	vld [tilespmem:$0x808];
	_ =	sdelay $0x4  }
0xbe: {  	v10 =	vmax.f32 v9, v10  }
0xbf: {  	[tilespmem:$0x800] =	vst v10  }
0xc0: {  	[tilespmem:$0x810] =	vst v10  }
0xc1: {  	v11 =	vld [tilespmem:$0x804];
	_ =	sdelay $0x4  }
0xc2: {  	v10 =	vmax.f32 v10, v11  }
0xc3: {  	[tilespmem:$0x800] =	vst v10  }
0xc4: {  	[tilespmem:$0x810] =	vst v10  }
0xc5: {  	v11 =	vld [tilespmem:$0x802];
	_ =	sdelay $0x4  }
0xc6: {  	v10 =	vmax.f32 v10, v11  }
0xc7: {  	[tilespmem:$0x800] =	vst v10  }
0xc8: {  	[tilespmem:$0x810] =	vst v10  }
0xc9: {  	v11 =	vld [tilespmem:$0x801];
	_ =	sdelay $0x4  }
0xca: {  	v7 =	vsel vm7, v7, v8;
	v8 =	vmax.f32 v10, v11  }
0xcb: {  	v7 =	vsel vm8, v12, v7;
	vm7 =	veq.f32 v9, v8  }
0xcc: {  	v7 =	vnsel vm7, $0x800, v7  }
0xcd: {  	[tilespmem:$0x880] =	vst v7  }
0xce: {  	[tilespmem:$0x890] =	vst v7  }
0xcf: {  	v9 =	vld [tilespmem:$0x888];
	_ =	sdelay $0x4  }
0xd0: {  	vm7 =	vlt.s32 v7, v9  }
0xd1: {  	v7 =	vsel vm7, v7, v9  }
0xd2: {  	[tilespmem:$0x880] =	vst v7  }
0xd3: {  	[tilespmem:$0x890] =	vst v7  }
0xd4: {  	v9 =	vld [tilespmem:$0x884];
	_ =	sdelay $0x4  }
0xd5: {  	vm7 =	vlt.s32 v7, v9  }
0xd6: {  	v7 =	vsel vm7, v7, v9  }
0xd7: {  	[tilespmem:$0x880] =	vst v7  }
0xd8: {  	[tilespmem:$0x890] =	vst v7  }
0xd9: {  	v9 =	vld [tilespmem:$0x882];
	_ =	sdelay $0x4  }
0xda: {  	vm7 =	vlt.s32 v7, v9  }
0xdb: {  	v7 =	vsel vm7, v7, v9  }
0xdc: {  	[tilespmem:$0x880] =	vst v7  }
0xdd: {  	[tilespmem:$0x890] =	vst v7  }
0xde: {  	v9 =	vld [tilespmem:$0x881];
	_ =	sdelay $0x1  }
0xdf: {  	s31 =	simm.s32 $0x0  }
0xe0: {  	v10 =	vld [tilespmem:s31+$0x0];
	_ =	sdelay $0x1  }
0xe1: {  	vm7 =	vlt.s32 v7, v9  }
0xe2: {  	v7 =	vsel vm7, v7, v9;
	v9 =	vor.u32 s31, v0  }
0xe3: {  	vm7 =	veq.s32 v9, v7  }
0xe4: {  	v11 =	vimm.f32 $-1.000000020e+30;
	v12 =	vsel vm7, $0xF149F2CA, v10  }
0xe5: {  	s12 =	simm.s32 $0x20;
	s13 =	simm.s32 $0x10;
	s11 =	simm.s32 $0x10;
	v10 =	vimm.s32 $0x0;
	[tilespmem:s31+$0x0] =	vst v12;
	vm7 =	vgt.f32 v12, v11  }
.LBB2_10:
0xe6: {  	p0 =	sne.s32 s12, $0x7F0;
	v13 =	vld [tilespmem:s11+$0x0];
	v11 =	vsel vm7, v12, v11;
	v10 =	vsel vm7, v9, v10;
	_ =	sdelay $0x1  }
.Ltmp4:
0xe7: {  	(pc) =	sbr.rel @p0 .LBB2_10-.Ltmp4, $4  }
0xe8: {  	v9 =	vor.u32 s13, v0;
	s13 =	smov.u32 s12  }
0xe9: {  	vm7 =	veq.s32 v9, v7  }
0xea: {  	v12 =	vsel vm7, $0xF149F2CA, v13  }
0xeb: {  	s12 =	sadd.s32 $0x10, s12;
	[tilespmem:s11+$0x0] =	vst v12;
	vm7 =	vgt.f32 v12, v11;
	s11 =	sadd.s32 $0x10, s11  }
0xec: {  	v13 =	vld [tilespmem:s11+$0x0];
	_ =	sdelay $0x2  }
0xed: {  	v14 =	vor.u32 s13, v0  }
0xee: {  	vm8 =	veq.s32 v14, v7  }
0xef: {  	v11 =	vsel vm7, v12, v11;
	v12 =	vsel vm8, $0xF149F2CA, v13  }
0xf0: {  	vm8 =	vgt.f32 v12, v11  }
0xf1: {  	[tilespmem:s11+$0x0] =	vst v12;
	v11 =	vsel vm8, v12, v11  }
0xf2: {  	[tilespmem:$0x800] =	vst v11  }
0xf3: {  	[tilespmem:$0x810] =	vst v11  }
0xf4: {  	v12 =	vld [tilespmem:$0x808];
	_ =	sdelay $0x4  }
0xf5: {  	v12 =	vmax.f32 v11, v12  }
0xf6: {  	[tilespmem:$0x800] =	vst v12  }
0xf7: {  	[tilespmem:$0x810] =	vst v12  }
0xf8: {  	v13 =	vld [tilespmem:$0x804];
	_ =	sdelay $0x4  }
0xf9: {  	v12 =	vmax.f32 v12, v13  }
0xfa: {  	[tilespmem:$0x800] =	vst v12  }
0xfb: {  	[tilespmem:$0x810] =	vst v12  }
0xfc: {  	v13 =	vld [tilespmem:$0x802];
	_ =	sdelay $0x4  }
0xfd: {  	v12 =	vmax.f32 v12, v13  }
0xfe: {  	[tilespmem:$0x800] =	vst v12  }
0xff: {  	[tilespmem:$0x810] =	vst v12  }
0x100: {  	v13 =	vld [tilespmem:$0x801];
	_ =	sdelay $0x4  }
0x101: {  	v9 =	vsel vm7, v9, v10;
	v10 =	vmax.f32 v12, v13  }
0x102: {  	v9 =	vsel vm8, v14, v9;
	vm7 =	veq.f32 v11, v10  }
0x103: {  	v9 =	vnsel vm7, $0x800, v9  }
0x104: {  	[tilespmem:$0x880] =	vst v9  }
0x105: {  	[tilespmem:$0x890] =	vst v9  }
0x106: {  	v11 =	vld [tilespmem:$0x888];
	_ =	sdelay $0x4  }
0x107: {  	vm7 =	vlt.s32 v9, v11  }
0x108: {  	v9 =	vsel vm7, v9, v11  }
0x109: {  	[tilespmem:$0x880] =	vst v9  }
0x10a: {  	[tilespmem:$0x890] =	vst v9  }
0x10b: {  	v11 =	vld [tilespmem:$0x884];
	_ =	sdelay $0x4  }
0x10c: {  	vm7 =	vlt.s32 v9, v11  }
0x10d: {  	v9 =	vsel vm7, v9, v11  }
0x10e: {  	[tilespmem:$0x880] =	vst v9  }
0x10f: {  	[tilespmem:$0x890] =	vst v9  }
0x110: {  	v11 =	vld [tilespmem:$0x882];
	_ =	sdelay $0x4  }
0x111: {  	vm7 =	vlt.s32 v9, v11  }
0x112: {  	v9 =	vsel vm7, v9, v11  }
0x113: {  	[tilespmem:$0x880] =	vst v9  }
0x114: {  	[tilespmem:$0x890] =	vst v9  }
0x115: {  	v11 =	vld [tilespmem:$0x881];
	_ =	sdelay $0x1  }
0x116: {  	s31 =	simm.s32 $0x0  }
0x117: {  	v12 =	vld [tilespmem:s31+$0x0];
	_ =	sdelay $0x1  }
0x118: {  	vm7 =	vlt.s32 v9, v11  }
0x119: {  	v9 =	vsel vm7, v9, v11;
	v11 =	vor.u32 s31, v0  }
0x11a: {  	vm7 =	veq.s32 v11, v9  }
0x11b: {  	v13 =	vimm.f32 $-1.000000020e+30;
	v14 =	vsel vm7, $0xF149F2CA, v12  }
0x11c: {  	s12 =	simm.s32 $0x20;
	s13 =	simm.s32 $0x10;
	s11 =	simm.s32 $0x10;
	v12 =	vimm.s32 $0x0;
	[tilespmem:s31+$0x0] =	vst v14;
	vm7 =	vgt.f32 v14, v13  }
.LBB2_12:
0x11d: {  	p0 =	sne.s32 s12, $0x7F0;
	v15 =	vld [tilespmem:s11+$0x0];
	v13 =	vsel vm7, v14, v13;
	v12 =	vsel vm7, v11, v12;
	_ =	sdelay $0x1  }
.Ltmp5:
0x11e: {  	(pc) =	sbr.rel @p0 .LBB2_12-.Ltmp5, $4  }
0x11f: {  	v11 =	vor.u32 s13, v0;
	s13 =	smov.u32 s12  }
0x120: {  	vm7 =	veq.s32 v11, v9  }
0x121: {  	v14 =	vsel vm7, $0xF149F2CA, v15  }
0x122: {  	s12 =	sadd.s32 $0x10, s12;
	[tilespmem:s11+$0x0] =	vst v14;
	vm7 =	vgt.f32 v14, v13;
	s11 =	sadd.s32 $0x10, s11  }
0x123: {  	v15 =	vld [tilespmem:s11+$0x0];
	_ =	sdelay $0x2  }
0x124: {  	v16 =	vor.u32 s13, v0  }
0x125: {  	vm8 =	veq.s32 v16, v9  }
0x126: {  	v13 =	vsel vm7, v14, v13;
	v14 =	vsel vm8, $0xF149F2CA, v15  }
0x127: {  	vm8 =	vgt.f32 v14, v13  }
0x128: {  	[tilespmem:s11+$0x0] =	vst v14;
	v13 =	vsel vm8, v14, v13  }
0x129: {  	[tilespmem:$0x800] =	vst v13  }
0x12a: {  	[tilespmem:$0x810] =	vst v13  }
0x12b: {  	v14 =	vld [tilespmem:$0x808];
	_ =	sdelay $0x4  }
0x12c: {  	v14 =	vmax.f32 v13, v14  }
0x12d: {  	[tilespmem:$0x800] =	vst v14  }
0x12e: {  	[tilespmem:$0x810] =	vst v14  }
0x12f: {  	v15 =	vld [tilespmem:$0x804];
	_ =	sdelay $0x4  }
0x130: {  	v14 =	vmax.f32 v14, v15  }
0x131: {  	[tilespmem:$0x800] =	vst v14  }
0x132: {  	[tilespmem:$0x810] =	vst v14  }
0x133: {  	v15 =	vld [tilespmem:$0x802];
	_ =	sdelay $0x4  }
0x134: {  	v14 =	vmax.f32 v14, v15  }
0x135: {  	[tilespmem:$0x800] =	vst v14  }
0x136: {  	[tilespmem:$0x810] =	vst v14  }
0x137: {  	v15 =	vld [tilespmem:$0x801];
	_ =	sdelay $0x4  }
0x138: {  	v11 =	vsel vm7, v11, v12;
	v12 =	vmax.f32 v14, v15  }
0x139: {  	v11 =	vsel vm8, v16, v11;
	vm7 =	veq.f32 v13, v12  }
0x13a: {  	v11 =	vnsel vm7, $0x800, v11  }
0x13b: {  	[tilespmem:$0x880] =	vst v11  }
0x13c: {  	[tilespmem:$0x890] =	vst v11  }
0x13d: {  	v13 =	vld [tilespmem:$0x888];
	_ =	sdelay $0x4  }
0x13e: {  	vm7 =	vlt.s32 v11, v13  }
0x13f: {  	v11 =	vsel vm7, v11, v13  }
0x140: {  	[tilespmem:$0x880] =	vst v11  }
0x141: {  	[tilespmem:$0x890] =	vst v11  }
0x142: {  	v13 =	vld [tilespmem:$0x884];
	_ =	sdelay $0x4  }
0x143: {  	vm7 =	vlt.s32 v11, v13  }
0x144: {  	v11 =	vsel vm7, v11, v13  }
0x145: {  	[tilespmem:$0x880] =	vst v11  }
0x146: {  	[tilespmem:$0x890] =	vst v11  }
0x147: {  	v13 =	vld [tilespmem:$0x882];
	_ =	sdelay $0x4  }
0x148: {  	vm7 =	vlt.s32 v11, v13  }
0x149: {  	v11 =	vsel vm7, v11, v13  }
0x14a: {  	[tilespmem:$0x880] =	vst v11  }
0x14b: {  	[tilespmem:$0x890] =	vst v11  }
0x14c: {  	v13 =	vld [tilespmem:$0x881];
	_ =	sdelay $0x1  }
0x14d: {  	s31 =	simm.s32 $0x0  }
0x14e: {  	v14 =	vld [tilespmem:s31+$0x0];
	_ =	sdelay $0x1  }
0x14f: {  	vm7 =	vlt.s32 v11, v13  }
0x150: {  	v11 =	vsel vm7, v11, v13;
	v13 =	vor.u32 s31, v0  }
0x151: {  	vm7 =	veq.s32 v13, v11  }
0x152: {  	v15 =	vimm.f32 $-1.000000020e+30;
	v16 =	vsel vm7, $0xF149F2CA, v14  }
0x153: {  	s12 =	simm.s32 $0x20;
	s13 =	simm.s32 $0x10;
	s11 =	simm.s32 $0x10;
	v14 =	vimm.s32 $0x0;
	[tilespmem:s31+$0x0] =	vst v16;
	vm7 =	vgt.f32 v16, v15  }
.LBB2_14:
0x154: {  	p0 =	sne.s32 s12, $0x7F0;
	v17 =	vld [tilespmem:s11+$0x0];
	v15 =	vsel vm7, v16, v15;
	v14 =	vsel vm7, v13, v14;
	_ =	sdelay $0x1  }
.Ltmp6:
0x155: {  	(pc) =	sbr.rel @p0 .LBB2_14-.Ltmp6, $4  }
0x156: {  	v13 =	vor.u32 s13, v0;
	s13 =	smov.u32 s12  }
0x157: {  	vm7 =	veq.s32 v13, v11  }
0x158: {  	v16 =	vsel vm7, $0xF149F2CA, v17  }
0x159: {  	s12 =	sadd.s32 $0x10, s12;
	[tilespmem:s11+$0x0] =	vst v16;
	vm7 =	vgt.f32 v16, v15;
	s11 =	sadd.s32 $0x10, s11  }
0x15a: {  	v17 =	vld [tilespmem:s11+$0x0];
	_ =	sdelay $0x2  }
0x15b: {  	v18 =	vor.u32 s13, v0  }
0x15c: {  	vm8 =	veq.s32 v18, v11  }
0x15d: {  	v15 =	vsel vm7, v16, v15;
	v16 =	vsel vm8, $0xF149F2CA, v17  }
0x15e: {  	vm8 =	vgt.f32 v16, v15  }
0x15f: {  	[tilespmem:s11+$0x0] =	vst v16;
	v15 =	vsel vm8, v16, v15  }
0x160: {  	[tilespmem:$0x800] =	vst v15  }
0x161: {  	[tilespmem:$0x810] =	vst v15  }
0x162: {  	v16 =	vld [tilespmem:$0x808];
	_ =	sdelay $0x4  }
0x163: {  	v16 =	vmax.f32 v15, v16  }
0x164: {  	[tilespmem:$0x800] =	vst v16  }
0x165: {  	[tilespmem:$0x810] =	vst v16  }
0x166: {  	v17 =	vld [tilespmem:$0x804];
	_ =	sdelay $0x4  }
0x167: {  	v16 =	vmax.f32 v16, v17  }
0x168: {  	[tilespmem:$0x800] =	vst v16  }
0x169: {  	[tilespmem:$0x810] =	vst v16  }
0x16a: {  	v17 =	vld [tilespmem:$0x802];
	_ =	sdelay $0x4  }
0x16b: {  	v16 =	vmax.f32 v16, v17  }
0x16c: {  	[tilespmem:$0x800] =	vst v16  }
0x16d: {  	[tilespmem:$0x810] =	vst v16  }
0x16e: {  	v17 =	vld [tilespmem:$0x801];
	_ =	sdelay $0x4  }
0x16f: {  	v13 =	vsel vm7, v13, v14;
	v14 =	vmax.f32 v16, v17  }
0x170: {  	v13 =	vsel vm8, v18, v13;
	vm7 =	veq.f32 v15, v14  }
0x171: {  	v13 =	vnsel vm7, $0x800, v13  }
0x172: {  	[tilespmem:$0x880] =	vst v13  }
0x173: {  	[tilespmem:$0x890] =	vst v13  }
0x174: {  	v15 =	vld [tilespmem:$0x888];
	_ =	sdelay $0x4  }
0x175: {  	vm7 =	vlt.s32 v13, v15  }
0x176: {  	v13 =	vsel vm7, v13, v15  }
0x177: {  	[tilespmem:$0x880] =	vst v13  }
0x178: {  	[tilespmem:$0x890] =	vst v13  }
0x179: {  	v15 =	vld [tilespmem:$0x884];
	_ =	sdelay $0x4  }
0x17a: {  	vm7 =	vlt.s32 v13, v15  }
0x17b: {  	v13 =	vsel vm7, v13, v15  }
0x17c: {  	[tilespmem:$0x880] =	vst v13  }
0x17d: {  	[tilespmem:$0x890] =	vst v13  }
0x17e: {  	v15 =	vld [tilespmem:$0x882];
	_ =	sdelay $0x4  }
0x17f: {  	vm7 =	vlt.s32 v13, v15  }
0x180: {  	v13 =	vsel vm7, v13, v15  }
0x181: {  	[tilespmem:$0x880] =	vst v13  }
0x182: {  	[tilespmem:$0x890] =	vst v13  }
0x183: {  	v15 =	vld [tilespmem:$0x881];
	_ =	sdelay $0x1  }
0x184: {  	s31 =	simm.s32 $0x0  }
0x185: {  	v16 =	vld [tilespmem:s31+$0x0];
	_ =	sdelay $0x1  }
0x186: {  	vm7 =	vlt.s32 v13, v15  }
0x187: {  	v13 =	vsel vm7, v13, v15;
	v15 =	vor.u32 s31, v0  }
0x188: {  	vm7 =	veq.s32 v15, v13  }
0x189: {  	v17 =	vimm.f32 $-1.000000020e+30;
	v18 =	vsel vm7, $0xF149F2CA, v16  }
0x18a: {  	s12 =	simm.s32 $0x20;
	s13 =	simm.s32 $0x10;
	s11 =	simm.s32 $0x10;
	v16 =	vimm.s32 $0x0;
	[tilespmem:s31+$0x0] =	vst v18;
	vm8 =	vgt.f32 v18, v17  }
.LBB2_16:
0x18b: {  	p0 =	sne.s32 s12, $0x7F0;
	v19 =	vld [tilespmem:s11+$0x0];
	v17 =	vsel vm8, v18, v17;
	v16 =	vsel vm8, v15, v16;
	_ =	sdelay $0x1  }
.Ltmp7:
0x18c: {  	(pc) =	sbr.rel @p0 .LBB2_16-.Ltmp7, $4  }
0x18d: {  	v15 =	vor.u32 s13, v0;
	s13 =	smov.u32 s12  }
0x18e: {  	vm7 =	veq.s32 v15, v13  }
0x18f: {  	v18 =	vsel vm7, $0xF149F2CA, v19  }
0x190: {  	s12 =	sadd.s32 $0x10, s12;
	[tilespmem:s11+$0x0] =	vst v18;
	vm8 =	vgt.f32 v18, v17;
	s11 =	sadd.s32 $0x10, s11  }
0x191: {  	v19 =	vld [tilespmem:s11+$0x0];
	_ =	sdelay $0x2  }
0x192: {  	v20 =	vor.u32 s13, v0  }
0x193: {  	vm7 =	veq.s32 v20, v13  }
0x194: {  	v17 =	vsel vm8, v18, v17;
	v47 =	vsel vm7, $0xF149F2CA, v19  }
0x195: {  	vm9 =	vgt.f32 v47, v17  }
0x196: {  	[tilespmem:s11+$0x0] =	vst v47;
	v17 =	vsel vm9, v47, v17  }
0x197: {  	[tilespmem:$0x800] =	vst v17  }
0x198: {  	[tilespmem:$0x810] =	vst v17  }
0x199: {  	v48 =	vld [tilespmem:$0x808];
	_ =	sdelay $0x4  }
0x19a: {  	v18 =	vmax.f32 v17, v48  }
0x19b: {  	[tilespmem:$0x800] =	vst v18  }
0x19c: {  	[tilespmem:$0x810] =	vst v18  }
0x19d: {  	v49 =	vld [tilespmem:$0x804];
	_ =	sdelay $0x4  }
0x19e: {  	v18 =	vmax.f32 v18, v49  }
0x19f: {  	[tilespmem:$0x800] =	vst v18  }
0x1a0: {  	[tilespmem:$0x810] =	vst v18  }
0x1a1: {  	v50 =	vld [tilespmem:$0x802];
	_ =	sdelay $0x4  }
0x1a2: {  	v18 =	vmax.f32 v18, v50  }
0x1a3: {  	vm7 =	vmmov $0x1;
	[tilespmem:$0x800] =	vst v18  }
0x1a4: {  	v51 =	vnsel vm7, $0xF149F2CA, v2;
	[tilespmem:$0x810] =	vst v18  }
0x1a5: {  	v4 =	vsel vm0, v51, v4;
	v52 =	vld [tilespmem:$0x801]  }
0x1a6: {  	v4 =	vsel vm1, v4, v6  }
0x1a7: {  	v4 =	vsel vm2, v4, v8  }
0x1a8: {  	v4 =	vsel vm3, v4, v10  }
0x1a9: {  	v4 =	vsel vm4, v4, v12  }
0x1aa: {  	v4 =	vsel vm5, v4, v14;
	v53 =	vmax.f32 v18, v52  }
0x1ab: {  	v4 =	vsel vm6, v4, v53  }
0x1ac: {  	v2 =	vsub.f32 v4, v2;
	_ =	sdelay $0x1  }
0x1ad: {  	v2 =	vmul.f32 $1.442695020e+00, v2;
	_ =	sdelay $0x1  }
0x1ae: {  	(erf) = vpow2.f32 v2;
	_ =	sdelay $0x8  }
0x1af: {  	v2 =	vpop (erf)  }
0x1b0: {  	v2 =	vnsel vm10, $0x0, v2  }
0x1b1: {  	[tilespmem:$0x800] =	vst v2  }
0x1b2: {  	[tilespmem:$0x810] =	vst v2  }
0x1b3: {  	v54 =	vld [tilespmem:$0x808];
	_ =	sdelay $0x1  }
0x1b4: {  	v55 =	vsel vm8, v15, v16  }
0x1b5: {  	v8 =	vsel vm9, v20, v55;
	vm8 =	veq.f32 v17, v53  }
0x1b6: {  	v6 =	vnsel vm8, $0x800, v8  }
0x1b7: {  	[tilespmem:$0x880] =	vst v6;
	v4 =	vadd.f32 v54, v2  }
0x1b8: {  	[tilespmem:$0x890] =	vst v6  }
0x1b9: {  	v56 =	vld [tilespmem:$0x888];
	[tilespmem:$0x800] =	vst v4  }
0x1ba: {  	[tilespmem:$0x810] =	vst v4  }
0x1bb: {  	v57 =	vld [tilespmem:$0x804];
	_ =	sdelay $0x2  }
0x1bc: {  	vm8 =	vlt.s32 v6, v56  }
0x1bd: {  	v6 =	vsel vm8, v6, v56  }
0x1be: {  	[tilespmem:$0x880] =	vst v6;
	v4 =	vadd.f32 v57, v4  }
0x1bf: {  	[tilespmem:$0x890] =	vst v6  }
0x1c0: {  	[tilespmem:$0x800] =	vst v4  }
0x1c1: {  	v58 =	vld [tilespmem:$0x884];
	[tilespmem:$0x810] =	vst v4  }
0x1c2: {  	v59 =	vld [tilespmem:$0x802];
	_ =	sdelay $0x3  }
0x1c3: {  	vm8 =	vlt.s32 v6, v58  }
0x1c4: {  	v6 =	vsel vm8, v6, v58;
	v4 =	vadd.f32 v59, v4  }
0x1c5: {  	[tilespmem:$0x880] =	vst v6  }
0x1c6: {  	[tilespmem:$0x800] =	vst v4  }
0x1c7: {  	[tilespmem:$0x810] =	vst v4  }
0x1c8: {  	[tilespmem:$0x890] =	vst v6;
	v60 =	vld [tilespmem:$0x801]  }
0x1c9: {  	v61 =	vld [tilespmem:$0x882];
	_ =	sdelay $0x3  }
0x1ca: {  	v4 =	vadd.f32 v60, v4  }
0x1cb: {  	vm8 =	vlt.s32 v6, v61  }
0x1cc: {  	v6 =	vsel vm8, v6, v61;
	(erf) = vrcp.f32 v4  }
0x1cd: {  	[tilespmem:$0x880] =	vst v6  }
0x1ce: {  	[tilespmem:$0x890] =	vst v6  }
0x1cf: {  	v1 =	vnsel vm7, $0x0, v1;
	v62 =	vld [tilespmem:$0x881]  }
0x1d0: {  	v1 =	vsel vm0, v1, v3  }
0x1d1: {  	v1 =	vsel vm1, v1, v5  }
0x1d2: {  	v1 =	vsel vm2, v1, v7  }
0x1d3: {  	v1 =	vsel vm3, v1, v9  }
0x1d4: {  	v1 =	vsel vm4, v1, v11;
	vm7 =	vlt.s32 v6, v62  }
0x1d5: {  	v1 =	vsel vm5, v1, v13;
	v3 =	vsel vm7, v6, v62;
	v63 =	vpop (erf)  }
0x1d6: {  	v1 =	vsel vm6, v1, v3;
	v2 =	vmul.f32 v63, v2  }
0x1d7: {  	[tilespmem:$0x900] =	vst v1  }
0x1d8: {  	[tilespmem:$0x980] =	vst v2  }
0x1d9: {  	[hbm4b:s4+s2] =	stream.linear.scatter [tilespmem:s8], [sflag:$0x1], $0x10, $0x38;
	[tilespmem:$0xA00] =	vst v63  }
0x1da: {  	s10 =	sadd.s32 $0x1, s10;
	_ =	swait.ge [sflag:s7], $0x10  }
0x1db: {  	p0 =	sne.s32 s10, s6;
	[sflag:s7] =	ssyncset.done $0x0  }
.Ltmp8:
0x1dc: {  	[sflag:s7] =	ssyncadd.s32 $0xFFFFFFF0;
	(pc) =	sbr.rel @p0 .LBB2_1-.Ltmp8, $4  }
0x1dd: {  	[hbm4b:s5+s2] =	stream.linear.scatter [tilespmem:s9], [sflag:$0x1], $0x10, $0x38;
	[tilespmem:$0xA00] =	vst v63  }
0x1de: {  	_ =	swait.ge [sflag:s7], $0x10  }
0x1df: {  	[sflag:s7] =	ssyncset.done $0x0  }
0x1e0: {  	[sflag:s7] =	ssyncadd.s32 $0xFFFFFFF0  }
0x1e1: {  	_ =	sfence.sel $0x180000  }
0x1e2: {  	[bflag:$0x0] =	sbarrier.arrive $0xFFFF  }
0x1e3: {  	p0 =	sne.s32 s1, $0x0;
	_ =	strace $0x90000047  }
0x1e4: {  	s0 =	sadd.s32 @!p0 $0x100000, s0;
	[bflag:$0x2] =	sbarrier.arrive $0xFFFF  }
0x1e5: {  	[sflag:s0] =	ssyncadd.tile.s32 @!p0 $0x1;
	_ =	shalt  }
.Lfunc_end2:
_tile_overlayer_lowered:
.L_overlay_start_2:
0x1e6: {  	(tag) =	ssettag $0x2  }
0x1e7: {  	s0 =	rddreg [dreg:$0x0];
	s2 =	stileid.u32  }
0x1e8: {  	s1 =	rddreg [dreg:$0x1];
	p0 =	sne.s32 s2, $0x0  }
0x1e9: {  	s3 =	rddreg [dreg:$0x2];
	[bflag:$0x3] =	sbarrier.arrive $0xFFFF;
	s2 =	simm.s32 @!p0 $0x1C01  }
0x1ea: {  	[timem:s3], [sflag:s2] =	dma.local @!p0 [hbm:s0], s1  }
0x1eb: {  	s0 =	simm.s32 @!p0 $0x1  }
0x1ec: {  	_ =	swait.ge @!p0 [sflag:s0], s1  }
0x1ed: {  	s1 =	ssub.s32 @!p0 $0x0, s1;
	[sflag:s0] =	ssyncset.done @!p0 $0x0  }
0x1ee: {  	[sflag:s0] =	ssyncadd.s32 @!p0 s1  }
0x1ef: {  	[bflag:$0x3] =	sbarrier.arrive $0xFFFF  }
0x1f0: {  	_ =	shalt  }

</sc_bundles>
